<compile_context>
chip_gen: v7x
topology: tpu7x:2x2x1
jax: 0.10.2.dev20260603
libtpu: 0.0.44.dev20260713+nightly
codegen_flags: <defaults>
</compile_context>

<pallas_src>
import jax
import jax.numpy as jnp
from jax import lax
from jax.experimental import pallas as pl
from jax.experimental.pallas import tpu as pltpu
from jax.experimental.pallas import tpu_sc as plsc

N = 10000
NPAD = 10240
C = 128
E = 320000
R = 8
NBASES = 18
NS = 16
NC = 2
NH = 2
HROWS = NPAD // NH
ACCR = HROWS + 128
DUMPL = HROWS
EPT = E // NS
G = 80
NGRP = 5
CH = G * NGRP
NCHUNK = EPT // CH
RPT = ACCR // NS
NBLK = 10
BLK = NPAD // NBLK


def _sc_body(x_hbm, src_hbm, dst_hbm, et_hbm, acc_hbm, cnt_hbm,
             meta_src, meta_dst, meta_et,
             gsrc0, gsrc1, gsrc2, gsrc3, gsrc4,
             gidx0, gidx1, gidx2, gidx3, gidx4,
             rows0, rows1, rows2, rows3, rows4,
             ones_buf, zrow, zcnt, acc_sh, cnt_sh,
             sem0, sem1, sem2, sem3, sem4):
    core = lax.axis_index("c")
    tid = lax.axis_index("s")
    sems = [sem0, sem1, sem2, sem3, sem4]
    gsrc = [gsrc0, gsrc1, gsrc2, gsrc3, gsrc4]
    gidx = [gidx0, gidx1, gidx2, gidx3, gidx4]
    rows = [rows0, rows1, rows2, rows3, rows4]
    zeros16 = jnp.zeros((16,), jnp.float32)
    ones16 = jnp.ones((16,), jnp.float32)
    dump16 = jnp.full((16,), DUMPL, jnp.int32)

    def _fill_z(i, _):
        for j in range(8):
            zrow[i, pl.ds(j * 16, 16)] = zeros16
        zcnt[i, :] = zeros16
        return 0
    lax.fori_loop(0, 64, _fill_z, 0)

    def _fill_o(i, _):
        ones_buf[i, :] = ones16
        return 0
    lax.fori_loop(0, G, _fill_o, 0)

    row0 = tid * RPT
    ebase = tid * EPT

    def _round(i, _):
        r = core * 4 + i // NH
        h = i % NH
        node0 = h * HROWS

        for k in range(5):
            pltpu.sync_copy(zrow, acc_sh.at[pl.ds(row0 + k * 64, 64)])
            pltpu.sync_copy(zcnt, cnt_sh.at[pl.ds(row0 + k * 64, 64)])
        pltpu.sync_copy(zrow.at[pl.ds(0, RPT - 320)],
                        acc_sh.at[pl.ds(row0 + 320, RPT - 320)])
        pltpu.sync_copy(zcnt.at[pl.ds(0, RPT - 320)],
                        cnt_sh.at[pl.ds(row0 + 320, RPT - 320)])
        plsc.subcore_barrier()

        def _chunk(c, _):
            base = ebase + c * CH
            pltpu.sync_copy(src_hbm.at[pl.ds(base, CH)], meta_src)
            pltpu.sync_copy(dst_hbm.at[pl.ds(base, CH)], meta_dst)
            pltpu.sync_copy(et_hbm.at[pl.ds(base, CH)], meta_et)
            cps = []
            for g in range(NGRP):
                for v in range(G // 16):
                    off = g * G + v * 16
                    s16 = meta_src[pl.ds(off, 16)]
                    d16 = meta_dst[pl.ds(off, 16)]
                    t16 = meta_et[pl.ds(off, 16)]
                    dl = d16 - node0
                    m = (t16 == r) & (dl >= 0) & (dl < HROWS)
                    gsrc[g][pl.ds(v * 16, 16)] = s16
                    gidx[g][pl.ds(v * 16, 16)] = jnp.where(m, dl, dump16)
                cps.append(
                    pltpu.async_copy(x_hbm.at[gsrc[g]], rows[g], sems[g]))
            for g in range(NGRP):
                cps[g].wait()
                pltpu.sync_copy(rows[g], acc_sh.at[gidx[g]], add=True)
                pltpu.sync_copy(ones_buf, cnt_sh.at[gidx[g]], add=True)
            return 0
        lax.fori_loop(0, NCHUNK, _chunk, 0)

        plsc.subcore_barrier()
        pltpu.sync_copy(acc_sh.at[pl.ds(row0, RPT)],
                        acc_hbm.at[r, h, pl.ds(row0, RPT)])
        pltpu.sync_copy(cnt_sh.at[pl.ds(row0, RPT)],
                        cnt_hbm.at[r, h, pl.ds(row0, RPT)])
        plsc.subcore_barrier()
        return 0

    lax.fori_loop(0, 4 * NH, _round, 0)


_sc_agg = pl.kernel(
    _sc_body,
    out_type=(jax.ShapeDtypeStruct((R, NH, ACCR, C), jnp.float32),
              jax.ShapeDtypeStruct((R, NH, ACCR, 16), jnp.float32)),
    mesh=plsc.VectorSubcoreMesh(core_axis_name="c", subcore_axis_name="s",
                                num_cores=NC, num_subcores=NS),
    compiler_params=pltpu.CompilerParams(use_tc_tiling_on_sc=False),
    scratch_types=[
        pltpu.VMEM((CH,), jnp.int32),
        pltpu.VMEM((CH,), jnp.int32),
        pltpu.VMEM((CH,), jnp.int32),
        pltpu.VMEM((G,), jnp.int32),
        pltpu.VMEM((G,), jnp.int32),
        pltpu.VMEM((G,), jnp.int32),
        pltpu.VMEM((G,), jnp.int32),
        pltpu.VMEM((G,), jnp.int32),
        pltpu.VMEM((G,), jnp.int32),
        pltpu.VMEM((G,), jnp.int32),
        pltpu.VMEM((G,), jnp.int32),
        pltpu.VMEM((G,), jnp.int32),
        pltpu.VMEM((G,), jnp.int32),
        pltpu.VMEM((G, C), jnp.float32),
        pltpu.VMEM((G, C), jnp.float32),
        pltpu.VMEM((G, C), jnp.float32),
        pltpu.VMEM((G, C), jnp.float32),
        pltpu.VMEM((G, C), jnp.float32),
        pltpu.VMEM((G, 16), jnp.float32),
        pltpu.VMEM((64, C), jnp.float32),
        pltpu.VMEM((64, 16), jnp.float32),
        pltpu.VMEM_SHARED((ACCR, C), jnp.float32),
        pltpu.VMEM_SHARED((ACCR, 16), jnp.float32),
        pltpu.SemaphoreType.DMA,
        pltpu.SemaphoreType.DMA,
        pltpu.SemaphoreType.DMA,
        pltpu.SemaphoreType.DMA,
        pltpu.SemaphoreType.DMA,
    ],
)


def _tc_body(cm_ref, bias_ref, acc_ref, cnt_ref, x_ref, weight_ref, root_ref,
             out_ref, w_s):
    i = pl.program_id(0)

    @pl.when(i == 0)
    def _():
        for r in range(R):
            wacc = jnp.zeros((C, C), jnp.float32)
            for b in range(NBASES):
                wacc = wacc + cm_ref[r, b] * weight_ref[b]
            w_s[r] = wacc

    o = jnp.dot(x_ref[:], root_ref[:],
                preferred_element_type=jnp.float32) + bias_ref[0:1, :]
    for r in range(R):
        inv = 1.0 / jnp.maximum(cnt_ref[r, 0, :, 0:1], 1.0)
        h = acc_ref[r, 0] * inv
        o = o + jnp.dot(h, w_s[r], preferred_element_type=jnp.float32)
    out_ref[:] = o


def _tc_finish(cm, bias2, acc, cnt, xpad, weight, root):
    nb = HROWS // BLK
    return pl.pallas_call(
        _tc_body,
        grid=(NBLK,),
        in_specs=[
            pl.BlockSpec(memory_space=pltpu.SMEM),
            pl.BlockSpec((R, C), lambda i: (0, 0)),
            pl.BlockSpec((R, 1, BLK, C),
                         lambda i: (0, i // nb, i % nb, 0)),
            pl.BlockSpec((R, 1, BLK, 16),
                         lambda i: (0, i // nb, i % nb, 0)),
            pl.BlockSpec((BLK, C), lambda i: (i, 0)),
            pl.BlockSpec((NBASES, C, C), lambda i: (0, 0, 0)),
            pl.BlockSpec((C, C), lambda i: (0, 0)),
        ],
        out_specs=pl.BlockSpec((BLK, C), lambda i: (i, 0)),
        out_shape=jax.ShapeDtypeStruct((NPAD, C), jnp.float32),
        scratch_shapes=[pltpu.VMEM((R, C, C), jnp.float32)],
    )(cm, bias2, acc, cnt, xpad, weight, root)


def kernel(x, edge_index, edge_type, weight, comp, root, bias, weight_mask):
    src = edge_index[0]
    dst = edge_index[1]
    cm = comp * weight_mask
    acc, cnt = _sc_agg(x, src, dst, edge_type)
    xpad = jnp.pad(x, ((0, NPAD - N), (0, 0)))
    bias2 = jnp.broadcast_to(bias, (R, C))
    out = _tc_finish(cm, bias2, acc, cnt, xpad, weight, root)
    return out[:N]

# --- scband reference (transcript-rebuilt; emitter-appended) ---
"""Pipeline reference for scband-barebone-drgcn-30786325577792 (READ-ONLY COPY).

The authoritative reference and input builder live on the scoring server;
editing this copy changes nothing except your own understanding.
"""

import jax, jax.numpy as jnp
import numpy as np

IN_C = 128
OUT_C = 128
NUM_ACT_REL = 4
NUM_REL = NUM_ACT_REL * 2
NUM_M = 2
NUM_N_STEP = 2
NUM_O_STEP = 1
NUM_N = NUM_N_STEP * NUM_ACT_REL
NUM_O = NUM_O_STEP * NUM_REL
NUM_BASES = NUM_M + NUM_N + NUM_O  # 18
N_NODES = 10000
N_EDGES = 320000


def _build_weight_mask():
    m = np.zeros((NUM_REL, NUM_BASES), dtype=np.float32)
    m[:, :NUM_M] = 1.0
    for row_i in range(NUM_REL):
        for col_i in range(NUM_ACT_REL):
            if row_i == col_i or row_i == col_i + NUM_ACT_REL:
                cc = col_i * NUM_N_STEP
                m[row_i, NUM_M + cc:NUM_M + cc + NUM_N_STEP] = 1.0
        for col_i in range(NUM_REL):
            if row_i == col_i:
                start = NUM_M + NUM_N + col_i * NUM_O_STEP
                end = NUM_M + NUM_N + (col_i + 1) * NUM_O_STEP
                m[row_i, start:end] = 1.0
    return jnp.asarray(m)


def _glorot(key, shape):
    fan_in, fan_out = shape[-2], shape[-1]
    std = (6.0 / (fan_in + fan_out)) ** 0.5
    return jax.random.uniform(key, shape, jnp.float32, -std, std)


def setup_inputs(seed: int = 0) -> dict:
    key = jax.random.key(seed)
    ks = jax.random.split(key, 7)
    x = jax.random.normal(ks[0], (N_NODES, IN_C), jnp.float32)
    edge_index = jax.random.randint(ks[1], (2, N_EDGES), 0, N_NODES, jnp.int32)
    edge_type = jax.random.randint(ks[2], (N_EDGES,), 0, NUM_REL, jnp.int32)
    weight = _glorot(ks[3], (NUM_BASES, IN_C, OUT_C))
    comp = _glorot(ks[4], (NUM_REL, NUM_BASES))
    root = _glorot(ks[5], (IN_C, OUT_C))
    bias = jnp.zeros((OUT_C,), jnp.float32)
    weight_mask = _build_weight_mask()
    return {
        "x": x,
        "edge_index": edge_index,
        "edge_type": edge_type,
        "weight": weight,
        "comp": comp,
        "root": root,
        "bias": bias,
        "weight_mask": weight_mask,
    }


def reference(x, edge_index, edge_type, weight, comp, root, bias, weight_mask):
    # basis-decomposition with masked composition coefficients
    comp_masked = comp * weight_mask  # [R, B]
    w = (comp_masked @ weight.reshape(NUM_BASES, -1)).reshape(NUM_REL, IN_C, OUT_C)
    src = edge_index[0]
    dst = edge_index[1]
    x_src = x[src]  # [E, IN_C] gather
    out = jnp.zeros((N_NODES, OUT_C), jnp.float32)
    for r in range(NUM_REL):
        mask = (edge_type == r).astype(x.dtype)  # [E]
        msgs = x_src * mask[:, None]
        summed = jnp.zeros((N_NODES, IN_C), x.dtype).at[dst].add(msgs)
        cnt = jnp.zeros((N_NODES,), x.dtype).at[dst].add(mask)
        h = summed / jnp.clip(cnt, 1.0, None)[:, None]  # mean aggregation
        out = out + h @ w[r]
    out = out + x @ root + bias
    return out

if __name__ == "__main__":
    import jax
    _d = setup_inputs()
    print(jax.jit(kernel)(*tuple(_d.values())))

</pallas_src>

<mosaic_0001>
#map = affine_map<(d0, d1) -> (0, 0)>
#map1 = affine_map<(d0, d1) -> (0)>
#map2 = affine_map<(d0, d1) -> (0, 0, 0, 0)>
module attributes {stable_mosaic.version = 14 : i64} {
  func.func @_sc_body(%arg0: i32, %arg1: i32, %arg2: memref<10000x128xf32, #tpu.memory_space<hbm>>, %arg3: memref<320000xi32, #tpu.memory_space<hbm>>, %arg4: memref<320000xi32, #tpu.memory_space<hbm>>, %arg5: memref<320000xi32, #tpu.memory_space<hbm>>, %arg6: memref<8x2x5248x128xf32, #tpu.memory_space<hbm>>, %arg7: memref<8x2x5248x16xf32, #tpu.memory_space<hbm>>, %arg8: memref<400xi32, #tpu.memory_space<vmem>>, %arg9: memref<400xi32, #tpu.memory_space<vmem>>, %arg10: memref<400xi32, #tpu.memory_space<vmem>>, %arg11: memref<80xi32, #tpu.memory_space<vmem>>, %arg12: memref<80xi32, #tpu.memory_space<vmem>>, %arg13: memref<80xi32, #tpu.memory_space<vmem>>, %arg14: memref<80xi32, #tpu.memory_space<vmem>>, %arg15: memref<80xi32, #tpu.memory_space<vmem>>, %arg16: memref<80xi32, #tpu.memory_space<vmem>>, %arg17: memref<80xi32, #tpu.memory_space<vmem>>, %arg18: memref<80xi32, #tpu.memory_space<vmem>>, %arg19: memref<80xi32, #tpu.memory_space<vmem>>, %arg20: memref<80xi32, #tpu.memory_space<vmem>>, %arg21: memref<80x128xf32, #tpu.memory_space<vmem>>, %arg22: memref<80x128xf32, #tpu.memory_space<vmem>>, %arg23: memref<80x128xf32, #tpu.memory_space<vmem>>, %arg24: memref<80x128xf32, #tpu.memory_space<vmem>>, %arg25: memref<80x128xf32, #tpu.memory_space<vmem>>, %arg26: memref<80x16xf32, #tpu.memory_space<vmem>>, %arg27: memref<64x128xf32, #tpu.memory_space<vmem>>, %arg28: memref<64x16xf32, #tpu.memory_space<vmem>>, %arg29: memref<5248x128xf32, #tpu.memory_space<vmem_shared>>, %arg30: memref<5248x16xf32, #tpu.memory_space<vmem_shared>>, %arg31: memref<!tpu.dma_semaphore, #tpu.memory_space<semaphore_mem>>, %arg32: memref<!tpu.dma_semaphore, #tpu.memory_space<semaphore_mem>>, %arg33: memref<!tpu.dma_semaphore, #tpu.memory_space<semaphore_mem>>, %arg34: memref<!tpu.dma_semaphore, #tpu.memory_space<semaphore_mem>>, %arg35: memref<!tpu.dma_semaphore, #tpu.memory_space<semaphore_mem>>) attributes {dimension_semantics = [#tpu.dimension_semantics<core_parallel>, #tpu.dimension_semantics<subcore_parallel>], iteration_bounds = array<i64: 2, 16>, scalar_prefetch = 0 : i64, scratch_operands = 28 : i64, tpu.core_type = #tpu.core_type<sc_vector_subcore>, window_params = [{transform_indices = #map}, {transform_indices = #map1}, {transform_indices = #map1}, {transform_indices = #map1}, {transform_indices = #map2}, {transform_indices = #map2}]} {
    %broadcast_in_dim3A = arith.constant 0.000000e+00 : f32
    %broadcast_in_dim3A_0 = vector.broadcast %broadcast_in_dim3A : f32 to vector<16xf32>
    %broadcast_in_dim3A_1 = arith.constant 1.000000e+00 : f32
    %broadcast_in_dim3A_2 = vector.broadcast %broadcast_in_dim3A_1 : f32 to vector<16xf32>
    %broadcast_in_dim3A_3 = arith.constant 5120 : i32
    %broadcast_in_dim3A_4 = vector.broadcast %broadcast_in_dim3A_3 : i32 to vector<16xi32>
    %scan3A = arith.constant 0 : i32
    %scan3A_5 = arith.constant 0 : i32
    %scan3A_6 = arith.constant 64 : i32
    %scan3A_7 = arith.addi %scan3A_5, %scan3A_6 : i32
    %scan3A_8 = arith.constant 1 : i32
    %scan3A_9 = scf.for %scan3A_28 = %scan3A_5 to %scan3A_7 step %scan3A_8 iter_args(%scan3A_29 = %scan3A) -> (i32)  : i32 {
      %swap3A = arith.index_cast %scan3A_28 : i32 to index
      %swap3A_30 = arith.constant 0 : index
      %swap3A_31 = tpu.vector_load %arg27[%swap3A, %swap3A_30] {strides = array<i32>} : memref<64x128xf32, #tpu.memory_space<vmem>>, vector<1x16xf32>,
      %swap3A_32 = vector.shape_cast %swap3A_31 : vector<1x16xf32> to vector<16xf32>
      %swap3A_33 = vector.shape_cast %broadcast_in_dim3A_0 : vector<16xf32> to vector<1x16xf32>
      tpu.vector_store %arg27[%swap3A, %swap3A_30], %swap3A_33 {strides = array<i32>} : memref<64x128xf32, #tpu.memory_space<vmem>>, vector<1x16xf32>,
      %swap3A_34 = arith.index_cast %scan3A_28 : i32 to index
      %swap3A_35 = arith.constant 16 : index
      %swap3A_36 = tpu.vector_load %arg27[%swap3A_34, %swap3A_35] {strides = array<i32>} : memref<64x128xf32, #tpu.memory_space<vmem>>, vector<1x16xf32>,
      %swap3A_37 = vector.shape_cast %swap3A_36 : vector<1x16xf32> to vector<16xf32>
      %swap3A_38 = vector.shape_cast %broadcast_in_dim3A_0 : vector<16xf32> to vector<1x16xf32>
      tpu.vector_store %arg27[%swap3A_34, %swap3A_35], %swap3A_38 {strides = array<i32>} : memref<64x128xf32, #tpu.memory_space<vmem>>, vector<1x16xf32>,
      %swap3A_39 = arith.index_cast %scan3A_28 : i32 to index
      %swap3A_40 = arith.constant 32 : index
      %swap3A_41 = tpu.vector_load %arg27[%swap3A_39, %swap3A_40] {strides = array<i32>} : memref<64x128xf32, #tpu.memory_space<vmem>>, vector<1x16xf32>,
      %swap3A_42 = vector.shape_cast %swap3A_41 : vector<1x16xf32> to vector<16xf32>
      %swap3A_43 = vector.shape_cast %broadcast_in_dim3A_0 : vector<16xf32> to vector<1x16xf32>
      tpu.vector_store %arg27[%swap3A_39, %swap3A_40], %swap3A_43 {strides = array<i32>} : memref<64x128xf32, #tpu.memory_space<vmem>>, vector<1x16xf32>,
      %swap3A_44 = arith.index_cast %scan3A_28 : i32 to index
      %swap3A_45 = arith.constant 48 : index
      %swap3A_46 = tpu.vector_load %arg27[%swap3A_44, %swap3A_45] {strides = array<i32>} : memref<64x128xf32, #tpu.memory_space<vmem>>, vector<1x16xf32>,
      %swap3A_47 = vector.shape_cast %swap3A_46 : vector<1x16xf32> to vector<16xf32>
      %swap3A_48 = vector.shape_cast %broadcast_in_dim3A_0 : vector<16xf32> to vector<1x16xf32>
      tpu.vector_store %arg27[%swap3A_44, %swap3A_45], %swap3A_48 {strides = array<i32>} : memref<64x128xf32, #tpu.memory_space<vmem>>, vector<1x16xf32>,
      %swap3A_49 = arith.index_cast %scan3A_28 : i32 to index
      %swap3A_50 = arith.constant 64 : index
      %swap3A_51 = tpu.vector_load %arg27[%swap3A_49, %swap3A_50] {strides = array<i32>} : memref<64x128xf32, #tpu.memory_space<vmem>>, vector<1x16xf32>,
      %swap3A_52 = vector.shape_cast %swap3A_51 : vector<1x16xf32> to vector<16xf32>
      %swap3A_53 = vector.shape_cast %broadcast_in_dim3A_0 : vector<16xf32> to vector<1x16xf32>
      tpu.vector_store %arg27[%swap3A_49, %swap3A_50], %swap3A_53 {strides = array<i32>} : memref<64x128xf32, #tpu.memory_space<vmem>>, vector<1x16xf32>,
      %swap3A_54 = arith.index_cast %scan3A_28 : i32 to index
      %swap3A_55 = arith.constant 80 : index
      %swap3A_56 = tpu.vector_load %arg27[%swap3A_54, %swap3A_55] {strides = array<i32>} : memref<64x128xf32, #tpu.memory_space<vmem>>, vector<1x16xf32>,
      %swap3A_57 = vector.shape_cast %swap3A_56 : vector<1x16xf32> to vector<16xf32>
      %swap3A_58 = vector.shape_cast %broadcast_in_dim3A_0 : vector<16xf32> to vector<1x16xf32>
      tpu.vector_store %arg27[%swap3A_54, %swap3A_55], %swap3A_58 {strides = array<i32>} : memref<64x128xf32, #tpu.memory_space<vmem>>, vector<1x16xf32>,
      %swap3A_59 = arith.index_cast %scan3A_28 : i32 to index
      %swap3A_60 = arith.constant 96 : index
      %swap3A_61 = tpu.vector_load %arg27[%swap3A_59, %swap3A_60] {strides = array<i32>} : memref<64x128xf32, #tpu.memory_space<vmem>>, vector<1x16xf32>,
      %swap3A_62 = vector.shape_cast %swap3A_61 : vector<1x16xf32> to vector<16xf32>
      %swap3A_63 = vector.shape_cast %broadcast_in_dim3A_0 : vector<16xf32> to vector<1x16xf32>
      tpu.vector_store %arg27[%swap3A_59, %swap3A_60], %swap3A_63 {strides = array<i32>} : memref<64x128xf32, #tpu.memory_space<vmem>>, vector<1x16xf32>,
      %swap3A_64 = arith.index_cast %scan3A_28 : i32 to index
      %swap3A_65 = arith.constant 112 : index
      %swap3A_66 = tpu.vector_load %arg27[%swap3A_64, %swap3A_65] {strides = array<i32>} : memref<64x128xf32, #tpu.memory_space<vmem>>, vector<1x16xf32>,
      %swap3A_67 = vector.shape_cast %swap3A_66 : vector<1x16xf32> to vector<16xf32>
      %swap3A_68 = vector.shape_cast %broadcast_in_dim3A_0 : vector<16xf32> to vector<1x16xf32>
      tpu.vector_store %arg27[%swap3A_64, %swap3A_65], %swap3A_68 {strides = array<i32>} : memref<64x128xf32, #tpu.memory_space<vmem>>, vector<1x16xf32>,
      %swap3A_69 = arith.index_cast %scan3A_28 : i32 to index
      %swap3A_70 = arith.constant 0 : index
      %swap3A_71 = tpu.vector_load %arg28[%swap3A_69, %swap3A_70] {strides = array<i32>} : memref<64x16xf32, #tpu.memory_space<vmem>>, vector<1x16xf32>,
      %swap3A_72 = vector.shape_cast %swap3A_71 : vector<1x16xf32> to vector<16xf32>
      %swap3A_73 = vector.shape_cast %broadcast_in_dim3A_0 : vector<16xf32> to vector<1x16xf32>
      tpu.vector_store %arg28[%swap3A_69, %swap3A_70], %swap3A_73 {strides = array<i32>} : memref<64x16xf32, #tpu.memory_space<vmem>>, vector<1x16xf32>,
      %scan3A_74 = arith.constant 0 : i32
      scf.yield %scan3A_74 : i32
    }
    %scan3A_10 = arith.constant 64 : i32
    %scan3A_11 = arith.constant 0 : i32
    %scan3A_12 = arith.constant 0 : i32
    %scan3A_13 = arith.constant 80 : i32
    %scan3A_14 = arith.addi %scan3A_12, %scan3A_13 : i32
    %scan3A_15 = arith.constant 1 : i32
    %scan3A_16 = scf.for %scan3A_28 = %scan3A_12 to %scan3A_14 step %scan3A_15 iter_args(%scan3A_29 = %scan3A_11) -> (i32)  : i32 {
      %swap3A = arith.index_cast %scan3A_28 : i32 to index
      %swap3A_30 = arith.constant 0 : index
      %swap3A_31 = tpu.vector_load %arg26[%swap3A, %swap3A_30] {strides = array<i32>} : memref<80x16xf32, #tpu.memory_space<vmem>>, vector<1x16xf32>,
      %swap3A_32 = vector.shape_cast %swap3A_31 : vector<1x16xf32> to vector<16xf32>
      %swap3A_33 = vector.shape_cast %broadcast_in_dim3A_2 : vector<16xf32> to vector<1x16xf32>
      tpu.vector_store %arg26[%swap3A, %swap3A_30], %swap3A_33 {strides = array<i32>} : memref<80x16xf32, #tpu.memory_space<vmem>>, vector<1x16xf32>,
      %scan3A_34 = arith.constant 0 : i32
      scf.yield %scan3A_34 : i32
    }
    %scan3A_17 = arith.constant 80 : i32
    %mul3A = arith.constant 328 : i32
    %mul3A_18 = arith.muli %arg1, %mul3A : i32
    %mul3A_19 = arith.constant 20000 : i32
    %mul3A_20 = arith.muli %arg1, %mul3A_19 : i32
    %scan3A_21 = arith.constant 0 : i32
    %scan3A_22 = arith.constant 0 : i32
    %scan3A_23 = arith.constant 8 : i32
    %scan3A_24 = arith.addi %scan3A_22, %scan3A_23 : i32
    %scan3A_25 = arith.constant 1 : i32
    %scan3A_26 = scf.for %scan3A_28 = %scan3A_22 to %scan3A_24 step %scan3A_25 iter_args(%scan3A_29 = %scan3A_21) -> (i32)  : i32 {
      %mul3A_30 = arith.constant 4 : i32
      %mul3A_31 = arith.muli %arg0, %mul3A_30 : i32
      %jit3A = arith.constant 2 : i32
      %div3A = arith.divsi %scan3A_28, %jit3A : i32
      %sign3A = arith.constant 0 : i32
      %sign3A_32 = arith.cmpi sgt, %scan3A_28, %sign3A : i32
      %sign3A_33 = arith.extui %sign3A_32 : i1 to i32
      %sign3A_34 = arith.constant 0 : i32
      %sign3A_35 = arith.cmpi slt, %scan3A_28, %sign3A_34 : i32
      %sign3A_36 = arith.extui %sign3A_35 : i1 to i32
      %sign3A_37 = arith.subi %sign3A_33, %sign3A_36 : i32
      %sign3A_38 = arith.constant 0 : i32
      %sign3A_39 = arith.cmpi sgt, %jit3A, %sign3A_38 : i32
      %sign3A_40 = arith.extui %sign3A_39 : i1 to i32
      %sign3A_41 = arith.constant 0 : i32
      %sign3A_42 = arith.cmpi slt, %jit3A, %sign3A_41 : i32
      %sign3A_43 = arith.extui %sign3A_42 : i1 to i32
      %sign3A_44 = arith.subi %sign3A_40, %sign3A_43 : i32
      %ne3A = arith.cmpi ne, %sign3A_37, %sign3A_44 : i32
      %rem3A = arith.remsi %scan3A_28, %jit3A : i32
      %ne3A_45 = arith.constant 0 : i32
      %ne3A_46 = arith.cmpi ne, %rem3A, %ne3A_45 : i32
      %and3A = arith.andi %ne3A, %ne3A_46 : i1
      %sub3A = arith.constant 1 : i32
      %sub3A_47 = arith.subi %div3A, %sub3A : i32
      %select_n3A = arith.select %and3A, %sub3A_47, %div3A : i32
      %add3A = arith.addi %mul3A_31, %select_n3A : i32
      %jit3A_48 = arith.constant 2 : i32
      %eq3A = arith.constant 0 : i32
      %eq3A_49 = arith.cmpi eq, %jit3A_48, %eq3A : i32
      %jit3A_50 = arith.constant 1 : i32
      %select_n3A_51 = arith.select %eq3A_49, %jit3A_50, %jit3A_48 : i32
      %rem3A_52 = arith.remsi %scan3A_28, %select_n3A_51 : i32
      %ne3A_53 = arith.constant 0 : i32
      %ne3A_54 = arith.cmpi ne, %rem3A_52, %ne3A_53 : i32
      %lt3A = arith.constant 0 : i32
      %lt3A_55 = arith.cmpi slt, %rem3A_52, %lt3A : i32
      %lt3A_56 = arith.constant 0 : i32
      %lt3A_57 = arith.cmpi slt, %select_n3A_51, %lt3A_56 : i32
      %ne3A_58 = arith.xori %lt3A_55, %lt3A_57 : i1
      %and3A_59 = arith.andi %ne3A_58, %ne3A_54 : i1
      %add3A_60 = arith.addi %rem3A_52, %select_n3A_51 : i32
      %select_n3A_61 = arith.select %and3A_59, %add3A_60, %rem3A_52 : i32
      %mul3A_62 = arith.constant 5120 : i32
      %mul3A_63 = arith.muli %select_n3A_61, %mul3A_62 : i32
      %add3A_64 = arith.constant 0 : i32
      %add3A_65 = arith.addi %mul3A_18, %add3A_64 : i32
      "tpu.region"() ({
        %run_scoped3A = tpu.sem_alloc : memref<!tpu.dma_semaphore, #tpu.memory_space<semaphore_mem>>
        %dma_start3A = arith.constant 0 : i32
        %dma_start3A_98 = tpu.memref_slice %arg29[%add3A_65, %dma_start3A] : memref<5248x128xf32, #tpu.memory_space<vmem_shared>> -> memref<64x128xf32, #tpu.memory_space<vmem_shared>>
        %dma_start3A_99 = arith.constant 0 : i32
        %dma_start3A_100 = tpu.memref_slice %arg29[%add3A_65, %dma_start3A_99] : memref<5248x128xf32, #tpu.memory_space<vmem_shared>> -> memref<64x128xf32, #tpu.memory_space<vmem_shared>>
        tpu.enqueue_dma source(%arg27 : memref<64x128xf32, #tpu.memory_space<vmem>>) target(%dma_start3A_100 : memref<64x128xf32, #tpu.memory_space<vmem_shared>>) target_semaphore(%run_scoped3A : memref<!tpu.dma_semaphore, #tpu.memory_space<semaphore_mem>>)
        %dma_wait3A = arith.constant 0 : i32
        %dma_wait3A_101 = tpu.memref_slice %arg29[%add3A_65, %dma_wait3A] : memref<5248x128xf32, #tpu.memory_space<vmem_shared>> -> memref<64x128xf32, #tpu.memory_space<vmem_shared>>
        %dma_wait3A_102 = arith.constant 0 : i32
        %dma_wait3A_103 = tpu.memref_slice %arg29[%add3A_65, %dma_wait3A_102] : memref<5248x128xf32, #tpu.memory_space<vmem_shared>> -> memref<64x128xf32, #tpu.memory_space<vmem_shared>>
        tpu.wait_dma2 semaphore(%run_scoped3A : memref<!tpu.dma_semaphore, #tpu.memory_space<semaphore_mem>>) src(%arg27 : memref<64x128xf32, #tpu.memory_space<vmem>>) dst(%dma_wait3A_103 : memref<64x128xf32, #tpu.memory_space<vmem_shared>>)
        tpu.yield
      }) : () -> ()
      %add3A_66 = arith.constant 0 : i32
      %add3A_67 = arith.addi %mul3A_18, %add3A_66 : i32
      "tpu.region"() ({
        %run_scoped3A = tpu.sem_alloc : memref<!tpu.dma_semaphore, #tpu.memory_space<semaphore_mem>>
        %dma_start3A = arith.constant 0 : i32
        %dma_start3A_98 = tpu.memref_slice %arg30[%add3A_67, %dma_start3A] : memref<5248x16xf32, #tpu.memory_space<vmem_shared>> -> memref<64x16xf32, #tpu.memory_space<vmem_shared>>
        %dma_start3A_99 = arith.constant 0 : i32
        %dma_start3A_100 = tpu.memref_slice %arg30[%add3A_67, %dma_start3A_99] : memref<5248x16xf32, #tpu.memory_space<vmem_shared>> -> memref<64x16xf32, #tpu.memory_space<vmem_shared>>
        tpu.enqueue_dma source(%arg28 : memref<64x16xf32, #tpu.memory_space<vmem>>) target(%dma_start3A_100 : memref<64x16xf32, #tpu.memory_space<vmem_shared>>) target_semaphore(%run_scoped3A : memref<!tpu.dma_semaphore, #tpu.memory_space<semaphore_mem>>)
        %dma_wait3A = arith.constant 0 : i32
        %dma_wait3A_101 = tpu.memref_slice %arg30[%add3A_67, %dma_wait3A] : memref<5248x16xf32, #tpu.memory_space<vmem_shared>> -> memref<64x16xf32, #tpu.memory_space<vmem_shared>>
        %dma_wait3A_102 = arith.constant 0 : i32
        %dma_wait3A_103 = tpu.memref_slice %arg30[%add3A_67, %dma_wait3A_102] : memref<5248x16xf32, #tpu.memory_space<vmem_shared>> -> memref<64x16xf32, #tpu.memory_space<vmem_shared>>
        tpu.wait_dma2 semaphore(%run_scoped3A : memref<!tpu.dma_semaphore, #tpu.memory_space<semaphore_mem>>) src(%arg28 : memref<64x16xf32, #tpu.memory_space<vmem>>) dst(%dma_wait3A_103 : memref<64x16xf32, #tpu.memory_space<vmem_shared>>)
        tpu.yield
      }) : () -> ()
      %add3A_68 = arith.constant 64 : i32
      %add3A_69 = arith.addi %mul3A_18, %add3A_68 : i32
      "tpu.region"() ({
        %run_scoped3A = tpu.sem_alloc : memref<!tpu.dma_semaphore, #tpu.memory_space<semaphore_mem>>
        %dma_start3A = arith.constant 0 : i32
        %dma_start3A_98 = tpu.memref_slice %arg29[%add3A_69, %dma_start3A] : memref<5248x128xf32, #tpu.memory_space<vmem_shared>> -> memref<64x128xf32, #tpu.memory_space<vmem_shared>>
        %dma_start3A_99 = arith.constant 0 : i32
        %dma_start3A_100 = tpu.memref_slice %arg29[%add3A_69, %dma_start3A_99] : memref<5248x128xf32, #tpu.memory_space<vmem_shared>> -> memref<64x128xf32, #tpu.memory_space<vmem_shared>>
        tpu.enqueue_dma source(%arg27 : memref<64x128xf32, #tpu.memory_space<vmem>>) target(%dma_start3A_100 : memref<64x128xf32, #tpu.memory_space<vmem_shared>>) target_semaphore(%run_scoped3A : memref<!tpu.dma_semaphore, #tpu.memory_space<semaphore_mem>>)
        %dma_wait3A = arith.constant 0 : i32
        %dma_wait3A_101 = tpu.memref_slice %arg29[%add3A_69, %dma_wait3A] : memref<5248x128xf32, #tpu.memory_space<vmem_shared>> -> memref<64x128xf32, #tpu.memory_space<vmem_shared>>
        %dma_wait3A_102 = arith.constant 0 : i32
        %dma_wait3A_103 = tpu.memref_slice %arg29[%add3A_69, %dma_wait3A_102] : memref<5248x128xf32, #tpu.memory_space<vmem_shared>> -> memref<64x128xf32, #tpu.memory_space<vmem_shared>>
        tpu.wait_dma2 semaphore(%run_scoped3A : memref<!tpu.dma_semaphore, #tpu.memory_space<semaphore_mem>>) src(%arg27 : memref<64x128xf32, #tpu.memory_space<vmem>>) dst(%dma_wait3A_103 : memref<64x128xf32, #tpu.memory_space<vmem_shared>>)
        tpu.yield
      }) : () -> ()
      %add3A_70 = arith.constant 64 : i32
      %add3A_71 = arith.addi %mul3A_18, %add3A_70 : i32
      "tpu.region"() ({
        %run_scoped3A = tpu.sem_alloc : memref<!tpu.dma_semaphore, #tpu.memory_space<semaphore_mem>>
        %dma_start3A = arith.constant 0 : i32
        %dma_start3A_98 = tpu.memref_slice %arg30[%add3A_71, %dma_start3A] : memref<5248x16xf32, #tpu.memory_space<vmem_shared>> -> memref<64x16xf32, #tpu.memory_space<vmem_shared>>
        %dma_start3A_99 = arith.constant 0 : i32
        %dma_start3A_100 = tpu.memref_slice %arg30[%add3A_71, %dma_start3A_99] : memref<5248x16xf32, #tpu.memory_space<vmem_shared>> -> memref<64x16xf32, #tpu.memory_space<vmem_shared>>
        tpu.enqueue_dma source(%arg28 : memref<64x16xf32, #tpu.memory_space<vmem>>) target(%dma_start3A_100 : memref<64x16xf32, #tpu.memory_space<vmem_shared>>) target_semaphore(%run_scoped3A : memref<!tpu.dma_semaphore, #tpu.memory_space<semaphore_mem>>)
        %dma_wait3A = arith.constant 0 : i32
        %dma_wait3A_101 = tpu.memref_slice %arg30[%add3A_71, %dma_wait3A] : memref<5248x16xf32, #tpu.memory_space<vmem_shared>> -> memref<64x16xf32, #tpu.memory_space<vmem_shared>>
        %dma_wait3A_102 = arith.constant 0 : i32
        %dma_wait3A_103 = tpu.memref_slice %arg30[%add3A_71, %dma_wait3A_102] : memref<5248x16xf32, #tpu.memory_space<vmem_shared>> -> memref<64x16xf32, #tpu.memory_space<vmem_shared>>
        tpu.wait_dma2 semaphore(%run_scoped3A : memref<!tpu.dma_semaphore, #tpu.memory_space<semaphore_mem>>) src(%arg28 : memref<64x16xf32, #tpu.memory_space<vmem>>) dst(%dma_wait3A_103 : memref<64x16xf32, #tpu.memory_space<vmem_shared>>)
        tpu.yield
      }) : () -> ()
      %add3A_72 = arith.constant 128 : i32
      %add3A_73 = arith.addi %mul3A_18, %add3A_72 : i32
      "tpu.region"() ({
        %run_scoped3A = tpu.sem_alloc : memref<!tpu.dma_semaphore, #tpu.memory_space<semaphore_mem>>
        %dma_start3A = arith.constant 0 : i32
        %dma_start3A_98 = tpu.memref_slice %arg29[%add3A_73, %dma_start3A] : memref<5248x128xf32, #tpu.memory_space<vmem_shared>> -> memref<64x128xf32, #tpu.memory_space<vmem_shared>>
        %dma_start3A_99 = arith.constant 0 : i32
        %dma_start3A_100 = tpu.memref_slice %arg29[%add3A_73, %dma_start3A_99] : memref<5248x128xf32, #tpu.memory_space<vmem_shared>> -> memref<64x128xf32, #tpu.memory_space<vmem_shared>>
        tpu.enqueue_dma source(%arg27 : memref<64x128xf32, #tpu.memory_space<vmem>>) target(%dma_start3A_100 : memref<64x128xf32, #tpu.memory_space<vmem_shared>>) target_semaphore(%run_scoped3A : memref<!tpu.dma_semaphore, #tpu.memory_space<semaphore_mem>>)
        %dma_wait3A = arith.constant 0 : i32
        %dma_wait3A_101 = tpu.memref_slice %arg29[%add3A_73, %dma_wait3A] : memref<5248x128xf32, #tpu.memory_space<vmem_shared>> -> memref<64x128xf32, #tpu.memory_space<vmem_shared>>
        %dma_wait3A_102 = arith.constant 0 : i32
        %dma_wait3A_103 = tpu.memref_slice %arg29[%add3A_73, %dma_wait3A_102] : memref<5248x128xf32, #tpu.memory_space<vmem_shared>> -> memref<64x128xf32, #tpu.memory_space<vmem_shared>>
        tpu.wait_dma2 semaphore(%run_scoped3A : memref<!tpu.dma_semaphore, #tpu.memory_space<semaphore_mem>>) src(%arg27 : memref<64x128xf32, #tpu.memory_space<vmem>>) dst(%dma_wait3A_103 : memref<64x128xf32, #tpu.memory_space<vmem_shared>>)
        tpu.yield
      }) : () -> ()
      %add3A_74 = arith.constant 128 : i32
      %add3A_75 = arith.addi %mul3A_18, %add3A_74 : i32
      "tpu.region"() ({
        %run_scoped3A = tpu.sem_alloc : memref<!tpu.dma_semaphore, #tpu.memory_space<semaphore_mem>>
        %dma_start3A = arith.constant 0 : i32
        %dma_start3A_98 = tpu.memref_slice %arg30[%add3A_75, %dma_start3A] : memref<5248x16xf32, #tpu.memory_space<vmem_shared>> -> memref<64x16xf32, #tpu.memory_space<vmem_shared>>
        %dma_start3A_99 = arith.constant 0 : i32
        %dma_start3A_100 = tpu.memref_slice %arg30[%add3A_75, %dma_start3A_99] : memref<5248x16xf32, #tpu.memory_space<vmem_shared>> -> memref<64x16xf32, #tpu.memory_space<vmem_shared>>
        tpu.enqueue_dma source(%arg28 : memref<64x16xf32, #tpu.memory_space<vmem>>) target(%dma_start3A_100 : memref<64x16xf32, #tpu.memory_space<vmem_shared>>) target_semaphore(%run_scoped3A : memref<!tpu.dma_semaphore, #tpu.memory_space<semaphore_mem>>)
        %dma_wait3A = arith.constant 0 : i32
        %dma_wait3A_101 = tpu.memref_slice %arg30[%add3A_75, %dma_wait3A] : memref<5248x16xf32, #tpu.memory_space<vmem_shared>> -> memref<64x16xf32, #tpu.memory_space<vmem_shared>>
        %dma_wait3A_102 = arith.constant 0 : i32
        %dma_wait3A_103 = tpu.memref_slice %arg30[%add3A_75, %dma_wait3A_102] : memref<5248x16xf32, #tpu.memory_space<vmem_shared>> -> memref<64x16xf32, #tpu.memory_space<vmem_shared>>
        tpu.wait_dma2 semaphore(%run_scoped3A : memref<!tpu.dma_semaphore, #tpu.memory_space<semaphore_mem>>) src(%arg28 : memref<64x16xf32, #tpu.memory_space<vmem>>) dst(%dma_wait3A_103 : memref<64x16xf32, #tpu.memory_space<vmem_shared>>)
        tpu.yield
      }) : () -> ()
      %add3A_76 = arith.constant 192 : i32
      %add3A_77 = arith.addi %mul3A_18, %add3A_76 : i32
      "tpu.region"() ({
        %run_scoped3A = tpu.sem_alloc : memref<!tpu.dma_semaphore, #tpu.memory_space<semaphore_mem>>
        %dma_start3A = arith.constant 0 : i32
        %dma_start3A_98 = tpu.memref_slice %arg29[%add3A_77, %dma_start3A] : memref<5248x128xf32, #tpu.memory_space<vmem_shared>> -> memref<64x128xf32, #tpu.memory_space<vmem_shared>>
        %dma_start3A_99 = arith.constant 0 : i32
        %dma_start3A_100 = tpu.memref_slice %arg29[%add3A_77, %dma_start3A_99] : memref<5248x128xf32, #tpu.memory_space<vmem_shared>> -> memref<64x128xf32, #tpu.memory_space<vmem_shared>>
        tpu.enqueue_dma source(%arg27 : memref<64x128xf32, #tpu.memory_space<vmem>>) target(%dma_start3A_100 : memref<64x128xf32, #tpu.memory_space<vmem_shared>>) target_semaphore(%run_scoped3A : memref<!tpu.dma_semaphore, #tpu.memory_space<semaphore_mem>>)
        %dma_wait3A = arith.constant 0 : i32
        %dma_wait3A_101 = tpu.memref_slice %arg29[%add3A_77, %dma_wait3A] : memref<5248x128xf32, #tpu.memory_space<vmem_shared>> -> memref<64x128xf32, #tpu.memory_space<vmem_shared>>
        %dma_wait3A_102 = arith.constant 0 : i32
        %dma_wait3A_103 = tpu.memref_slice %arg29[%add3A_77, %dma_wait3A_102] : memref<5248x128xf32, #tpu.memory_space<vmem_shared>> -> memref<64x128xf32, #tpu.memory_space<vmem_shared>>
        tpu.wait_dma2 semaphore(%run_scoped3A : memref<!tpu.dma_semaphore, #tpu.memory_space<semaphore_mem>>) src(%arg27 : memref<64x128xf32, #tpu.memory_space<vmem>>) dst(%dma_wait3A_103 : memref<64x128xf32, #tpu.memory_space<vmem_shared>>)
        tpu.yield
      }) : () -> ()
      %add3A_78 = arith.constant 192 : i32
      %add3A_79 = arith.addi %mul3A_18, %add3A_78 : i32
      "tpu.region"() ({
        %run_scoped3A = tpu.sem_alloc : memref<!tpu.dma_semaphore, #tpu.memory_space<semaphore_mem>>
        %dma_start3A = arith.constant 0 : i32
        %dma_start3A_98 = tpu.memref_slice %arg30[%add3A_79, %dma_start3A] : memref<5248x16xf32, #tpu.memory_space<vmem_shared>> -> memref<64x16xf32, #tpu.memory_space<vmem_shared>>
        %dma_start3A_99 = arith.constant 0 : i32
        %dma_start3A_100 = tpu.memref_slice %arg30[%add3A_79, %dma_start3A_99] : memref<5248x16xf32, #tpu.memory_space<vmem_shared>> -> memref<64x16xf32, #tpu.memory_space<vmem_shared>>
        tpu.enqueue_dma source(%arg28 : memref<64x16xf32, #tpu.memory_space<vmem>>) target(%dma_start3A_100 : memref<64x16xf32, #tpu.memory_space<vmem_shared>>) target_semaphore(%run_scoped3A : memref<!tpu.dma_semaphore, #tpu.memory_space<semaphore_mem>>)
        %dma_wait3A = arith.constant 0 : i32
        %dma_wait3A_101 = tpu.memref_slice %arg30[%add3A_79, %dma_wait3A] : memref<5248x16xf32, #tpu.memory_space<vmem_shared>> -> memref<64x16xf32, #tpu.memory_space<vmem_shared>>
        %dma_wait3A_102 = arith.constant 0 : i32
        %dma_wait3A_103 = tpu.memref_slice %arg30[%add3A_79, %dma_wait3A_102] : memref<5248x16xf32, #tpu.memory_space<vmem_shared>> -> memref<64x16xf32, #tpu.memory_space<vmem_shared>>
        tpu.wait_dma2 semaphore(%run_scoped3A : memref<!tpu.dma_semaphore, #tpu.memory_space<semaphore_mem>>) src(%arg28 : memref<64x16xf32, #tpu.memory_space<vmem>>) dst(%dma_wait3A_103 : memref<64x16xf32, #tpu.memory_space<vmem_shared>>)
        tpu.yield
      }) : () -> ()
      %add3A_80 = arith.constant 256 : i32
      %add3A_81 = arith.addi %mul3A_18, %add3A_80 : i32
      "tpu.region"() ({
        %run_scoped3A = tpu.sem_alloc : memref<!tpu.dma_semaphore, #tpu.memory_space<semaphore_mem>>
        %dma_start3A = arith.constant 0 : i32
        %dma_start3A_98 = tpu.memref_slice %arg29[%add3A_81, %dma_start3A] : memref<5248x128xf32, #tpu.memory_space<vmem_shared>> -> memref<64x128xf32, #tpu.memory_space<vmem_shared>>
        %dma_start3A_99 = arith.constant 0 : i32
        %dma_start3A_100 = tpu.memref_slice %arg29[%add3A_81, %dma_start3A_99] : memref<5248x128xf32, #tpu.memory_space<vmem_shared>> -> memref<64x128xf32, #tpu.memory_space<vmem_shared>>
        tpu.enqueue_dma source(%arg27 : memref<64x128xf32, #tpu.memory_space<vmem>>) target(%dma_start3A_100 : memref<64x128xf32, #tpu.memory_space<vmem_shared>>) target_semaphore(%run_scoped3A : memref<!tpu.dma_semaphore, #tpu.memory_space<semaphore_mem>>)
        %dma_wait3A = arith.constant 0 : i32
        %dma_wait3A_101 = tpu.memref_slice %arg29[%add3A_81, %dma_wait3A] : memref<5248x128xf32, #tpu.memory_space<vmem_shared>> -> memref<64x128xf32, #tpu.memory_space<vmem_shared>>
        %dma_wait3A_102 = arith.constant 0 : i32
        %dma_wait3A_103 = tpu.memref_slice %arg29[%add3A_81, %dma_wait3A_102] : memref<5248x128xf32, #tpu.memory_space<vmem_shared>> -> memref<64x128xf32, #tpu.memory_space<vmem_shared>>
        tpu.wait_dma2 semaphore(%run_scoped3A : memref<!tpu.dma_semaphore, #tpu.memory_space<semaphore_mem>>) src(%arg27 : memref<64x128xf32, #tpu.memory_space<vmem>>) dst(%dma_wait3A_103 : memref<64x128xf32, #tpu.memory_space<vmem_shared>>)
        tpu.yield
      }) : () -> ()
      %add3A_82 = arith.constant 256 : i32
      %add3A_83 = arith.addi %mul3A_18, %add3A_82 : i32
      "tpu.region"() ({
        %run_scoped3A = tpu.sem_alloc : memref<!tpu.dma_semaphore, #tpu.memory_space<semaphore_mem>>
        %dma_start3A = arith.constant 0 : i32
        %dma_start3A_98 = tpu.memref_slice %arg30[%add3A_83, %dma_start3A] : memref<5248x16xf32, #tpu.memory_space<vmem_shared>> -> memref<64x16xf32, #tpu.memory_space<vmem_shared>>
        %dma_start3A_99 = arith.constant 0 : i32
        %dma_start3A_100 = tpu.memref_slice %arg30[%add3A_83, %dma_start3A_99] : memref<5248x16xf32, #tpu.memory_space<vmem_shared>> -> memref<64x16xf32, #tpu.memory_space<vmem_shared>>
        tpu.enqueue_dma source(%arg28 : memref<64x16xf32, #tpu.memory_space<vmem>>) target(%dma_start3A_100 : memref<64x16xf32, #tpu.memory_space<vmem_shared>>) target_semaphore(%run_scoped3A : memref<!tpu.dma_semaphore, #tpu.memory_space<semaphore_mem>>)
        %dma_wait3A = arith.constant 0 : i32
        %dma_wait3A_101 = tpu.memref_slice %arg30[%add3A_83, %dma_wait3A] : memref<5248x16xf32, #tpu.memory_space<vmem_shared>> -> memref<64x16xf32, #tpu.memory_space<vmem_shared>>
        %dma_wait3A_102 = arith.constant 0 : i32
        %dma_wait3A_103 = tpu.memref_slice %arg30[%add3A_83, %dma_wait3A_102] : memref<5248x16xf32, #tpu.memory_space<vmem_shared>> -> memref<64x16xf32, #tpu.memory_space<vmem_shared>>
        tpu.wait_dma2 semaphore(%run_scoped3A : memref<!tpu.dma_semaphore, #tpu.memory_space<semaphore_mem>>) src(%arg28 : memref<64x16xf32, #tpu.memory_space<vmem>>) dst(%dma_wait3A_103 : memref<64x16xf32, #tpu.memory_space<vmem_shared>>)
        tpu.yield
      }) : () -> ()
      %add3A_84 = arith.constant 320 : i32
      %add3A_85 = arith.addi %mul3A_18, %add3A_84 : i32
      "tpu.region"() ({
        %run_scoped3A = tpu.sem_alloc : memref<!tpu.dma_semaphore, #tpu.memory_space<semaphore_mem>>
        %dma_start3A = arith.constant 0 : i32
        %dma_start3A_98 = arith.constant 0 : i32
        %dma_start3A_99 = tpu.memref_slice %arg27[%dma_start3A, %dma_start3A_98] : memref<64x128xf32, #tpu.memory_space<vmem>> -> memref<8x128xf32, #tpu.memory_space<vmem>>
        %dma_start3A_100 = arith.constant 0 : i32
        %dma_start3A_101 = tpu.memref_slice %arg29[%add3A_85, %dma_start3A_100] : memref<5248x128xf32, #tpu.memory_space<vmem_shared>> -> memref<8x128xf32, #tpu.memory_space<vmem_shared>>
        %dma_start3A_102 = arith.constant 0 : i32
        %dma_start3A_103 = tpu.memref_slice %arg29[%add3A_85, %dma_start3A_102] : memref<5248x128xf32, #tpu.memory_space<vmem_shared>> -> memref<8x128xf32, #tpu.memory_space<vmem_shared>>
        %dma_start3A_104 = arith.constant 0 : i32
        %dma_start3A_105 = arith.constant 0 : i32
        %dma_start3A_106 = tpu.memref_slice %arg27[%dma_start3A_104, %dma_start3A_105] : memref<64x128xf32, #tpu.memory_space<vmem>> -> memref<8x128xf32, #tpu.memory_space<vmem>>
        tpu.enqueue_dma source(%dma_start3A_106 : memref<8x128xf32, #tpu.memory_space<vmem>>) target(%dma_start3A_103 : memref<8x128xf32, #tpu.memory_space<vmem_shared>>) target_semaphore(%run_scoped3A : memref<!tpu.dma_semaphore, #tpu.memory_space<semaphore_mem>>)
        %dma_wait3A = arith.constant 0 : i32
        %dma_wait3A_107 = arith.constant 0 : i32
        %dma_wait3A_108 = tpu.memref_slice %arg27[%dma_wait3A, %dma_wait3A_107] : memref<64x128xf32, #tpu.memory_space<vmem>> -> memref<8x128xf32, #tpu.memory_space<vmem>>
        %dma_wait3A_109 = arith.constant 0 : i32
        %dma_wait3A_110 = tpu.memref_slice %arg29[%add3A_85, %dma_wait3A_109] : memref<5248x128xf32, #tpu.memory_space<vmem_shared>> -> memref<8x128xf32, #tpu.memory_space<vmem_shared>>
        %dma_wait3A_111 = arith.constant 0 : i32
        %dma_wait3A_112 = tpu.memref_slice %arg29[%add3A_85, %dma_wait3A_111] : memref<5248x128xf32, #tpu.memory_space<vmem_shared>> -> memref<8x128xf32, #tpu.memory_space<vmem_shared>>
        %dma_wait3A_113 = arith.constant 0 : i32
        %dma_wait3A_114 = arith.constant 0 : i32
        %dma_wait3A_115 = tpu.memref_slice %arg27[%dma_wait3A_113, %dma_wait3A_114] : memref<64x128xf32, #tpu.memory_space<vmem>> -> memref<8x128xf32, #tpu.memory_space<vmem>>
        tpu.wait_dma2 semaphore(%run_scoped3A : memref<!tpu.dma_semaphore, #tpu.memory_space<semaphore_mem>>) src(%dma_wait3A_115 : memref<8x128xf32, #tpu.memory_space<vmem>>) dst(%dma_wait3A_112 : memref<8x128xf32, #tpu.memory_space<vmem_shared>>)
        tpu.yield
      }) : () -> ()
      %add3A_86 = arith.constant 320 : i32
      %add3A_87 = arith.addi %mul3A_18, %add3A_86 : i32
      "tpu.region"() ({
        %run_scoped3A = tpu.sem_alloc : memref<!tpu.dma_semaphore, #tpu.memory_space<semaphore_mem>>
        %dma_start3A = arith.constant 0 : i32
        %dma_start3A_98 = arith.constant 0 : i32
        %dma_start3A_99 = tpu.memref_slice %arg28[%dma_start3A, %dma_start3A_98] : memref<64x16xf32, #tpu.memory_space<vmem>> -> memref<8x16xf32, #tpu.memory_space<vmem>>
        %dma_start3A_100 = arith.constant 0 : i32
        %dma_start3A_101 = tpu.memref_slice %arg30[%add3A_87, %dma_start3A_100] : memref<5248x16xf32, #tpu.memory_space<vmem_shared>> -> memref<8x16xf32, #tpu.memory_space<vmem_shared>>
        %dma_start3A_102 = arith.constant 0 : i32
        %dma_start3A_103 = tpu.memref_slice %arg30[%add3A_87, %dma_start3A_102] : memref<5248x16xf32, #tpu.memory_space<vmem_shared>> -> memref<8x16xf32, #tpu.memory_space<vmem_shared>>
        %dma_start3A_104 = arith.constant 0 : i32
        %dma_start3A_105 = arith.constant 0 : i32
        %dma_start3A_106 = tpu.memref_slice %arg28[%dma_start3A_104, %dma_start3A_105] : memref<64x16xf32, #tpu.memory_space<vmem>> -> memref<8x16xf32, #tpu.memory_space<vmem>>
        tpu.enqueue_dma source(%dma_start3A_106 : memref<8x16xf32, #tpu.memory_space<vmem>>) target(%dma_start3A_103 : memref<8x16xf32, #tpu.memory_space<vmem_shared>>) target_semaphore(%run_scoped3A : memref<!tpu.dma_semaphore, #tpu.memory_space<semaphore_mem>>)
        %dma_wait3A = arith.constant 0 : i32
        %dma_wait3A_107 = arith.constant 0 : i32
        %dma_wait3A_108 = tpu.memref_slice %arg28[%dma_wait3A, %dma_wait3A_107] : memref<64x16xf32, #tpu.memory_space<vmem>> -> memref<8x16xf32, #tpu.memory_space<vmem>>
        %dma_wait3A_109 = arith.constant 0 : i32
        %dma_wait3A_110 = tpu.memref_slice %arg30[%add3A_87, %dma_wait3A_109] : memref<5248x16xf32, #tpu.memory_space<vmem_shared>> -> memref<8x16xf32, #tpu.memory_space<vmem_shared>>
        %dma_wait3A_111 = arith.constant 0 : i32
        %dma_wait3A_112 = tpu.memref_slice %arg30[%add3A_87, %dma_wait3A_111] : memref<5248x16xf32, #tpu.memory_space<vmem_shared>> -> memref<8x16xf32, #tpu.memory_space<vmem_shared>>
        %dma_wait3A_113 = arith.constant 0 : i32
        %dma_wait3A_114 = arith.constant 0 : i32
        %dma_wait3A_115 = tpu.memref_slice %arg28[%dma_wait3A_113, %dma_wait3A_114] : memref<64x16xf32, #tpu.memory_space<vmem>> -> memref<8x16xf32, #tpu.memory_space<vmem>>
        tpu.wait_dma2 semaphore(%run_scoped3A : memref<!tpu.dma_semaphore, #tpu.memory_space<semaphore_mem>>) src(%dma_wait3A_115 : memref<8x16xf32, #tpu.memory_space<vmem>>) dst(%dma_wait3A_112 : memref<8x16xf32, #tpu.memory_space<vmem_shared>>)
        tpu.yield
      }) : () -> ()
      %barrier3A = arith.constant 0 : index
      tpu.barrier barrier_id(%barrier3A)
      %scan3A_88 = arith.constant 0 : i32
      %scan3A_89 = arith.constant 0 : i32
      %scan3A_90 = arith.constant 50 : i32
      %scan3A_91 = arith.addi %scan3A_89, %scan3A_90 : i32
      %scan3A_92 = arith.constant 1 : i32
      %scan3A_93 = scf.for %scan3A_98 = %scan3A_89 to %scan3A_91 step %scan3A_92 iter_args(%scan3A_99 = %scan3A_88) -> (i32)  : i32 {
        %mul3A_100 = arith.constant 400 : i32
        %mul3A_101 = arith.muli %scan3A_98, %mul3A_100 : i32
        %add3A_102 = arith.addi %mul3A_20, %mul3A_101 : i32
        "tpu.region"() ({
          %run_scoped3A = tpu.sem_alloc : memref<!tpu.dma_semaphore, #tpu.memory_space<semaphore_mem>>
          %dma_start3A_879 = tpu.memref_slice %arg3[%add3A_102] : memref<320000xi32, #tpu.memory_space<hbm>> -> memref<400xi32, #tpu.memory_space<hbm>>
          %dma_start3A_880 = tpu.memref_slice %arg3[%add3A_102] : memref<320000xi32, #tpu.memory_space<hbm>> -> memref<400xi32, #tpu.memory_space<hbm>>
          tpu.enqueue_dma source(%dma_start3A_880 : memref<400xi32, #tpu.memory_space<hbm>>) target(%arg8 : memref<400xi32, #tpu.memory_space<vmem>>) target_semaphore(%run_scoped3A : memref<!tpu.dma_semaphore, #tpu.memory_space<semaphore_mem>>)
          %dma_wait3A_881 = tpu.memref_slice %arg3[%add3A_102] : memref<320000xi32, #tpu.memory_space<hbm>> -> memref<400xi32, #tpu.memory_space<hbm>>
          %dma_wait3A_882 = tpu.memref_slice %arg3[%add3A_102] : memref<320000xi32, #tpu.memory_space<hbm>> -> memref<400xi32, #tpu.memory_space<hbm>>
          tpu.wait_dma2 semaphore(%run_scoped3A : memref<!tpu.dma_semaphore, #tpu.memory_space<semaphore_mem>>) src(%dma_wait3A_882 : memref<400xi32, #tpu.memory_space<hbm>>) dst(%arg8 : memref<400xi32, #tpu.memory_space<vmem>>)
          tpu.yield
        }) : () -> ()
        "tpu.region"() ({
          %run_scoped3A = tpu.sem_alloc : memref<!tpu.dma_semaphore, #tpu.memory_space<semaphore_mem>>
          %dma_start3A_879 = tpu.memref_slice %arg4[%add3A_102] : memref<320000xi32, #tpu.memory_space<hbm>> -> memref<400xi32, #tpu.memory_space<hbm>>
          %dma_start3A_880 = tpu.memref_slice %arg4[%add3A_102] : memref<320000xi32, #tpu.memory_space<hbm>> -> memref<400xi32, #tpu.memory_space<hbm>>
          tpu.enqueue_dma source(%dma_start3A_880 : memref<400xi32, #tpu.memory_space<hbm>>) target(%arg9 : memref<400xi32, #tpu.memory_space<vmem>>) target_semaphore(%run_scoped3A : memref<!tpu.dma_semaphore, #tpu.memory_space<semaphore_mem>>)
          %dma_wait3A_881 = tpu.memref_slice %arg4[%add3A_102] : memref<320000xi32, #tpu.memory_space<hbm>> -> memref<400xi32, #tpu.memory_space<hbm>>
          %dma_wait3A_882 = tpu.memref_slice %arg4[%add3A_102] : memref<320000xi32, #tpu.memory_space<hbm>> -> memref<400xi32, #tpu.memory_space<hbm>>
          tpu.wait_dma2 semaphore(%run_scoped3A : memref<!tpu.dma_semaphore, #tpu.memory_space<semaphore_mem>>) src(%dma_wait3A_882 : memref<400xi32, #tpu.memory_space<hbm>>) dst(%arg9 : memref<400xi32, #tpu.memory_space<vmem>>)
          tpu.yield
        }) : () -> ()
        "tpu.region"() ({
          %run_scoped3A = tpu.sem_alloc : memref<!tpu.dma_semaphore, #tpu.memory_space<semaphore_mem>>
          %dma_start3A_879 = tpu.memref_slice %arg5[%add3A_102] : memref<320000xi32, #tpu.memory_space<hbm>> -> memref<400xi32, #tpu.memory_space<hbm>>
          %dma_start3A_880 = tpu.memref_slice %arg5[%add3A_102] : memref<320000xi32, #tpu.memory_space<hbm>> -> memref<400xi32, #tpu.memory_space<hbm>>
          tpu.enqueue_dma source(%dma_start3A_880 : memref<400xi32, #tpu.memory_space<hbm>>) target(%arg10 : memref<400xi32, #tpu.memory_space<vmem>>) target_semaphore(%run_scoped3A : memref<!tpu.dma_semaphore, #tpu.memory_space<semaphore_mem>>)
          %dma_wait3A_881 = tpu.memref_slice %arg5[%add3A_102] : memref<320000xi32, #tpu.memory_space<hbm>> -> memref<400xi32, #tpu.memory_space<hbm>>
          %dma_wait3A_882 = tpu.memref_slice %arg5[%add3A_102] : memref<320000xi32, #tpu.memory_space<hbm>> -> memref<400xi32, #tpu.memory_space<hbm>>
          tpu.wait_dma2 semaphore(%run_scoped3A : memref<!tpu.dma_semaphore, #tpu.memory_space<semaphore_mem>>) src(%dma_wait3A_882 : memref<400xi32, #tpu.memory_space<hbm>>) dst(%arg10 : memref<400xi32, #tpu.memory_space<vmem>>)
          tpu.yield
        }) : () -> ()
        %get3A = arith.constant 0 : index
        %get3A_103 = tpu.vector_load %arg8[%get3A] {strides = array<i32>} : memref<400xi32, #tpu.memory_space<vmem>>, vector<16xi32>,
        %get3A_104 = vector.shape_cast %get3A_103 : vector<16xi32> to vector<16xi32>
        %get3A_105 = arith.constant 0 : index
        %get3A_106 = tpu.vector_load %arg9[%get3A_105] {strides = array<i32>} : memref<400xi32, #tpu.memory_space<vmem>>, vector<16xi32>,
        %get3A_107 = vector.shape_cast %get3A_106 : vector<16xi32> to vector<16xi32>
        %get3A_108 = arith.constant 0 : index
        %get3A_109 = tpu.vector_load %arg10[%get3A_108] {strides = array<i32>} : memref<400xi32, #tpu.memory_space<vmem>>, vector<16xi32>,
        %get3A_110 = vector.shape_cast %get3A_109 : vector<16xi32> to vector<16xi32>
        %sub3A_111 = vector.broadcast %mul3A_63 : i32 to vector<16xi32>
        %sub3A_112 = arith.subi %get3A_107, %sub3A_111 : vector<16xi32>
        %eq3A_113 = vector.broadcast %add3A : i32 to vector<16xi32>
        %eq3A_114 = arith.cmpi eq, %get3A_110, %eq3A_113 : vector<16xi32>
        %ge3A = arith.constant 0 : i32
        %ge3A_115 = vector.broadcast %ge3A : i32 to vector<16xi32>
        %ge3A_116 = arith.cmpi sge, %sub3A_112, %ge3A_115 : vector<16xi32>
        %and3A_117 = arith.andi %eq3A_114, %ge3A_116 : vector<16xi1>
        %lt3A_118 = arith.constant 5120 : i32
        %lt3A_119 = vector.broadcast %lt3A_118 : i32 to vector<16xi32>
        %lt3A_120 = arith.cmpi slt, %sub3A_112, %lt3A_119 : vector<16xi32>
        %and3A_121 = arith.andi %and3A_117, %lt3A_120 : vector<16xi1>
        %swap3A = arith.constant 0 : index
        %swap3A_122 = tpu.vector_load %arg11[%swap3A] {strides = array<i32>} : memref<80xi32, #tpu.memory_space<vmem>>, vector<16xi32>,
        %swap3A_123 = vector.shape_cast %swap3A_122 : vector<16xi32> to vector<16xi32>
        %swap3A_124 = vector.shape_cast %get3A_104 : vector<16xi32> to vector<16xi32>
        tpu.vector_store %arg11[%swap3A], %swap3A_124 {strides = array<i32>} : memref<80xi32, #tpu.memory_space<vmem>>, vector<16xi32>,
        %select_n3A_125 = arith.select %and3A_121, %sub3A_112, %broadcast_in_dim3A_4 : vector<16xi1>, vector<16xi32>
        %swap3A_126 = arith.constant 0 : index
        %swap3A_127 = tpu.vector_load %arg16[%swap3A_126] {strides = array<i32>} : memref<80xi32, #tpu.memory_space<vmem>>, vector<16xi32>,
        %swap3A_128 = vector.shape_cast %swap3A_127 : vector<16xi32> to vector<16xi32>
        %swap3A_129 = vector.shape_cast %select_n3A_125 : vector<16xi32> to vector<16xi32>
        tpu.vector_store %arg16[%swap3A_126], %swap3A_129 {strides = array<i32>} : memref<80xi32, #tpu.memory_space<vmem>>, vector<16xi32>,
        %get3A_130 = arith.constant 16 : index
        %get3A_131 = tpu.vector_load %arg8[%get3A_130] {strides = array<i32>} : memref<400xi32, #tpu.memory_space<vmem>>, vector<16xi32>,
        %get3A_132 = vector.shape_cast %get3A_131 : vector<16xi32> to vector<16xi32>
        %get3A_133 = arith.constant 16 : index
        %get3A_134 = tpu.vector_load %arg9[%get3A_133] {strides = array<i32>} : memref<400xi32, #tpu.memory_space<vmem>>, vector<16xi32>,
        %get3A_135 = vector.shape_cast %get3A_134 : vector<16xi32> to vector<16xi32>
        %get3A_136 = arith.constant 16 : index
        %get3A_137 = tpu.vector_load %arg10[%get3A_136] {strides = array<i32>} : memref<400xi32, #tpu.memory_space<vmem>>, vector<16xi32>,
        %get3A_138 = vector.shape_cast %get3A_137 : vector<16xi32> to vector<16xi32>
        %sub3A_139 = vector.broadcast %mul3A_63 : i32 to vector<16xi32>
        %sub3A_140 = arith.subi %get3A_135, %sub3A_139 : vector<16xi32>
        %eq3A_141 = vector.broadcast %add3A : i32 to vector<16xi32>
        %eq3A_142 = arith.cmpi eq, %get3A_138, %eq3A_141 : vector<16xi32>
        %ge3A_143 = arith.constant 0 : i32
        %ge3A_144 = vector.broadcast %ge3A_143 : i32 to vector<16xi32>
        %ge3A_145 = arith.cmpi sge, %sub3A_140, %ge3A_144 : vector<16xi32>
        %and3A_146 = arith.andi %eq3A_142, %ge3A_145 : vector<16xi1>
        %lt3A_147 = arith.constant 5120 : i32
        %lt3A_148 = vector.broadcast %lt3A_147 : i32 to vector<16xi32>
        %lt3A_149 = arith.cmpi slt, %sub3A_140, %lt3A_148 : vector<16xi32>
        %and3A_150 = arith.andi %and3A_146, %lt3A_149 : vector<16xi1>
        %swap3A_151 = arith.constant 16 : index
        %swap3A_152 = tpu.vector_load %arg11[%swap3A_151] {strides = array<i32>} : memref<80xi32, #tpu.memory_space<vmem>>, vector<16xi32>,
        %swap3A_153 = vector.shape_cast %swap3A_152 : vector<16xi32> to vector<16xi32>
        %swap3A_154 = vector.shape_cast %get3A_132 : vector<16xi32> to vector<16xi32>
        tpu.vector_store %arg11[%swap3A_151], %swap3A_154 {strides = array<i32>} : memref<80xi32, #tpu.memory_space<vmem>>, vector<16xi32>,
        %select_n3A_155 = arith.select %and3A_150, %sub3A_140, %broadcast_in_dim3A_4 : vector<16xi1>, vector<16xi32>
        %swap3A_156 = arith.constant 16 : index
        %swap3A_157 = tpu.vector_load %arg16[%swap3A_156] {strides = array<i32>} : memref<80xi32, #tpu.memory_space<vmem>>, vector<16xi32>,
        %swap3A_158 = vector.shape_cast %swap3A_157 : vector<16xi32> to vector<16xi32>
        %swap3A_159 = vector.shape_cast %select_n3A_155 : vector<16xi32> to vector<16xi32>
        tpu.vector_store %arg16[%swap3A_156], %swap3A_159 {strides = array<i32>} : memref<80xi32, #tpu.memory_space<vmem>>, vector<16xi32>,
        %get3A_160 = arith.constant 32 : index
        %get3A_161 = tpu.vector_load %arg8[%get3A_160] {strides = array<i32>} : memref<400xi32, #tpu.memory_space<vmem>>, vector<16xi32>,
        %get3A_162 = vector.shape_cast %get3A_161 : vector<16xi32> to vector<16xi32>
        %get3A_163 = arith.constant 32 : index
        %get3A_164 = tpu.vector_load %arg9[%get3A_163] {strides = array<i32>} : memref<400xi32, #tpu.memory_space<vmem>>, vector<16xi32>,
        %get3A_165 = vector.shape_cast %get3A_164 : vector<16xi32> to vector<16xi32>
        %get3A_166 = arith.constant 32 : index
        %get3A_167 = tpu.vector_load %arg10[%get3A_166] {strides = array<i32>} : memref<400xi32, #tpu.memory_space<vmem>>, vector<16xi32>,
        %get3A_168 = vector.shape_cast %get3A_167 : vector<16xi32> to vector<16xi32>
        %sub3A_169 = vector.broadcast %mul3A_63 : i32 to vector<16xi32>
        %sub3A_170 = arith.subi %get3A_165, %sub3A_169 : vector<16xi32>
        %eq3A_171 = vector.broadcast %add3A : i32 to vector<16xi32>
        %eq3A_172 = arith.cmpi eq, %get3A_168, %eq3A_171 : vector<16xi32>
        %ge3A_173 = arith.constant 0 : i32
        %ge3A_174 = vector.broadcast %ge3A_173 : i32 to vector<16xi32>
        %ge3A_175 = arith.cmpi sge, %sub3A_170, %ge3A_174 : vector<16xi32>
        %and3A_176 = arith.andi %eq3A_172, %ge3A_175 : vector<16xi1>
        %lt3A_177 = arith.constant 5120 : i32
        %lt3A_178 = vector.broadcast %lt3A_177 : i32 to vector<16xi32>
        %lt3A_179 = arith.cmpi slt, %sub3A_170, %lt3A_178 : vector<16xi32>
        %and3A_180 = arith.andi %and3A_176, %lt3A_179 : vector<16xi1>
        %swap3A_181 = arith.constant 32 : index
        %swap3A_182 = tpu.vector_load %arg11[%swap3A_181] {strides = array<i32>} : memref<80xi32, #tpu.memory_space<vmem>>, vector<16xi32>,
        %swap3A_183 = vector.shape_cast %swap3A_182 : vector<16xi32> to vector<16xi32>
        %swap3A_184 = vector.shape_cast %get3A_162 : vector<16xi32> to vector<16xi32>
        tpu.vector_store %arg11[%swap3A_181], %swap3A_184 {strides = array<i32>} : memref<80xi32, #tpu.memory_space<vmem>>, vector<16xi32>,
        %select_n3A_185 = arith.select %and3A_180, %sub3A_170, %broadcast_in_dim3A_4 : vector<16xi1>, vector<16xi32>
        %swap3A_186 = arith.constant 32 : index
        %swap3A_187 = tpu.vector_load %arg16[%swap3A_186] {strides = array<i32>} : memref<80xi32, #tpu.memory_space<vmem>>, vector<16xi32>,
        %swap3A_188 = vector.shape_cast %swap3A_187 : vector<16xi32> to vector<16xi32>
        %swap3A_189 = vector.shape_cast %select_n3A_185 : vector<16xi32> to vector<16xi32>
        tpu.vector_store %arg16[%swap3A_186], %swap3A_189 {strides = array<i32>} : memref<80xi32, #tpu.memory_space<vmem>>, vector<16xi32>,
        %get3A_190 = arith.constant 48 : index
        %get3A_191 = tpu.vector_load %arg8[%get3A_190] {strides = array<i32>} : memref<400xi32, #tpu.memory_space<vmem>>, vector<16xi32>,
        %get3A_192 = vector.shape_cast %get3A_191 : vector<16xi32> to vector<16xi32>
        %get3A_193 = arith.constant 48 : index
        %get3A_194 = tpu.vector_load %arg9[%get3A_193] {strides = array<i32>} : memref<400xi32, #tpu.memory_space<vmem>>, vector<16xi32>,
        %get3A_195 = vector.shape_cast %get3A_194 : vector<16xi32> to vector<16xi32>
        %get3A_196 = arith.constant 48 : index
        %get3A_197 = tpu.vector_load %arg10[%get3A_196] {strides = array<i32>} : memref<400xi32, #tpu.memory_space<vmem>>, vector<16xi32>,
        %get3A_198 = vector.shape_cast %get3A_197 : vector<16xi32> to vector<16xi32>
        %sub3A_199 = vector.broadcast %mul3A_63 : i32 to vector<16xi32>
        %sub3A_200 = arith.subi %get3A_195, %sub3A_199 : vector<16xi32>
        %eq3A_201 = vector.broadcast %add3A : i32 to vector<16xi32>
        %eq3A_202 = arith.cmpi eq, %get3A_198, %eq3A_201 : vector<16xi32>
        %ge3A_203 = arith.constant 0 : i32
        %ge3A_204 = vector.broadcast %ge3A_203 : i32 to vector<16xi32>
        %ge3A_205 = arith.cmpi sge, %sub3A_200, %ge3A_204 : vector<16xi32>
        %and3A_206 = arith.andi %eq3A_202, %ge3A_205 : vector<16xi1>
        %lt3A_207 = arith.constant 5120 : i32
        %lt3A_208 = vector.broadcast %lt3A_207 : i32 to vector<16xi32>
        %lt3A_209 = arith.cmpi slt, %sub3A_200, %lt3A_208 : vector<16xi32>
        %and3A_210 = arith.andi %and3A_206, %lt3A_209 : vector<16xi1>
        %swap3A_211 = arith.constant 48 : index
        %swap3A_212 = tpu.vector_load %arg11[%swap3A_211] {strides = array<i32>} : memref<80xi32, #tpu.memory_space<vmem>>, vector<16xi32>,
        %swap3A_213 = vector.shape_cast %swap3A_212 : vector<16xi32> to vector<16xi32>
        %swap3A_214 = vector.shape_cast %get3A_192 : vector<16xi32> to vector<16xi32>
        tpu.vector_store %arg11[%swap3A_211], %swap3A_214 {strides = array<i32>} : memref<80xi32, #tpu.memory_space<vmem>>, vector<16xi32>,
        %select_n3A_215 = arith.select %and3A_210, %sub3A_200, %broadcast_in_dim3A_4 : vector<16xi1>, vector<16xi32>
        %swap3A_216 = arith.constant 48 : index
        %swap3A_217 = tpu.vector_load %arg16[%swap3A_216] {strides = array<i32>} : memref<80xi32, #tpu.memory_space<vmem>>, vector<16xi32>,
        %swap3A_218 = vector.shape_cast %swap3A_217 : vector<16xi32> to vector<16xi32>
        %swap3A_219 = vector.shape_cast %select_n3A_215 : vector<16xi32> to vector<16xi32>
        tpu.vector_store %arg16[%swap3A_216], %swap3A_219 {strides = array<i32>} : memref<80xi32, #tpu.memory_space<vmem>>, vector<16xi32>,
        %get3A_220 = arith.constant 64 : index
        %get3A_221 = tpu.vector_load %arg8[%get3A_220] {strides = array<i32>} : memref<400xi32, #tpu.memory_space<vmem>>, vector<16xi32>,
        %get3A_222 = vector.shape_cast %get3A_221 : vector<16xi32> to vector<16xi32>
        %get3A_223 = arith.constant 64 : index
        %get3A_224 = tpu.vector_load %arg9[%get3A_223] {strides = array<i32>} : memref<400xi32, #tpu.memory_space<vmem>>, vector<16xi32>,
        %get3A_225 = vector.shape_cast %get3A_224 : vector<16xi32> to vector<16xi32>
        %get3A_226 = arith.constant 64 : index
        %get3A_227 = tpu.vector_load %arg10[%get3A_226] {strides = array<i32>} : memref<400xi32, #tpu.memory_space<vmem>>, vector<16xi32>,
        %get3A_228 = vector.shape_cast %get3A_227 : vector<16xi32> to vector<16xi32>
        %sub3A_229 = vector.broadcast %mul3A_63 : i32 to vector<16xi32>
        %sub3A_230 = arith.subi %get3A_225, %sub3A_229 : vector<16xi32>
        %eq3A_231 = vector.broadcast %add3A : i32 to vector<16xi32>
        %eq3A_232 = arith.cmpi eq, %get3A_228, %eq3A_231 : vector<16xi32>
        %ge3A_233 = arith.constant 0 : i32
        %ge3A_234 = vector.broadcast %ge3A_233 : i32 to vector<16xi32>
        %ge3A_235 = arith.cmpi sge, %sub3A_230, %ge3A_234 : vector<16xi32>
        %and3A_236 = arith.andi %eq3A_232, %ge3A_235 : vector<16xi1>
        %lt3A_237 = arith.constant 5120 : i32
        %lt3A_238 = vector.broadcast %lt3A_237 : i32 to vector<16xi32>
        %lt3A_239 = arith.cmpi slt, %sub3A_230, %lt3A_238 : vector<16xi32>
        %and3A_240 = arith.andi %and3A_236, %lt3A_239 : vector<16xi1>
        %swap3A_241 = arith.constant 64 : index
        %swap3A_242 = tpu.vector_load %arg11[%swap3A_241] {strides = array<i32>} : memref<80xi32, #tpu.memory_space<vmem>>, vector<16xi32>,
        %swap3A_243 = vector.shape_cast %swap3A_242 : vector<16xi32> to vector<16xi32>
        %swap3A_244 = vector.shape_cast %get3A_222 : vector<16xi32> to vector<16xi32>
        tpu.vector_store %arg11[%swap3A_241], %swap3A_244 {strides = array<i32>} : memref<80xi32, #tpu.memory_space<vmem>>, vector<16xi32>,
        %select_n3A_245 = arith.select %and3A_240, %sub3A_230, %broadcast_in_dim3A_4 : vector<16xi1>, vector<16xi32>
        %swap3A_246 = arith.constant 64 : index
        %swap3A_247 = tpu.vector_load %arg16[%swap3A_246] {strides = array<i32>} : memref<80xi32, #tpu.memory_space<vmem>>, vector<16xi32>,
        %swap3A_248 = vector.shape_cast %swap3A_247 : vector<16xi32> to vector<16xi32>
        %swap3A_249 = vector.shape_cast %select_n3A_245 : vector<16xi32> to vector<16xi32>
        tpu.vector_store %arg16[%swap3A_246], %swap3A_249 {strides = array<i32>} : memref<80xi32, #tpu.memory_space<vmem>>, vector<16xi32>,
        %dma_start3A = arith.constant 0 : i32
        %dma_start3A_250 = arith.constant 0 : i32
        %dma_start3A_251 = tpu.memref_slice %arg2[%dma_start3A, %dma_start3A_250] : memref<10000x128xf32, #tpu.memory_space<hbm>> -> memref<10000x128xf32, #tpu.memory_space<hbm>>
        tpu.enqueue_indirect_dma source(%dma_start3A_251 : memref<10000x128xf32, #tpu.memory_space<hbm>>) target(%arg21 : memref<80x128xf32, #tpu.memory_space<vmem>>) offsets(%arg11 : memref<80xi32, #tpu.memory_space<vmem>>) semaphore(%arg31 : memref<!tpu.dma_semaphore, #tpu.memory_space<semaphore_mem>>)
        %get3A_252 = arith.constant 80 : index
        %get3A_253 = tpu.vector_load %arg8[%get3A_252] {strides = array<i32>} : memref<400xi32, #tpu.memory_space<vmem>>, vector<16xi32>,
        %get3A_254 = vector.shape_cast %get3A_253 : vector<16xi32> to vector<16xi32>
        %get3A_255 = arith.constant 80 : index
        %get3A_256 = tpu.vector_load %arg9[%get3A_255] {strides = array<i32>} : memref<400xi32, #tpu.memory_space<vmem>>, vector<16xi32>,
        %get3A_257 = vector.shape_cast %get3A_256 : vector<16xi32> to vector<16xi32>
        %get3A_258 = arith.constant 80 : index
        %get3A_259 = tpu.vector_load %arg10[%get3A_258] {strides = array<i32>} : memref<400xi32, #tpu.memory_space<vmem>>, vector<16xi32>,
        %get3A_260 = vector.shape_cast %get3A_259 : vector<16xi32> to vector<16xi32>
        %sub3A_261 = vector.broadcast %mul3A_63 : i32 to vector<16xi32>
        %sub3A_262 = arith.subi %get3A_257, %sub3A_261 : vector<16xi32>
        %eq3A_263 = vector.broadcast %add3A : i32 to vector<16xi32>
        %eq3A_264 = arith.cmpi eq, %get3A_260, %eq3A_263 : vector<16xi32>
        %ge3A_265 = arith.constant 0 : i32
        %ge3A_266 = vector.broadcast %ge3A_265 : i32 to vector<16xi32>
        %ge3A_267 = arith.cmpi sge, %sub3A_262, %ge3A_266 : vector<16xi32>
        %and3A_268 = arith.andi %eq3A_264, %ge3A_267 : vector<16xi1>
        %lt3A_269 = arith.constant 5120 : i32
        %lt3A_270 = vector.broadcast %lt3A_269 : i32 to vector<16xi32>
        %lt3A_271 = arith.cmpi slt, %sub3A_262, %lt3A_270 : vector<16xi32>
        %and3A_272 = arith.andi %and3A_268, %lt3A_271 : vector<16xi1>
        %swap3A_273 = arith.constant 0 : index
        %swap3A_274 = tpu.vector_load %arg12[%swap3A_273] {strides = array<i32>} : memref<80xi32, #tpu.memory_space<vmem>>, vector<16xi32>,
        %swap3A_275 = vector.shape_cast %swap3A_274 : vector<16xi32> to vector<16xi32>
        %swap3A_276 = vector.shape_cast %get3A_254 : vector<16xi32> to vector<16xi32>
        tpu.vector_store %arg12[%swap3A_273], %swap3A_276 {strides = array<i32>} : memref<80xi32, #tpu.memory_space<vmem>>, vector<16xi32>,
        %select_n3A_277 = arith.select %and3A_272, %sub3A_262, %broadcast_in_dim3A_4 : vector<16xi1>, vector<16xi32>
        %swap3A_278 = arith.constant 0 : index
        %swap3A_279 = tpu.vector_load %arg17[%swap3A_278] {strides = array<i32>} : memref<80xi32, #tpu.memory_space<vmem>>, vector<16xi32>,
        %swap3A_280 = vector.shape_cast %swap3A_279 : vector<16xi32> to vector<16xi32>
        %swap3A_281 = vector.shape_cast %select_n3A_277 : vector<16xi32> to vector<16xi32>
        tpu.vector_store %arg17[%swap3A_278], %swap3A_281 {strides = array<i32>} : memref<80xi32, #tpu.memory_space<vmem>>, vector<16xi32>,
        %get3A_282 = arith.constant 96 : index
        %get3A_283 = tpu.vector_load %arg8[%get3A_282] {strides = array<i32>} : memref<400xi32, #tpu.memory_space<vmem>>, vector<16xi32>,
        %get3A_284 = vector.shape_cast %get3A_283 : vector<16xi32> to vector<16xi32>
        %get3A_285 = arith.constant 96 : index
        %get3A_286 = tpu.vector_load %arg9[%get3A_285] {strides = array<i32>} : memref<400xi32, #tpu.memory_space<vmem>>, vector<16xi32>,
        %get3A_287 = vector.shape_cast %get3A_286 : vector<16xi32> to vector<16xi32>
        %get3A_288 = arith.constant 96 : index
        %get3A_289 = tpu.vector_load %arg10[%get3A_288] {strides = array<i32>} : memref<400xi32, #tpu.memory_space<vmem>>, vector<16xi32>,
        %get3A_290 = vector.shape_cast %get3A_289 : vector<16xi32> to vector<16xi32>
        %sub3A_291 = vector.broadcast %mul3A_63 : i32 to vector<16xi32>
        %sub3A_292 = arith.subi %get3A_287, %sub3A_291 : vector<16xi32>
        %eq3A_293 = vector.broadcast %add3A : i32 to vector<16xi32>
        %eq3A_294 = arith.cmpi eq, %get3A_290, %eq3A_293 : vector<16xi32>
        %ge3A_295 = arith.constant 0 : i32
        %ge3A_296 = vector.broadcast %ge3A_295 : i32 to vector<16xi32>
        %ge3A_297 = arith.cmpi sge, %sub3A_292, %ge3A_296 : vector<16xi32>
        %and3A_298 = arith.andi %eq3A_294, %ge3A_297 : vector<16xi1>
        %lt3A_299 = arith.constant 5120 : i32
        %lt3A_300 = vector.broadcast %lt3A_299 : i32 to vector<16xi32>
        %lt3A_301 = arith.cmpi slt, %sub3A_292, %lt3A_300 : vector<16xi32>
        %and3A_302 = arith.andi %and3A_298, %lt3A_301 : vector<16xi1>
        %swap3A_303 = arith.constant 16 : index
        %swap3A_304 = tpu.vector_load %arg12[%swap3A_303] {strides = array<i32>} : memref<80xi32, #tpu.memory_space<vmem>>, vector<16xi32>,
        %swap3A_305 = vector.shape_cast %swap3A_304 : vector<16xi32> to vector<16xi32>
        %swap3A_306 = vector.shape_cast %get3A_284 : vector<16xi32> to vector<16xi32>
        tpu.vector_store %arg12[%swap3A_303], %swap3A_306 {strides = array<i32>} : memref<80xi32, #tpu.memory_space<vmem>>, vector<16xi32>,
        %select_n3A_307 = arith.select %and3A_302, %sub3A_292, %broadcast_in_dim3A_4 : vector<16xi1>, vector<16xi32>
        %swap3A_308 = arith.constant 16 : index
        %swap3A_309 = tpu.vector_load %arg17[%swap3A_308] {strides = array<i32>} : memref<80xi32, #tpu.memory_space<vmem>>, vector<16xi32>,
        %swap3A_310 = vector.shape_cast %swap3A_309 : vector<16xi32> to vector<16xi32>
        %swap3A_311 = vector.shape_cast %select_n3A_307 : vector<16xi32> to vector<16xi32>
        tpu.vector_store %arg17[%swap3A_308], %swap3A_311 {strides = array<i32>} : memref<80xi32, #tpu.memory_space<vmem>>, vector<16xi32>,
        %get3A_312 = arith.constant 112 : index
        %get3A_313 = tpu.vector_load %arg8[%get3A_312] {strides = array<i32>} : memref<400xi32, #tpu.memory_space<vmem>>, vector<16xi32>,
        %get3A_314 = vector.shape_cast %get3A_313 : vector<16xi32> to vector<16xi32>
        %get3A_315 = arith.constant 112 : index
        %get3A_316 = tpu.vector_load %arg9[%get3A_315] {strides = array<i32>} : memref<400xi32, #tpu.memory_space<vmem>>, vector<16xi32>,
        %get3A_317 = vector.shape_cast %get3A_316 : vector<16xi32> to vector<16xi32>
        %get3A_318 = arith.constant 112 : index
        %get3A_319 = tpu.vector_load %arg10[%get3A_318] {strides = array<i32>} : memref<400xi32, #tpu.memory_space<vmem>>, vector<16xi32>,
        %get3A_320 = vector.shape_cast %get3A_319 : vector<16xi32> to vector<16xi32>
        %sub3A_321 = vector.broadcast %mul3A_63 : i32 to vector<16xi32>
        %sub3A_322 = arith.subi %get3A_317, %sub3A_321 : vector<16xi32>
        %eq3A_323 = vector.broadcast %add3A : i32 to vector<16xi32>
        %eq3A_324 = arith.cmpi eq, %get3A_320, %eq3A_323 : vector<16xi32>
        %ge3A_325 = arith.constant 0 : i32
        %ge3A_326 = vector.broadcast %ge3A_325 : i32 to vector<16xi32>
        %ge3A_327 = arith.cmpi sge, %sub3A_322, %ge3A_326 : vector<16xi32>
        %and3A_328 = arith.andi %eq3A_324, %ge3A_327 : vector<16xi1>
        %lt3A_329 = arith.constant 5120 : i32
        %lt3A_330 = vector.broadcast %lt3A_329 : i32 to vector<16xi32>
        %lt3A_331 = arith.cmpi slt, %sub3A_322, %lt3A_330 : vector<16xi32>
        %and3A_332 = arith.andi %and3A_328, %lt3A_331 : vector<16xi1>
        %swap3A_333 = arith.constant 32 : index
        %swap3A_334 = tpu.vector_load %arg12[%swap3A_333] {strides = array<i32>} : memref<80xi32, #tpu.memory_space<vmem>>, vector<16xi32>,
        %swap3A_335 = vector.shape_cast %swap3A_334 : vector<16xi32> to vector<16xi32>
        %swap3A_336 = vector.shape_cast %get3A_314 : vector<16xi32> to vector<16xi32>
        tpu.vector_store %arg12[%swap3A_333], %swap3A_336 {strides = array<i32>} : memref<80xi32, #tpu.memory_space<vmem>>, vector<16xi32>,
        %select_n3A_337 = arith.select %and3A_332, %sub3A_322, %broadcast_in_dim3A_4 : vector<16xi1>, vector<16xi32>
        %swap3A_338 = arith.constant 32 : index
        %swap3A_339 = tpu.vector_load %arg17[%swap3A_338] {strides = array<i32>} : memref<80xi32, #tpu.memory_space<vmem>>, vector<16xi32>,
        %swap3A_340 = vector.shape_cast %swap3A_339 : vector<16xi32> to vector<16xi32>
        %swap3A_341 = vector.shape_cast %select_n3A_337 : vector<16xi32> to vector<16xi32>
        tpu.vector_store %arg17[%swap3A_338], %swap3A_341 {strides = array<i32>} : memref<80xi32, #tpu.memory_space<vmem>>, vector<16xi32>,
        %get3A_342 = arith.constant 128 : index
        %get3A_343 = tpu.vector_load %arg8[%get3A_342] {strides = array<i32>} : memref<400xi32, #tpu.memory_space<vmem>>, vector<16xi32>,
        %get3A_344 = vector.shape_cast %get3A_343 : vector<16xi32> to vector<16xi32>
        %get3A_345 = arith.constant 128 : index
        %get3A_346 = tpu.vector_load %arg9[%get3A_345] {strides = array<i32>} : memref<400xi32, #tpu.memory_space<vmem>>, vector<16xi32>,
        %get3A_347 = vector.shape_cast %get3A_346 : vector<16xi32> to vector<16xi32>
        %get3A_348 = arith.constant 128 : index
        %get3A_349 = tpu.vector_load %arg10[%get3A_348] {strides = array<i32>} : memref<400xi32, #tpu.memory_space<vmem>>, vector<16xi32>,
        %get3A_350 = vector.shape_cast %get3A_349 : vector<16xi32> to vector<16xi32>
        %sub3A_351 = vector.broadcast %mul3A_63 : i32 to vector<16xi32>
        %sub3A_352 = arith.subi %get3A_347, %sub3A_351 : vector<16xi32>
        %eq3A_353 = vector.broadcast %add3A : i32 to vector<16xi32>
        %eq3A_354 = arith.cmpi eq, %get3A_350, %eq3A_353 : vector<16xi32>
        %ge3A_355 = arith.constant 0 : i32
        %ge3A_356 = vector.broadcast %ge3A_355 : i32 to vector<16xi32>
        %ge3A_357 = arith.cmpi sge, %sub3A_352, %ge3A_356 : vector<16xi32>
        %and3A_358 = arith.andi %eq3A_354, %ge3A_357 : vector<16xi1>
        %lt3A_359 = arith.constant 5120 : i32
        %lt3A_360 = vector.broadcast %lt3A_359 : i32 to vector<16xi32>
        %lt3A_361 = arith.cmpi slt, %sub3A_352, %lt3A_360 : vector<16xi32>
        %and3A_362 = arith.andi %and3A_358, %lt3A_361 : vector<16xi1>
        %swap3A_363 = arith.constant 48 : index
        %swap3A_364 = tpu.vector_load %arg12[%swap3A_363] {strides = array<i32>} : memref<80xi32, #tpu.memory_space<vmem>>, vector<16xi32>,
        %swap3A_365 = vector.shape_cast %swap3A_364 : vector<16xi32> to vector<16xi32>
        %swap3A_366 = vector.shape_cast %get3A_344 : vector<16xi32> to vector<16xi32>
        tpu.vector_store %arg12[%swap3A_363], %swap3A_366 {strides = array<i32>} : memref<80xi32, #tpu.memory_space<vmem>>, vector<16xi32>,
        %select_n3A_367 = arith.select %and3A_362, %sub3A_352, %broadcast_in_dim3A_4 : vector<16xi1>, vector<16xi32>
        %swap3A_368 = arith.constant 48 : index
        %swap3A_369 = tpu.vector_load %arg17[%swap3A_368] {strides = array<i32>} : memref<80xi32, #tpu.memory_space<vmem>>, vector<16xi32>,
        %swap3A_370 = vector.shape_cast %swap3A_369 : vector<16xi32> to vector<16xi32>
        %swap3A_371 = vector.shape_cast %select_n3A_367 : vector<16xi32> to vector<16xi32>
        tpu.vector_store %arg17[%swap3A_368], %swap3A_371 {strides = array<i32>} : memref<80xi32, #tpu.memory_space<vmem>>, vector<16xi32>,
        %get3A_372 = arith.constant 144 : index
        %get3A_373 = tpu.vector_load %arg8[%get3A_372] {strides = array<i32>} : memref<400xi32, #tpu.memory_space<vmem>>, vector<16xi32>,
        %get3A_374 = vector.shape_cast %get3A_373 : vector<16xi32> to vector<16xi32>
        %get3A_375 = arith.constant 144 : index
        %get3A_376 = tpu.vector_load %arg9[%get3A_375] {strides = array<i32>} : memref<400xi32, #tpu.memory_space<vmem>>, vector<16xi32>,
        %get3A_377 = vector.shape_cast %get3A_376 : vector<16xi32> to vector<16xi32>
        %get3A_378 = arith.constant 144 : index
        %get3A_379 = tpu.vector_load %arg10[%get3A_378] {strides = array<i32>} : memref<400xi32, #tpu.memory_space<vmem>>, vector<16xi32>,
        %get3A_380 = vector.shape_cast %get3A_379 : vector<16xi32> to vector<16xi32>
        %sub3A_381 = vector.broadcast %mul3A_63 : i32 to vector<16xi32>
        %sub3A_382 = arith.subi %get3A_377, %sub3A_381 : vector<16xi32>
        %eq3A_383 = vector.broadcast %add3A : i32 to vector<16xi32>
        %eq3A_384 = arith.cmpi eq, %get3A_380, %eq3A_383 : vector<16xi32>
        %ge3A_385 = arith.constant 0 : i32
        %ge3A_386 = vector.broadcast %ge3A_385 : i32 to vector<16xi32>
        %ge3A_387 = arith.cmpi sge, %sub3A_382, %ge3A_386 : vector<16xi32>
        %and3A_388 = arith.andi %eq3A_384, %ge3A_387 : vector<16xi1>
        %lt3A_389 = arith.constant 5120 : i32
        %lt3A_390 = vector.broadcast %lt3A_389 : i32 to vector<16xi32>
        %lt3A_391 = arith.cmpi slt, %sub3A_382, %lt3A_390 : vector<16xi32>
        %and3A_392 = arith.andi %and3A_388, %lt3A_391 : vector<16xi1>
        %swap3A_393 = arith.constant 64 : index
        %swap3A_394 = tpu.vector_load %arg12[%swap3A_393] {strides = array<i32>} : memref<80xi32, #tpu.memory_space<vmem>>, vector<16xi32>,
        %swap3A_395 = vector.shape_cast %swap3A_394 : vector<16xi32> to vector<16xi32>
        %swap3A_396 = vector.shape_cast %get3A_374 : vector<16xi32> to vector<16xi32>
        tpu.vector_store %arg12[%swap3A_393], %swap3A_396 {strides = array<i32>} : memref<80xi32, #tpu.memory_space<vmem>>, vector<16xi32>,
        %select_n3A_397 = arith.select %and3A_392, %sub3A_382, %broadcast_in_dim3A_4 : vector<16xi1>, vector<16xi32>
        %swap3A_398 = arith.constant 64 : index
        %swap3A_399 = tpu.vector_load %arg17[%swap3A_398] {strides = array<i32>} : memref<80xi32, #tpu.memory_space<vmem>>, vector<16xi32>,
        %swap3A_400 = vector.shape_cast %swap3A_399 : vector<16xi32> to vector<16xi32>
        %swap3A_401 = vector.shape_cast %select_n3A_397 : vector<16xi32> to vector<16xi32>
        tpu.vector_store %arg17[%swap3A_398], %swap3A_401 {strides = array<i32>} : memref<80xi32, #tpu.memory_space<vmem>>, vector<16xi32>,
        %dma_start3A_402 = arith.constant 0 : i32
        %dma_start3A_403 = arith.constant 0 : i32
        %dma_start3A_404 = tpu.memref_slice %arg2[%dma_start3A_402, %dma_start3A_403] : memref<10000x128xf32, #tpu.memory_space<hbm>> -> memref<10000x128xf32, #tpu.memory_space<hbm>>
        tpu.enqueue_indirect_dma source(%dma_start3A_404 : memref<10000x128xf32, #tpu.memory_space<hbm>>) target(%arg22 : memref<80x128xf32, #tpu.memory_space<vmem>>) offsets(%arg12 : memref<80xi32, #tpu.memory_space<vmem>>) semaphore(%arg32 : memref<!tpu.dma_semaphore, #tpu.memory_space<semaphore_mem>>)
        %get3A_405 = arith.constant 160 : index
        %get3A_406 = tpu.vector_load %arg8[%get3A_405] {strides = array<i32>} : memref<400xi32, #tpu.memory_space<vmem>>, vector<16xi32>,
        %get3A_407 = vector.shape_cast %get3A_406 : vector<16xi32> to vector<16xi32>
        %get3A_408 = arith.constant 160 : index
        %get3A_409 = tpu.vector_load %arg9[%get3A_408] {strides = array<i32>} : memref<400xi32, #tpu.memory_space<vmem>>, vector<16xi32>,
        %get3A_410 = vector.shape_cast %get3A_409 : vector<16xi32> to vector<16xi32>
        %get3A_411 = arith.constant 160 : index
        %get3A_412 = tpu.vector_load %arg10[%get3A_411] {strides = array<i32>} : memref<400xi32, #tpu.memory_space<vmem>>, vector<16xi32>,
        %get3A_413 = vector.shape_cast %get3A_412 : vector<16xi32> to vector<16xi32>
        %sub3A_414 = vector.broadcast %mul3A_63 : i32 to vector<16xi32>
        %sub3A_415 = arith.subi %get3A_410, %sub3A_414 : vector<16xi32>
        %eq3A_416 = vector.broadcast %add3A : i32 to vector<16xi32>
        %eq3A_417 = arith.cmpi eq, %get3A_413, %eq3A_416 : vector<16xi32>
        %ge3A_418 = arith.constant 0 : i32
        %ge3A_419 = vector.broadcast %ge3A_418 : i32 to vector<16xi32>
        %ge3A_420 = arith.cmpi sge, %sub3A_415, %ge3A_419 : vector<16xi32>
        %and3A_421 = arith.andi %eq3A_417, %ge3A_420 : vector<16xi1>
        %lt3A_422 = arith.constant 5120 : i32
        %lt3A_423 = vector.broadcast %lt3A_422 : i32 to vector<16xi32>
        %lt3A_424 = arith.cmpi slt, %sub3A_415, %lt3A_423 : vector<16xi32>
        %and3A_425 = arith.andi %and3A_421, %lt3A_424 : vector<16xi1>
        %swap3A_426 = arith.constant 0 : index
        %swap3A_427 = tpu.vector_load %arg13[%swap3A_426] {strides = array<i32>} : memref<80xi32, #tpu.memory_space<vmem>>, vector<16xi32>,
        %swap3A_428 = vector.shape_cast %swap3A_427 : vector<16xi32> to vector<16xi32>
        %swap3A_429 = vector.shape_cast %get3A_407 : vector<16xi32> to vector<16xi32>
        tpu.vector_store %arg13[%swap3A_426], %swap3A_429 {strides = array<i32>} : memref<80xi32, #tpu.memory_space<vmem>>, vector<16xi32>,
        %select_n3A_430 = arith.select %and3A_425, %sub3A_415, %broadcast_in_dim3A_4 : vector<16xi1>, vector<16xi32>
        %swap3A_431 = arith.constant 0 : index
        %swap3A_432 = tpu.vector_load %arg18[%swap3A_431] {strides = array<i32>} : memref<80xi32, #tpu.memory_space<vmem>>, vector<16xi32>,
        %swap3A_433 = vector.shape_cast %swap3A_432 : vector<16xi32> to vector<16xi32>
        %swap3A_434 = vector.shape_cast %select_n3A_430 : vector<16xi32> to vector<16xi32>
        tpu.vector_store %arg18[%swap3A_431], %swap3A_434 {strides = array<i32>} : memref<80xi32, #tpu.memory_space<vmem>>, vector<16xi32>,
        %get3A_435 = arith.constant 176 : index
        %get3A_436 = tpu.vector_load %arg8[%get3A_435] {strides = array<i32>} : memref<400xi32, #tpu.memory_space<vmem>>, vector<16xi32>,
        %get3A_437 = vector.shape_cast %get3A_436 : vector<16xi32> to vector<16xi32>
        %get3A_438 = arith.constant 176 : index
        %get3A_439 = tpu.vector_load %arg9[%get3A_438] {strides = array<i32>} : memref<400xi32, #tpu.memory_space<vmem>>, vector<16xi32>,
        %get3A_440 = vector.shape_cast %get3A_439 : vector<16xi32> to vector<16xi32>
        %get3A_441 = arith.constant 176 : index
        %get3A_442 = tpu.vector_load %arg10[%get3A_441] {strides = array<i32>} : memref<400xi32, #tpu.memory_space<vmem>>, vector<16xi32>,
        %get3A_443 = vector.shape_cast %get3A_442 : vector<16xi32> to vector<16xi32>
        %sub3A_444 = vector.broadcast %mul3A_63 : i32 to vector<16xi32>
        %sub3A_445 = arith.subi %get3A_440, %sub3A_444 : vector<16xi32>
        %eq3A_446 = vector.broadcast %add3A : i32 to vector<16xi32>
        %eq3A_447 = arith.cmpi eq, %get3A_443, %eq3A_446 : vector<16xi32>
        %ge3A_448 = arith.constant 0 : i32
        %ge3A_449 = vector.broadcast %ge3A_448 : i32 to vector<16xi32>
        %ge3A_450 = arith.cmpi sge, %sub3A_445, %ge3A_449 : vector<16xi32>
        %and3A_451 = arith.andi %eq3A_447, %ge3A_450 : vector<16xi1>
        %lt3A_452 = arith.constant 5120 : i32
        %lt3A_453 = vector.broadcast %lt3A_452 : i32 to vector<16xi32>
        %lt3A_454 = arith.cmpi slt, %sub3A_445, %lt3A_453 : vector<16xi32>
        %and3A_455 = arith.andi %and3A_451, %lt3A_454 : vector<16xi1>
        %swap3A_456 = arith.constant 16 : index
        %swap3A_457 = tpu.vector_load %arg13[%swap3A_456] {strides = array<i32>} : memref<80xi32, #tpu.memory_space<vmem>>, vector<16xi32>,
        %swap3A_458 = vector.shape_cast %swap3A_457 : vector<16xi32> to vector<16xi32>
        %swap3A_459 = vector.shape_cast %get3A_437 : vector<16xi32> to vector<16xi32>
        tpu.vector_store %arg13[%swap3A_456], %swap3A_459 {strides = array<i32>} : memref<80xi32, #tpu.memory_space<vmem>>, vector<16xi32>,
        %select_n3A_460 = arith.select %and3A_455, %sub3A_445, %broadcast_in_dim3A_4 : vector<16xi1>, vector<16xi32>
        %swap3A_461 = arith.constant 16 : index
        %swap3A_462 = tpu.vector_load %arg18[%swap3A_461] {strides = array<i32>} : memref<80xi32, #tpu.memory_space<vmem>>, vector<16xi32>,
        %swap3A_463 = vector.shape_cast %swap3A_462 : vector<16xi32> to vector<16xi32>
        %swap3A_464 = vector.shape_cast %select_n3A_460 : vector<16xi32> to vector<16xi32>
        tpu.vector_store %arg18[%swap3A_461], %swap3A_464 {strides = array<i32>} : memref<80xi32, #tpu.memory_space<vmem>>, vector<16xi32>,
        %get3A_465 = arith.constant 192 : index
        %get3A_466 = tpu.vector_load %arg8[%get3A_465] {strides = array<i32>} : memref<400xi32, #tpu.memory_space<vmem>>, vector<16xi32>,
        %get3A_467 = vector.shape_cast %get3A_466 : vector<16xi32> to vector<16xi32>
        %get3A_468 = arith.constant 192 : index
        %get3A_469 = tpu.vector_load %arg9[%get3A_468] {strides = array<i32>} : memref<400xi32, #tpu.memory_space<vmem>>, vector<16xi32>,
        %get3A_470 = vector.shape_cast %get3A_469 : vector<16xi32> to vector<16xi32>
        %get3A_471 = arith.constant 192 : index
        %get3A_472 = tpu.vector_load %arg10[%get3A_471] {strides = array<i32>} : memref<400xi32, #tpu.memory_space<vmem>>, vector<16xi32>,
        %get3A_473 = vector.shape_cast %get3A_472 : vector<16xi32> to vector<16xi32>
        %sub3A_474 = vector.broadcast %mul3A_63 : i32 to vector<16xi32>
        %sub3A_475 = arith.subi %get3A_470, %sub3A_474 : vector<16xi32>
        %eq3A_476 = vector.broadcast %add3A : i32 to vector<16xi32>
        %eq3A_477 = arith.cmpi eq, %get3A_473, %eq3A_476 : vector<16xi32>
        %ge3A_478 = arith.constant 0 : i32
        %ge3A_479 = vector.broadcast %ge3A_478 : i32 to vector<16xi32>
        %ge3A_480 = arith.cmpi sge, %sub3A_475, %ge3A_479 : vector<16xi32>
        %and3A_481 = arith.andi %eq3A_477, %ge3A_480 : vector<16xi1>
        %lt3A_482 = arith.constant 5120 : i32
        %lt3A_483 = vector.broadcast %lt3A_482 : i32 to vector<16xi32>
        %lt3A_484 = arith.cmpi slt, %sub3A_475, %lt3A_483 : vector<16xi32>
        %and3A_485 = arith.andi %and3A_481, %lt3A_484 : vector<16xi1>
        %swap3A_486 = arith.constant 32 : index
        %swap3A_487 = tpu.vector_load %arg13[%swap3A_486] {strides = array<i32>} : memref<80xi32, #tpu.memory_space<vmem>>, vector<16xi32>,
        %swap3A_488 = vector.shape_cast %swap3A_487 : vector<16xi32> to vector<16xi32>
        %swap3A_489 = vector.shape_cast %get3A_467 : vector<16xi32> to vector<16xi32>
        tpu.vector_store %arg13[%swap3A_486], %swap3A_489 {strides = array<i32>} : memref<80xi32, #tpu.memory_space<vmem>>, vector<16xi32>,
        %select_n3A_490 = arith.select %and3A_485, %sub3A_475, %broadcast_in_dim3A_4 : vector<16xi1>, vector<16xi32>
        %swap3A_491 = arith.constant 32 : index
        %swap3A_492 = tpu.vector_load %arg18[%swap3A_491] {strides = array<i32>} : memref<80xi32, #tpu.memory_space<vmem>>, vector<16xi32>,
        %swap3A_493 = vector.shape_cast %swap3A_492 : vector<16xi32> to vector<16xi32>
        %swap3A_494 = vector.shape_cast %select_n3A_490 : vector<16xi32> to vector<16xi32>
        tpu.vector_store %arg18[%swap3A_491], %swap3A_494 {strides = array<i32>} : memref<80xi32, #tpu.memory_space<vmem>>, vector<16xi32>,
        %get3A_495 = arith.constant 208 : index
        %get3A_496 = tpu.vector_load %arg8[%get3A_495] {strides = array<i32>} : memref<400xi32, #tpu.memory_space<vmem>>, vector<16xi32>,
        %get3A_497 = vector.shape_cast %get3A_496 : vector<16xi32> to vector<16xi32>
        %get3A_498 = arith.constant 208 : index
        %get3A_499 = tpu.vector_load %arg9[%get3A_498] {strides = array<i32>} : memref<400xi32, #tpu.memory_space<vmem>>, vector<16xi32>,
        %get3A_500 = vector.shape_cast %get3A_499 : vector<16xi32> to vector<16xi32>
        %get3A_501 = arith.constant 208 : index
        %get3A_502 = tpu.vector_load %arg10[%get3A_501] {strides = array<i32>} : memref<400xi32, #tpu.memory_space<vmem>>, vector<16xi32>,
        %get3A_503 = vector.shape_cast %get3A_502 : vector<16xi32> to vector<16xi32>
        %sub3A_504 = vector.broadcast %mul3A_63 : i32 to vector<16xi32>
        %sub3A_505 = arith.subi %get3A_500, %sub3A_504 : vector<16xi32>
        %eq3A_506 = vector.broadcast %add3A : i32 to vector<16xi32>
        %eq3A_507 = arith.cmpi eq, %get3A_503, %eq3A_506 : vector<16xi32>
        %ge3A_508 = arith.constant 0 : i32
        %ge3A_509 = vector.broadcast %ge3A_508 : i32 to vector<16xi32>
        %ge3A_510 = arith.cmpi sge, %sub3A_505, %ge3A_509 : vector<16xi32>
        %and3A_511 = arith.andi %eq3A_507, %ge3A_510 : vector<16xi1>
        %lt3A_512 = arith.constant 5120 : i32
        %lt3A_513 = vector.broadcast %lt3A_512 : i32 to vector<16xi32>
        %lt3A_514 = arith.cmpi slt, %sub3A_505, %lt3A_513 : vector<16xi32>
        %and3A_515 = arith.andi %and3A_511, %lt3A_514 : vector<16xi1>
        %swap3A_516 = arith.constant 48 : index
        %swap3A_517 = tpu.vector_load %arg13[%swap3A_516] {strides = array<i32>} : memref<80xi32, #tpu.memory_space<vmem>>, vector<16xi32>,
        %swap3A_518 = vector.shape_cast %swap3A_517 : vector<16xi32> to vector<16xi32>
        %swap3A_519 = vector.shape_cast %get3A_497 : vector<16xi32> to vector<16xi32>
        tpu.vector_store %arg13[%swap3A_516], %swap3A_519 {strides = array<i32>} : memref<80xi32, #tpu.memory_space<vmem>>, vector<16xi32>,
        %select_n3A_520 = arith.select %and3A_515, %sub3A_505, %broadcast_in_dim3A_4 : vector<16xi1>, vector<16xi32>
        %swap3A_521 = arith.constant 48 : index
        %swap3A_522 = tpu.vector_load %arg18[%swap3A_521] {strides = array<i32>} : memref<80xi32, #tpu.memory_space<vmem>>, vector<16xi32>,
        %swap3A_523 = vector.shape_cast %swap3A_522 : vector<16xi32> to vector<16xi32>
        %swap3A_524 = vector.shape_cast %select_n3A_520 : vector<16xi32> to vector<16xi32>
        tpu.vector_store %arg18[%swap3A_521], %swap3A_524 {strides = array<i32>} : memref<80xi32, #tpu.memory_space<vmem>>, vector<16xi32>,
        %get3A_525 = arith.constant 224 : index
        %get3A_526 = tpu.vector_load %arg8[%get3A_525] {strides = array<i32>} : memref<400xi32, #tpu.memory_space<vmem>>, vector<16xi32>,
        %get3A_527 = vector.shape_cast %get3A_526 : vector<16xi32> to vector<16xi32>
        %get3A_528 = arith.constant 224 : index
        %get3A_529 = tpu.vector_load %arg9[%get3A_528] {strides = array<i32>} : memref<400xi32, #tpu.memory_space<vmem>>, vector<16xi32>,
        %get3A_530 = vector.shape_cast %get3A_529 : vector<16xi32> to vector<16xi32>
        %get3A_531 = arith.constant 224 : index
        %get3A_532 = tpu.vector_load %arg10[%get3A_531] {strides = array<i32>} : memref<400xi32, #tpu.memory_space<vmem>>, vector<16xi32>,
        %get3A_533 = vector.shape_cast %get3A_532 : vector<16xi32> to vector<16xi32>
        %sub3A_534 = vector.broadcast %mul3A_63 : i32 to vector<16xi32>
        %sub3A_535 = arith.subi %get3A_530, %sub3A_534 : vector<16xi32>
        %eq3A_536 = vector.broadcast %add3A : i32 to vector<16xi32>
        %eq3A_537 = arith.cmpi eq, %get3A_533, %eq3A_536 : vector<16xi32>
        %ge3A_538 = arith.constant 0 : i32
        %ge3A_539 = vector.broadcast %ge3A_538 : i32 to vector<16xi32>
        %ge3A_540 = arith.cmpi sge, %sub3A_535, %ge3A_539 : vector<16xi32>
        %and3A_541 = arith.andi %eq3A_537, %ge3A_540 : vector<16xi1>
        %lt3A_542 = arith.constant 5120 : i32
        %lt3A_543 = vector.broadcast %lt3A_542 : i32 to vector<16xi32>
        %lt3A_544 = arith.cmpi slt, %sub3A_535, %lt3A_543 : vector<16xi32>
        %and3A_545 = arith.andi %and3A_541, %lt3A_544 : vector<16xi1>
        %swap3A_546 = arith.constant 64 : index
        %swap3A_547 = tpu.vector_load %arg13[%swap3A_546] {strides = array<i32>} : memref<80xi32, #tpu.memory_space<vmem>>, vector<16xi32>,
        %swap3A_548 = vector.shape_cast %swap3A_547 : vector<16xi32> to vector<16xi32>
        %swap3A_549 = vector.shape_cast %get3A_527 : vector<16xi32> to vector<16xi32>
        tpu.vector_store %arg13[%swap3A_546], %swap3A_549 {strides = array<i32>} : memref<80xi32, #tpu.memory_space<vmem>>, vector<16xi32>,
        %select_n3A_550 = arith.select %and3A_545, %sub3A_535, %broadcast_in_dim3A_4 : vector<16xi1>, vector<16xi32>
        %swap3A_551 = arith.constant 64 : index
        %swap3A_552 = tpu.vector_load %arg18[%swap3A_551] {strides = array<i32>} : memref<80xi32, #tpu.memory_space<vmem>>, vector<16xi32>,
        %swap3A_553 = vector.shape_cast %swap3A_552 : vector<16xi32> to vector<16xi32>
        %swap3A_554 = vector.shape_cast %select_n3A_550 : vector<16xi32> to vector<16xi32>
        tpu.vector_store %arg18[%swap3A_551], %swap3A_554 {strides = array<i32>} : memref<80xi32, #tpu.memory_space<vmem>>, vector<16xi32>,
        %dma_start3A_555 = arith.constant 0 : i32
        %dma_start3A_556 = arith.constant 0 : i32
        %dma_start3A_557 = tpu.memref_slice %arg2[%dma_start3A_555, %dma_start3A_556] : memref<10000x128xf32, #tpu.memory_space<hbm>> -> memref<10000x128xf32, #tpu.memory_space<hbm>>
        tpu.enqueue_indirect_dma source(%dma_start3A_557 : memref<10000x128xf32, #tpu.memory_space<hbm>>) target(%arg23 : memref<80x128xf32, #tpu.memory_space<vmem>>) offsets(%arg13 : memref<80xi32, #tpu.memory_space<vmem>>) semaphore(%arg33 : memref<!tpu.dma_semaphore, #tpu.memory_space<semaphore_mem>>)
        %get3A_558 = arith.constant 240 : index
        %get3A_559 = tpu.vector_load %arg8[%get3A_558] {strides = array<i32>} : memref<400xi32, #tpu.memory_space<vmem>>, vector<16xi32>,
        %get3A_560 = vector.shape_cast %get3A_559 : vector<16xi32> to vector<16xi32>
        %get3A_561 = arith.constant 240 : index
        %get3A_562 = tpu.vector_load %arg9[%get3A_561] {strides = array<i32>} : memref<400xi32, #tpu.memory_space<vmem>>, vector<16xi32>,
        %get3A_563 = vector.shape_cast %get3A_562 : vector<16xi32> to vector<16xi32>
        %get3A_564 = arith.constant 240 : index
        %get3A_565 = tpu.vector_load %arg10[%get3A_564] {strides = array<i32>} : memref<400xi32, #tpu.memory_space<vmem>>, vector<16xi32>,
        %get3A_566 = vector.shape_cast %get3A_565 : vector<16xi32> to vector<16xi32>
        %sub3A_567 = vector.broadcast %mul3A_63 : i32 to vector<16xi32>
        %sub3A_568 = arith.subi %get3A_563, %sub3A_567 : vector<16xi32>
        %eq3A_569 = vector.broadcast %add3A : i32 to vector<16xi32>
        %eq3A_570 = arith.cmpi eq, %get3A_566, %eq3A_569 : vector<16xi32>
        %ge3A_571 = arith.constant 0 : i32
        %ge3A_572 = vector.broadcast %ge3A_571 : i32 to vector<16xi32>
        %ge3A_573 = arith.cmpi sge, %sub3A_568, %ge3A_572 : vector<16xi32>
        %and3A_574 = arith.andi %eq3A_570, %ge3A_573 : vector<16xi1>
        %lt3A_575 = arith.constant 5120 : i32
        %lt3A_576 = vector.broadcast %lt3A_575 : i32 to vector<16xi32>
        %lt3A_577 = arith.cmpi slt, %sub3A_568, %lt3A_576 : vector<16xi32>
        %and3A_578 = arith.andi %and3A_574, %lt3A_577 : vector<16xi1>
        %swap3A_579 = arith.constant 0 : index
        %swap3A_580 = tpu.vector_load %arg14[%swap3A_579] {strides = array<i32>} : memref<80xi32, #tpu.memory_space<vmem>>, vector<16xi32>,
        %swap3A_581 = vector.shape_cast %swap3A_580 : vector<16xi32> to vector<16xi32>
        %swap3A_582 = vector.shape_cast %get3A_560 : vector<16xi32> to vector<16xi32>
        tpu.vector_store %arg14[%swap3A_579], %swap3A_582 {strides = array<i32>} : memref<80xi32, #tpu.memory_space<vmem>>, vector<16xi32>,
        %select_n3A_583 = arith.select %and3A_578, %sub3A_568, %broadcast_in_dim3A_4 : vector<16xi1>, vector<16xi32>
        %swap3A_584 = arith.constant 0 : index
        %swap3A_585 = tpu.vector_load %arg19[%swap3A_584] {strides = array<i32>} : memref<80xi32, #tpu.memory_space<vmem>>, vector<16xi32>,
        %swap3A_586 = vector.shape_cast %swap3A_585 : vector<16xi32> to vector<16xi32>
        %swap3A_587 = vector.shape_cast %select_n3A_583 : vector<16xi32> to vector<16xi32>
        tpu.vector_store %arg19[%swap3A_584], %swap3A_587 {strides = array<i32>} : memref<80xi32, #tpu.memory_space<vmem>>, vector<16xi32>,
        %get3A_588 = arith.constant 256 : index
        %get3A_589 = tpu.vector_load %arg8[%get3A_588] {strides = array<i32>} : memref<400xi32, #tpu.memory_space<vmem>>, vector<16xi32>,
        %get3A_590 = vector.shape_cast %get3A_589 : vector<16xi32> to vector<16xi32>
        %get3A_591 = arith.constant 256 : index
        %get3A_592 = tpu.vector_load %arg9[%get3A_591] {strides = array<i32>} : memref<400xi32, #tpu.memory_space<vmem>>, vector<16xi32>,
        %get3A_593 = vector.shape_cast %get3A_592 : vector<16xi32> to vector<16xi32>
        %get3A_594 = arith.constant 256 : index
        %get3A_595 = tpu.vector_load %arg10[%get3A_594] {strides = array<i32>} : memref<400xi32, #tpu.memory_space<vmem>>, vector<16xi32>,
        %get3A_596 = vector.shape_cast %get3A_595 : vector<16xi32> to vector<16xi32>
        %sub3A_597 = vector.broadcast %mul3A_63 : i32 to vector<16xi32>
        %sub3A_598 = arith.subi %get3A_593, %sub3A_597 : vector<16xi32>
        %eq3A_599 = vector.broadcast %add3A : i32 to vector<16xi32>
        %eq3A_600 = arith.cmpi eq, %get3A_596, %eq3A_599 : vector<16xi32>
        %ge3A_601 = arith.constant 0 : i32
        %ge3A_602 = vector.broadcast %ge3A_601 : i32 to vector<16xi32>
        %ge3A_603 = arith.cmpi sge, %sub3A_598, %ge3A_602 : vector<16xi32>
        %and3A_604 = arith.andi %eq3A_600, %ge3A_603 : vector<16xi1>
        %lt3A_605 = arith.constant 5120 : i32
        %lt3A_606 = vector.broadcast %lt3A_605 : i32 to vector<16xi32>
        %lt3A_607 = arith.cmpi slt, %sub3A_598, %lt3A_606 : vector<16xi32>
        %and3A_608 = arith.andi %and3A_604, %lt3A_607 : vector<16xi1>
        %swap3A_609 = arith.constant 16 : index
        %swap3A_610 = tpu.vector_load %arg14[%swap3A_609] {strides = array<i32>} : memref<80xi32, #tpu.memory_space<vmem>>, vector<16xi32>,
        %swap3A_611 = vector.shape_cast %swap3A_610 : vector<16xi32> to vector<16xi32>
        %swap3A_612 = vector.shape_cast %get3A_590 : vector<16xi32> to vector<16xi32>
        tpu.vector_store %arg14[%swap3A_609], %swap3A_612 {strides = array<i32>} : memref<80xi32, #tpu.memory_space<vmem>>, vector<16xi32>,
        %select_n3A_613 = arith.select %and3A_608, %sub3A_598, %broadcast_in_dim3A_4 : vector<16xi1>, vector<16xi32>
        %swap3A_614 = arith.constant 16 : index
        %swap3A_615 = tpu.vector_load %arg19[%swap3A_614] {strides = array<i32>} : memref<80xi32, #tpu.memory_space<vmem>>, vector<16xi32>,
        %swap3A_616 = vector.shape_cast %swap3A_615 : vector<16xi32> to vector<16xi32>
        %swap3A_617 = vector.shape_cast %select_n3A_613 : vector<16xi32> to vector<16xi32>
        tpu.vector_store %arg19[%swap3A_614], %swap3A_617 {strides = array<i32>} : memref<80xi32, #tpu.memory_space<vmem>>, vector<16xi32>,
        %get3A_618 = arith.constant 272 : index
        %get3A_619 = tpu.vector_load %arg8[%get3A_618] {strides = array<i32>} : memref<400xi32, #tpu.memory_space<vmem>>, vector<16xi32>,
        %get3A_620 = vector.shape_cast %get3A_619 : vector<16xi32> to vector<16xi32>
        %get3A_621 = arith.constant 272 : index
        %get3A_622 = tpu.vector_load %arg9[%get3A_621] {strides = array<i32>} : memref<400xi32, #tpu.memory_space<vmem>>, vector<16xi32>,
        %get3A_623 = vector.shape_cast %get3A_622 : vector<16xi32> to vector<16xi32>
        %get3A_624 = arith.constant 272 : index
        %get3A_625 = tpu.vector_load %arg10[%get3A_624] {strides = array<i32>} : memref<400xi32, #tpu.memory_space<vmem>>, vector<16xi32>,
        %get3A_626 = vector.shape_cast %get3A_625 : vector<16xi32> to vector<16xi32>
        %sub3A_627 = vector.broadcast %mul3A_63 : i32 to vector<16xi32>
        %sub3A_628 = arith.subi %get3A_623, %sub3A_627 : vector<16xi32>
        %eq3A_629 = vector.broadcast %add3A : i32 to vector<16xi32>
        %eq3A_630 = arith.cmpi eq, %get3A_626, %eq3A_629 : vector<16xi32>
        %ge3A_631 = arith.constant 0 : i32
        %ge3A_632 = vector.broadcast %ge3A_631 : i32 to vector<16xi32>
        %ge3A_633 = arith.cmpi sge, %sub3A_628, %ge3A_632 : vector<16xi32>
        %and3A_634 = arith.andi %eq3A_630, %ge3A_633 : vector<16xi1>
        %lt3A_635 = arith.constant 5120 : i32
        %lt3A_636 = vector.broadcast %lt3A_635 : i32 to vector<16xi32>
        %lt3A_637 = arith.cmpi slt, %sub3A_628, %lt3A_636 : vector<16xi32>
        %and3A_638 = arith.andi %and3A_634, %lt3A_637 : vector<16xi1>
        %swap3A_639 = arith.constant 32 : index
        %swap3A_640 = tpu.vector_load %arg14[%swap3A_639] {strides = array<i32>} : memref<80xi32, #tpu.memory_space<vmem>>, vector<16xi32>,
        %swap3A_641 = vector.shape_cast %swap3A_640 : vector<16xi32> to vector<16xi32>
        %swap3A_642 = vector.shape_cast %get3A_620 : vector<16xi32> to vector<16xi32>
        tpu.vector_store %arg14[%swap3A_639], %swap3A_642 {strides = array<i32>} : memref<80xi32, #tpu.memory_space<vmem>>, vector<16xi32>,
        %select_n3A_643 = arith.select %and3A_638, %sub3A_628, %broadcast_in_dim3A_4 : vector<16xi1>, vector<16xi32>
        %swap3A_644 = arith.constant 32 : index
        %swap3A_645 = tpu.vector_load %arg19[%swap3A_644] {strides = array<i32>} : memref<80xi32, #tpu.memory_space<vmem>>, vector<16xi32>,
        %swap3A_646 = vector.shape_cast %swap3A_645 : vector<16xi32> to vector<16xi32>
        %swap3A_647 = vector.shape_cast %select_n3A_643 : vector<16xi32> to vector<16xi32>
        tpu.vector_store %arg19[%swap3A_644], %swap3A_647 {strides = array<i32>} : memref<80xi32, #tpu.memory_space<vmem>>, vector<16xi32>,
        %get3A_648 = arith.constant 288 : index
        %get3A_649 = tpu.vector_load %arg8[%get3A_648] {strides = array<i32>} : memref<400xi32, #tpu.memory_space<vmem>>, vector<16xi32>,
        %get3A_650 = vector.shape_cast %get3A_649 : vector<16xi32> to vector<16xi32>
        %get3A_651 = arith.constant 288 : index
        %get3A_652 = tpu.vector_load %arg9[%get3A_651] {strides = array<i32>} : memref<400xi32, #tpu.memory_space<vmem>>, vector<16xi32>,
        %get3A_653 = vector.shape_cast %get3A_652 : vector<16xi32> to vector<16xi32>
        %get3A_654 = arith.constant 288 : index
        %get3A_655 = tpu.vector_load %arg10[%get3A_654] {strides = array<i32>} : memref<400xi32, #tpu.memory_space<vmem>>, vector<16xi32>,
        %get3A_656 = vector.shape_cast %get3A_655 : vector<16xi32> to vector<16xi32>
        %sub3A_657 = vector.broadcast %mul3A_63 : i32 to vector<16xi32>
        %sub3A_658 = arith.subi %get3A_653, %sub3A_657 : vector<16xi32>
        %eq3A_659 = vector.broadcast %add3A : i32 to vector<16xi32>
        %eq3A_660 = arith.cmpi eq, %get3A_656, %eq3A_659 : vector<16xi32>
        %ge3A_661 = arith.constant 0 : i32
        %ge3A_662 = vector.broadcast %ge3A_661 : i32 to vector<16xi32>
        %ge3A_663 = arith.cmpi sge, %sub3A_658, %ge3A_662 : vector<16xi32>
        %and3A_664 = arith.andi %eq3A_660, %ge3A_663 : vector<16xi1>
        %lt3A_665 = arith.constant 5120 : i32
        %lt3A_666 = vector.broadcast %lt3A_665 : i32 to vector<16xi32>
        %lt3A_667 = arith.cmpi slt, %sub3A_658, %lt3A_666 : vector<16xi32>
        %and3A_668 = arith.andi %and3A_664, %lt3A_667 : vector<16xi1>
        %swap3A_669 = arith.constant 48 : index
        %swap3A_670 = tpu.vector_load %arg14[%swap3A_669] {strides = array<i32>} : memref<80xi32, #tpu.memory_space<vmem>>, vector<16xi32>,
        %swap3A_671 = vector.shape_cast %swap3A_670 : vector<16xi32> to vector<16xi32>
        %swap3A_672 = vector.shape_cast %get3A_650 : vector<16xi32> to vector<16xi32>
        tpu.vector_store %arg14[%swap3A_669], %swap3A_672 {strides = array<i32>} : memref<80xi32, #tpu.memory_space<vmem>>, vector<16xi32>,
        %select_n3A_673 = arith.select %and3A_668, %sub3A_658, %broadcast_in_dim3A_4 : vector<16xi1>, vector<16xi32>
        %swap3A_674 = arith.constant 48 : index
        %swap3A_675 = tpu.vector_load %arg19[%swap3A_674] {strides = array<i32>} : memref<80xi32, #tpu.memory_space<vmem>>, vector<16xi32>,
        %swap3A_676 = vector.shape_cast %swap3A_675 : vector<16xi32> to vector<16xi32>
        %swap3A_677 = vector.shape_cast %select_n3A_673 : vector<16xi32> to vector<16xi32>
        tpu.vector_store %arg19[%swap3A_674], %swap3A_677 {strides = array<i32>} : memref<80xi32, #tpu.memory_space<vmem>>, vector<16xi32>,
        %get3A_678 = arith.constant 304 : index
        %get3A_679 = tpu.vector_load %arg8[%get3A_678] {strides = array<i32>} : memref<400xi32, #tpu.memory_space<vmem>>, vector<16xi32>,
        %get3A_680 = vector.shape_cast %get3A_679 : vector<16xi32> to vector<16xi32>
        %get3A_681 = arith.constant 304 : index
        %get3A_682 = tpu.vector_load %arg9[%get3A_681] {strides = array<i32>} : memref<400xi32, #tpu.memory_space<vmem>>, vector<16xi32>,
        %get3A_683 = vector.shape_cast %get3A_682 : vector<16xi32> to vector<16xi32>
        %get3A_684 = arith.constant 304 : index
        %get3A_685 = tpu.vector_load %arg10[%get3A_684] {strides = array<i32>} : memref<400xi32, #tpu.memory_space<vmem>>, vector<16xi32>,
        %get3A_686 = vector.shape_cast %get3A_685 : vector<16xi32> to vector<16xi32>
        %sub3A_687 = vector.broadcast %mul3A_63 : i32 to vector<16xi32>
        %sub3A_688 = arith.subi %get3A_683, %sub3A_687 : vector<16xi32>
        %eq3A_689 = vector.broadcast %add3A : i32 to vector<16xi32>
        %eq3A_690 = arith.cmpi eq, %get3A_686, %eq3A_689 : vector<16xi32>
        %ge3A_691 = arith.constant 0 : i32
        %ge3A_692 = vector.broadcast %ge3A_691 : i32 to vector<16xi32>
        %ge3A_693 = arith.cmpi sge, %sub3A_688, %ge3A_692 : vector<16xi32>
        %and3A_694 = arith.andi %eq3A_690, %ge3A_693 : vector<16xi1>
        %lt3A_695 = arith.constant 5120 : i32
        %lt3A_696 = vector.broadcast %lt3A_695 : i32 to vector<16xi32>
        %lt3A_697 = arith.cmpi slt, %sub3A_688, %lt3A_696 : vector<16xi32>
        %and3A_698 = arith.andi %and3A_694, %lt3A_697 : vector<16xi1>
        %swap3A_699 = arith.constant 64 : index
        %swap3A_700 = tpu.vector_load %arg14[%swap3A_699] {strides = array<i32>} : memref<80xi32, #tpu.memory_space<vmem>>, vector<16xi32>,
        %swap3A_701 = vector.shape_cast %swap3A_700 : vector<16xi32> to vector<16xi32>
        %swap3A_702 = vector.shape_cast %get3A_680 : vector<16xi32> to vector<16xi32>
        tpu.vector_store %arg14[%swap3A_699], %swap3A_702 {strides = array<i32>} : memref<80xi32, #tpu.memory_space<vmem>>, vector<16xi32>,
        %select_n3A_703 = arith.select %and3A_698, %sub3A_688, %broadcast_in_dim3A_4 : vector<16xi1>, vector<16xi32>
        %swap3A_704 = arith.constant 64 : index
        %swap3A_705 = tpu.vector_load %arg19[%swap3A_704] {strides = array<i32>} : memref<80xi32, #tpu.memory_space<vmem>>, vector<16xi32>,
        %swap3A_706 = vector.shape_cast %swap3A_705 : vector<16xi32> to vector<16xi32>
        %swap3A_707 = vector.shape_cast %select_n3A_703 : vector<16xi32> to vector<16xi32>
        tpu.vector_store %arg19[%swap3A_704], %swap3A_707 {strides = array<i32>} : memref<80xi32, #tpu.memory_space<vmem>>, vector<16xi32>,
        %dma_start3A_708 = arith.constant 0 : i32
        %dma_start3A_709 = arith.constant 0 : i32
        %dma_start3A_710 = tpu.memref_slice %arg2[%dma_start3A_708, %dma_start3A_709] : memref<10000x128xf32, #tpu.memory_space<hbm>> -> memref<10000x128xf32, #tpu.memory_space<hbm>>
        tpu.enqueue_indirect_dma source(%dma_start3A_710 : memref<10000x128xf32, #tpu.memory_space<hbm>>) target(%arg24 : memref<80x128xf32, #tpu.memory_space<vmem>>) offsets(%arg14 : memref<80xi32, #tpu.memory_space<vmem>>) semaphore(%arg34 : memref<!tpu.dma_semaphore, #tpu.memory_space<semaphore_mem>>)
        %get3A_711 = arith.constant 320 : index
        %get3A_712 = tpu.vector_load %arg8[%get3A_711] {strides = array<i32>} : memref<400xi32, #tpu.memory_space<vmem>>, vector<16xi32>,
        %get3A_713 = vector.shape_cast %get3A_712 : vector<16xi32> to vector<16xi32>
        %get3A_714 = arith.constant 320 : index
        %get3A_715 = tpu.vector_load %arg9[%get3A_714] {strides = array<i32>} : memref<400xi32, #tpu.memory_space<vmem>>, vector<16xi32>,
        %get3A_716 = vector.shape_cast %get3A_715 : vector<16xi32> to vector<16xi32>
        %get3A_717 = arith.constant 320 : index
        %get3A_718 = tpu.vector_load %arg10[%get3A_717] {strides = array<i32>} : memref<400xi32, #tpu.memory_space<vmem>>, vector<16xi32>,
        %get3A_719 = vector.shape_cast %get3A_718 : vector<16xi32> to vector<16xi32>
        %sub3A_720 = vector.broadcast %mul3A_63 : i32 to vector<16xi32>
        %sub3A_721 = arith.subi %get3A_716, %sub3A_720 : vector<16xi32>
        %eq3A_722 = vector.broadcast %add3A : i32 to vector<16xi32>
        %eq3A_723 = arith.cmpi eq, %get3A_719, %eq3A_722 : vector<16xi32>
        %ge3A_724 = arith.constant 0 : i32
        %ge3A_725 = vector.broadcast %ge3A_724 : i32 to vector<16xi32>
        %ge3A_726 = arith.cmpi sge, %sub3A_721, %ge3A_725 : vector<16xi32>
        %and3A_727 = arith.andi %eq3A_723, %ge3A_726 : vector<16xi1>
        %lt3A_728 = arith.constant 5120 : i32
        %lt3A_729 = vector.broadcast %lt3A_728 : i32 to vector<16xi32>
        %lt3A_730 = arith.cmpi slt, %sub3A_721, %lt3A_729 : vector<16xi32>
        %and3A_731 = arith.andi %and3A_727, %lt3A_730 : vector<16xi1>
        %swap3A_732 = arith.constant 0 : index
        %swap3A_733 = tpu.vector_load %arg15[%swap3A_732] {strides = array<i32>} : memref<80xi32, #tpu.memory_space<vmem>>, vector<16xi32>,
        %swap3A_734 = vector.shape_cast %swap3A_733 : vector<16xi32> to vector<16xi32>
        %swap3A_735 = vector.shape_cast %get3A_713 : vector<16xi32> to vector<16xi32>
        tpu.vector_store %arg15[%swap3A_732], %swap3A_735 {strides = array<i32>} : memref<80xi32, #tpu.memory_space<vmem>>, vector<16xi32>,
        %select_n3A_736 = arith.select %and3A_731, %sub3A_721, %broadcast_in_dim3A_4 : vector<16xi1>, vector<16xi32>
        %swap3A_737 = arith.constant 0 : index
        %swap3A_738 = tpu.vector_load %arg20[%swap3A_737] {strides = array<i32>} : memref<80xi32, #tpu.memory_space<vmem>>, vector<16xi32>,
        %swap3A_739 = vector.shape_cast %swap3A_738 : vector<16xi32> to vector<16xi32>
        %swap3A_740 = vector.shape_cast %select_n3A_736 : vector<16xi32> to vector<16xi32>
        tpu.vector_store %arg20[%swap3A_737], %swap3A_740 {strides = array<i32>} : memref<80xi32, #tpu.memory_space<vmem>>, vector<16xi32>,
        %get3A_741 = arith.constant 336 : index
        %get3A_742 = tpu.vector_load %arg8[%get3A_741] {strides = array<i32>} : memref<400xi32, #tpu.memory_space<vmem>>, vector<16xi32>,
        %get3A_743 = vector.shape_cast %get3A_742 : vector<16xi32> to vector<16xi32>
        %get3A_744 = arith.constant 336 : index
        %get3A_745 = tpu.vector_load %arg9[%get3A_744] {strides = array<i32>} : memref<400xi32, #tpu.memory_space<vmem>>, vector<16xi32>,
        %get3A_746 = vector.shape_cast %get3A_745 : vector<16xi32> to vector<16xi32>
        %get3A_747 = arith.constant 336 : index
        %get3A_748 = tpu.vector_load %arg10[%get3A_747] {strides = array<i32>} : memref<400xi32, #tpu.memory_space<vmem>>, vector<16xi32>,
        %get3A_749 = vector.shape_cast %get3A_748 : vector<16xi32> to vector<16xi32>
        %sub3A_750 = vector.broadcast %mul3A_63 : i32 to vector<16xi32>
        %sub3A_751 = arith.subi %get3A_746, %sub3A_750 : vector<16xi32>
        %eq3A_752 = vector.broadcast %add3A : i32 to vector<16xi32>
        %eq3A_753 = arith.cmpi eq, %get3A_749, %eq3A_752 : vector<16xi32>
        %ge3A_754 = arith.constant 0 : i32
        %ge3A_755 = vector.broadcast %ge3A_754 : i32 to vector<16xi32>
        %ge3A_756 = arith.cmpi sge, %sub3A_751, %ge3A_755 : vector<16xi32>
        %and3A_757 = arith.andi %eq3A_753, %ge3A_756 : vector<16xi1>
        %lt3A_758 = arith.constant 5120 : i32
        %lt3A_759 = vector.broadcast %lt3A_758 : i32 to vector<16xi32>
        %lt3A_760 = arith.cmpi slt, %sub3A_751, %lt3A_759 : vector<16xi32>
        %and3A_761 = arith.andi %and3A_757, %lt3A_760 : vector<16xi1>
        %swap3A_762 = arith.constant 16 : index
        %swap3A_763 = tpu.vector_load %arg15[%swap3A_762] {strides = array<i32>} : memref<80xi32, #tpu.memory_space<vmem>>, vector<16xi32>,
        %swap3A_764 = vector.shape_cast %swap3A_763 : vector<16xi32> to vector<16xi32>
        %swap3A_765 = vector.shape_cast %get3A_743 : vector<16xi32> to vector<16xi32>
        tpu.vector_store %arg15[%swap3A_762], %swap3A_765 {strides = array<i32>} : memref<80xi32, #tpu.memory_space<vmem>>, vector<16xi32>,
        %select_n3A_766 = arith.select %and3A_761, %sub3A_751, %broadcast_in_dim3A_4 : vector<16xi1>, vector<16xi32>
        %swap3A_767 = arith.constant 16 : index
        %swap3A_768 = tpu.vector_load %arg20[%swap3A_767] {strides = array<i32>} : memref<80xi32, #tpu.memory_space<vmem>>, vector<16xi32>,
        %swap3A_769 = vector.shape_cast %swap3A_768 : vector<16xi32> to vector<16xi32>
        %swap3A_770 = vector.shape_cast %select_n3A_766 : vector<16xi32> to vector<16xi32>
        tpu.vector_store %arg20[%swap3A_767], %swap3A_770 {strides = array<i32>} : memref<80xi32, #tpu.memory_space<vmem>>, vector<16xi32>,
        %get3A_771 = arith.constant 352 : index
        %get3A_772 = tpu.vector_load %arg8[%get3A_771] {strides = array<i32>} : memref<400xi32, #tpu.memory_space<vmem>>, vector<16xi32>,
        %get3A_773 = vector.shape_cast %get3A_772 : vector<16xi32> to vector<16xi32>
        %get3A_774 = arith.constant 352 : index
        %get3A_775 = tpu.vector_load %arg9[%get3A_774] {strides = array<i32>} : memref<400xi32, #tpu.memory_space<vmem>>, vector<16xi32>,
        %get3A_776 = vector.shape_cast %get3A_775 : vector<16xi32> to vector<16xi32>
        %get3A_777 = arith.constant 352 : index
        %get3A_778 = tpu.vector_load %arg10[%get3A_777] {strides = array<i32>} : memref<400xi32, #tpu.memory_space<vmem>>, vector<16xi32>,
        %get3A_779 = vector.shape_cast %get3A_778 : vector<16xi32> to vector<16xi32>
        %sub3A_780 = vector.broadcast %mul3A_63 : i32 to vector<16xi32>
        %sub3A_781 = arith.subi %get3A_776, %sub3A_780 : vector<16xi32>
        %eq3A_782 = vector.broadcast %add3A : i32 to vector<16xi32>
        %eq3A_783 = arith.cmpi eq, %get3A_779, %eq3A_782 : vector<16xi32>
        %ge3A_784 = arith.constant 0 : i32
        %ge3A_785 = vector.broadcast %ge3A_784 : i32 to vector<16xi32>
        %ge3A_786 = arith.cmpi sge, %sub3A_781, %ge3A_785 : vector<16xi32>
        %and3A_787 = arith.andi %eq3A_783, %ge3A_786 : vector<16xi1>
        %lt3A_788 = arith.constant 5120 : i32
        %lt3A_789 = vector.broadcast %lt3A_788 : i32 to vector<16xi32>
        %lt3A_790 = arith.cmpi slt, %sub3A_781, %lt3A_789 : vector<16xi32>
        %and3A_791 = arith.andi %and3A_787, %lt3A_790 : vector<16xi1>
        %swap3A_792 = arith.constant 32 : index
        %swap3A_793 = tpu.vector_load %arg15[%swap3A_792] {strides = array<i32>} : memref<80xi32, #tpu.memory_space<vmem>>, vector<16xi32>,
        %swap3A_794 = vector.shape_cast %swap3A_793 : vector<16xi32> to vector<16xi32>
        %swap3A_795 = vector.shape_cast %get3A_773 : vector<16xi32> to vector<16xi32>
        tpu.vector_store %arg15[%swap3A_792], %swap3A_795 {strides = array<i32>} : memref<80xi32, #tpu.memory_space<vmem>>, vector<16xi32>,
        %select_n3A_796 = arith.select %and3A_791, %sub3A_781, %broadcast_in_dim3A_4 : vector<16xi1>, vector<16xi32>
        %swap3A_797 = arith.constant 32 : index
        %swap3A_798 = tpu.vector_load %arg20[%swap3A_797] {strides = array<i32>} : memref<80xi32, #tpu.memory_space<vmem>>, vector<16xi32>,
        %swap3A_799 = vector.shape_cast %swap3A_798 : vector<16xi32> to vector<16xi32>
        %swap3A_800 = vector.shape_cast %select_n3A_796 : vector<16xi32> to vector<16xi32>
        tpu.vector_store %arg20[%swap3A_797], %swap3A_800 {strides = array<i32>} : memref<80xi32, #tpu.memory_space<vmem>>, vector<16xi32>,
        %get3A_801 = arith.constant 368 : index
        %get3A_802 = tpu.vector_load %arg8[%get3A_801] {strides = array<i32>} : memref<400xi32, #tpu.memory_space<vmem>>, vector<16xi32>,
        %get3A_803 = vector.shape_cast %get3A_802 : vector<16xi32> to vector<16xi32>
        %get3A_804 = arith.constant 368 : index
        %get3A_805 = tpu.vector_load %arg9[%get3A_804] {strides = array<i32>} : memref<400xi32, #tpu.memory_space<vmem>>, vector<16xi32>,
        %get3A_806 = vector.shape_cast %get3A_805 : vector<16xi32> to vector<16xi32>
        %get3A_807 = arith.constant 368 : index
        %get3A_808 = tpu.vector_load %arg10[%get3A_807] {strides = array<i32>} : memref<400xi32, #tpu.memory_space<vmem>>, vector<16xi32>,
        %get3A_809 = vector.shape_cast %get3A_808 : vector<16xi32> to vector<16xi32>
        %sub3A_810 = vector.broadcast %mul3A_63 : i32 to vector<16xi32>
        %sub3A_811 = arith.subi %get3A_806, %sub3A_810 : vector<16xi32>
        %eq3A_812 = vector.broadcast %add3A : i32 to vector<16xi32>
        %eq3A_813 = arith.cmpi eq, %get3A_809, %eq3A_812 : vector<16xi32>
        %ge3A_814 = arith.constant 0 : i32
        %ge3A_815 = vector.broadcast %ge3A_814 : i32 to vector<16xi32>
        %ge3A_816 = arith.cmpi sge, %sub3A_811, %ge3A_815 : vector<16xi32>
        %and3A_817 = arith.andi %eq3A_813, %ge3A_816 : vector<16xi1>
        %lt3A_818 = arith.constant 5120 : i32
        %lt3A_819 = vector.broadcast %lt3A_818 : i32 to vector<16xi32>
        %lt3A_820 = arith.cmpi slt, %sub3A_811, %lt3A_819 : vector<16xi32>
        %and3A_821 = arith.andi %and3A_817, %lt3A_820 : vector<16xi1>
        %swap3A_822 = arith.constant 48 : index
        %swap3A_823 = tpu.vector_load %arg15[%swap3A_822] {strides = array<i32>} : memref<80xi32, #tpu.memory_space<vmem>>, vector<16xi32>,
        %swap3A_824 = vector.shape_cast %swap3A_823 : vector<16xi32> to vector<16xi32>
        %swap3A_825 = vector.shape_cast %get3A_803 : vector<16xi32> to vector<16xi32>
        tpu.vector_store %arg15[%swap3A_822], %swap3A_825 {strides = array<i32>} : memref<80xi32, #tpu.memory_space<vmem>>, vector<16xi32>,
        %select_n3A_826 = arith.select %and3A_821, %sub3A_811, %broadcast_in_dim3A_4 : vector<16xi1>, vector<16xi32>
        %swap3A_827 = arith.constant 48 : index
        %swap3A_828 = tpu.vector_load %arg20[%swap3A_827] {strides = array<i32>} : memref<80xi32, #tpu.memory_space<vmem>>, vector<16xi32>,
        %swap3A_829 = vector.shape_cast %swap3A_828 : vector<16xi32> to vector<16xi32>
        %swap3A_830 = vector.shape_cast %select_n3A_826 : vector<16xi32> to vector<16xi32>
        tpu.vector_store %arg20[%swap3A_827], %swap3A_830 {strides = array<i32>} : memref<80xi32, #tpu.memory_space<vmem>>, vector<16xi32>,
        %get3A_831 = arith.constant 384 : index
        %get3A_832 = tpu.vector_load %arg8[%get3A_831] {strides = array<i32>} : memref<400xi32, #tpu.memory_space<vmem>>, vector<16xi32>,
        %get3A_833 = vector.shape_cast %get3A_832 : vector<16xi32> to vector<16xi32>
        %get3A_834 = arith.constant 384 : index
        %get3A_835 = tpu.vector_load %arg9[%get3A_834] {strides = array<i32>} : memref<400xi32, #tpu.memory_space<vmem>>, vector<16xi32>,
        %get3A_836 = vector.shape_cast %get3A_835 : vector<16xi32> to vector<16xi32>
        %get3A_837 = arith.constant 384 : index
        %get3A_838 = tpu.vector_load %arg10[%get3A_837] {strides = array<i32>} : memref<400xi32, #tpu.memory_space<vmem>>, vector<16xi32>,
        %get3A_839 = vector.shape_cast %get3A_838 : vector<16xi32> to vector<16xi32>
        %sub3A_840 = vector.broadcast %mul3A_63 : i32 to vector<16xi32>
        %sub3A_841 = arith.subi %get3A_836, %sub3A_840 : vector<16xi32>
        %eq3A_842 = vector.broadcast %add3A : i32 to vector<16xi32>
        %eq3A_843 = arith.cmpi eq, %get3A_839, %eq3A_842 : vector<16xi32>
        %ge3A_844 = arith.constant 0 : i32
        %ge3A_845 = vector.broadcast %ge3A_844 : i32 to vector<16xi32>
        %ge3A_846 = arith.cmpi sge, %sub3A_841, %ge3A_845 : vector<16xi32>
        %and3A_847 = arith.andi %eq3A_843, %ge3A_846 : vector<16xi1>
        %lt3A_848 = arith.constant 5120 : i32
        %lt3A_849 = vector.broadcast %lt3A_848 : i32 to vector<16xi32>
        %lt3A_850 = arith.cmpi slt, %sub3A_841, %lt3A_849 : vector<16xi32>
        %and3A_851 = arith.andi %and3A_847, %lt3A_850 : vector<16xi1>
        %swap3A_852 = arith.constant 64 : index
        %swap3A_853 = tpu.vector_load %arg15[%swap3A_852] {strides = array<i32>} : memref<80xi32, #tpu.memory_space<vmem>>, vector<16xi32>,
        %swap3A_854 = vector.shape_cast %swap3A_853 : vector<16xi32> to vector<16xi32>
        %swap3A_855 = vector.shape_cast %get3A_833 : vector<16xi32> to vector<16xi32>
        tpu.vector_store %arg15[%swap3A_852], %swap3A_855 {strides = array<i32>} : memref<80xi32, #tpu.memory_space<vmem>>, vector<16xi32>,
        %select_n3A_856 = arith.select %and3A_851, %sub3A_841, %broadcast_in_dim3A_4 : vector<16xi1>, vector<16xi32>
        %swap3A_857 = arith.constant 64 : index
        %swap3A_858 = tpu.vector_load %arg20[%swap3A_857] {strides = array<i32>} : memref<80xi32, #tpu.memory_space<vmem>>, vector<16xi32>,
        %swap3A_859 = vector.shape_cast %swap3A_858 : vector<16xi32> to vector<16xi32>
        %swap3A_860 = vector.shape_cast %select_n3A_856 : vector<16xi32> to vector<16xi32>
        tpu.vector_store %arg20[%swap3A_857], %swap3A_860 {strides = array<i32>} : memref<80xi32, #tpu.memory_space<vmem>>, vector<16xi32>,
        %dma_start3A_861 = arith.constant 0 : i32
        %dma_start3A_862 = arith.constant 0 : i32
        %dma_start3A_863 = tpu.memref_slice %arg2[%dma_start3A_861, %dma_start3A_862] : memref<10000x128xf32, #tpu.memory_space<hbm>> -> memref<10000x128xf32, #tpu.memory_space<hbm>>
        tpu.enqueue_indirect_dma source(%dma_start3A_863 : memref<10000x128xf32, #tpu.memory_space<hbm>>) target(%arg25 : memref<80x128xf32, #tpu.memory_space<vmem>>) offsets(%arg15 : memref<80xi32, #tpu.memory_space<vmem>>) semaphore(%arg35 : memref<!tpu.dma_semaphore, #tpu.memory_space<semaphore_mem>>)
        %dma_wait3A = arith.constant 0 : i32
        %dma_wait3A_864 = arith.constant 0 : i32
        %dma_wait3A_865 = tpu.memref_slice %arg2[%dma_wait3A, %dma_wait3A_864] : memref<10000x128xf32, #tpu.memory_space<hbm>> -> memref<10000x128xf32, #tpu.memory_space<hbm>>
        tpu.wait_indirect_dma semaphore(%arg31 : memref<!tpu.dma_semaphore, #tpu.memory_space<semaphore_mem>>) src(%dma_wait3A_865 : memref<10000x128xf32, #tpu.memory_space<hbm>>) dst(%arg21 : memref<80x128xf32, #tpu.memory_space<vmem>>)
        "tpu.region"() ({
          %run_scoped3A = tpu.sem_alloc : memref<!tpu.dma_semaphore, #tpu.memory_space<semaphore_mem>>
          %dma_start3A_879 = arith.constant 0 : i32
          %dma_start3A_880 = arith.constant 0 : i32
          %dma_start3A_881 = tpu.memref_slice %arg29[%dma_start3A_879, %dma_start3A_880] : memref<5248x128xf32, #tpu.memory_space<vmem_shared>> -> memref<5248x128xf32, #tpu.memory_space<vmem_shared>>
          tpu.enqueue_indirect_dma source(%arg21 : memref<80x128xf32, #tpu.memory_space<vmem>>) target(%dma_start3A_881 : memref<5248x128xf32, #tpu.memory_space<vmem_shared>>) offsets(%arg16 : memref<80xi32, #tpu.memory_space<vmem>>) semaphore(%run_scoped3A : memref<!tpu.dma_semaphore, #tpu.memory_space<semaphore_mem>>) {add = true}
          %dma_wait3A_882 = arith.constant 0 : i32
          %dma_wait3A_883 = arith.constant 0 : i32
          %dma_wait3A_884 = tpu.memref_slice %arg29[%dma_wait3A_882, %dma_wait3A_883] : memref<5248x128xf32, #tpu.memory_space<vmem_shared>> -> memref<5248x128xf32, #tpu.memory_space<vmem_shared>>
          tpu.wait_indirect_dma semaphore(%run_scoped3A : memref<!tpu.dma_semaphore, #tpu.memory_space<semaphore_mem>>) src(%arg21 : memref<80x128xf32, #tpu.memory_space<vmem>>) dst(%dma_wait3A_884 : memref<5248x128xf32, #tpu.memory_space<vmem_shared>>)
          tpu.yield
        }) : () -> ()
        "tpu.region"() ({
          %run_scoped3A = tpu.sem_alloc : memref<!tpu.dma_semaphore, #tpu.memory_space<semaphore_mem>>
          %dma_start3A_879 = arith.constant 0 : i32
          %dma_start3A_880 = arith.constant 0 : i32
          %dma_start3A_881 = tpu.memref_slice %arg30[%dma_start3A_879, %dma_start3A_880] : memref<5248x16xf32, #tpu.memory_space<vmem_shared>> -> memref<5248x16xf32, #tpu.memory_space<vmem_shared>>
          tpu.enqueue_indirect_dma source(%arg26 : memref<80x16xf32, #tpu.memory_space<vmem>>) target(%dma_start3A_881 : memref<5248x16xf32, #tpu.memory_space<vmem_shared>>) offsets(%arg16 : memref<80xi32, #tpu.memory_space<vmem>>) semaphore(%run_scoped3A : memref<!tpu.dma_semaphore, #tpu.memory_space<semaphore_mem>>) {add = true}
          %dma_wait3A_882 = arith.constant 0 : i32
          %dma_wait3A_883 = arith.constant 0 : i32
          %dma_wait3A_884 = tpu.memref_slice %arg30[%dma_wait3A_882, %dma_wait3A_883] : memref<5248x16xf32, #tpu.memory_space<vmem_shared>> -> memref<5248x16xf32, #tpu.memory_space<vmem_shared>>
          tpu.wait_indirect_dma semaphore(%run_scoped3A : memref<!tpu.dma_semaphore, #tpu.memory_space<semaphore_mem>>) src(%arg26 : memref<80x16xf32, #tpu.memory_space<vmem>>) dst(%dma_wait3A_884 : memref<5248x16xf32, #tpu.memory_space<vmem_shared>>)
          tpu.yield
        }) : () -> ()
        %dma_wait3A_866 = arith.constant 0 : i32
        %dma_wait3A_867 = arith.constant 0 : i32
        %dma_wait3A_868 = tpu.memref_slice %arg2[%dma_wait3A_866, %dma_wait3A_867] : memref<10000x128xf32, #tpu.memory_space<hbm>> -> memref<10000x128xf32, #tpu.memory_space<hbm>>
        tpu.wait_indirect_dma semaphore(%arg32 : memref<!tpu.dma_semaphore, #tpu.memory_space<semaphore_mem>>) src(%dma_wait3A_868 : memref<10000x128xf32, #tpu.memory_space<hbm>>) dst(%arg22 : memref<80x128xf32, #tpu.memory_space<vmem>>)
        "tpu.region"() ({
          %run_scoped3A = tpu.sem_alloc : memref<!tpu.dma_semaphore, #tpu.memory_space<semaphore_mem>>
          %dma_start3A_879 = arith.constant 0 : i32
          %dma_start3A_880 = arith.constant 0 : i32
          %dma_start3A_881 = tpu.memref_slice %arg29[%dma_start3A_879, %dma_start3A_880] : memref<5248x128xf32, #tpu.memory_space<vmem_shared>> -> memref<5248x128xf32, #tpu.memory_space<vmem_shared>>
          tpu.enqueue_indirect_dma source(%arg22 : memref<80x128xf32, #tpu.memory_space<vmem>>) target(%dma_start3A_881 : memref<5248x128xf32, #tpu.memory_space<vmem_shared>>) offsets(%arg17 : memref<80xi32, #tpu.memory_space<vmem>>) semaphore(%run_scoped3A : memref<!tpu.dma_semaphore, #tpu.memory_space<semaphore_mem>>) {add = true}
          %dma_wait3A_882 = arith.constant 0 : i32
          %dma_wait3A_883 = arith.constant 0 : i32
          %dma_wait3A_884 = tpu.memref_slice %arg29[%dma_wait3A_882, %dma_wait3A_883] : memref<5248x128xf32, #tpu.memory_space<vmem_shared>> -> memref<5248x128xf32, #tpu.memory_space<vmem_shared>>
          tpu.wait_indirect_dma semaphore(%run_scoped3A : memref<!tpu.dma_semaphore, #tpu.memory_space<semaphore_mem>>) src(%arg22 : memref<80x128xf32, #tpu.memory_space<vmem>>) dst(%dma_wait3A_884 : memref<5248x128xf32, #tpu.memory_space<vmem_shared>>)
          tpu.yield
        }) : () -> ()
        "tpu.region"() ({
          %run_scoped3A = tpu.sem_alloc : memref<!tpu.dma_semaphore, #tpu.memory_space<semaphore_mem>>
          %dma_start3A_879 = arith.constant 0 : i32
          %dma_start3A_880 = arith.constant 0 : i32
          %dma_start3A_881 = tpu.memref_slice %arg30[%dma_start3A_879, %dma_start3A_880] : memref<5248x16xf32, #tpu.memory_space<vmem_shared>> -> memref<5248x16xf32, #tpu.memory_space<vmem_shared>>
          tpu.enqueue_indirect_dma source(%arg26 : memref<80x16xf32, #tpu.memory_space<vmem>>) target(%dma_start3A_881 : memref<5248x16xf32, #tpu.memory_space<vmem_shared>>) offsets(%arg17 : memref<80xi32, #tpu.memory_space<vmem>>) semaphore(%run_scoped3A : memref<!tpu.dma_semaphore, #tpu.memory_space<semaphore_mem>>) {add = true}
          %dma_wait3A_882 = arith.constant 0 : i32
          %dma_wait3A_883 = arith.constant 0 : i32
          %dma_wait3A_884 = tpu.memref_slice %arg30[%dma_wait3A_882, %dma_wait3A_883] : memref<5248x16xf32, #tpu.memory_space<vmem_shared>> -> memref<5248x16xf32, #tpu.memory_space<vmem_shared>>
          tpu.wait_indirect_dma semaphore(%run_scoped3A : memref<!tpu.dma_semaphore, #tpu.memory_space<semaphore_mem>>) src(%arg26 : memref<80x16xf32, #tpu.memory_space<vmem>>) dst(%dma_wait3A_884 : memref<5248x16xf32, #tpu.memory_space<vmem_shared>>)
          tpu.yield
        }) : () -> ()
        %dma_wait3A_869 = arith.constant 0 : i32
        %dma_wait3A_870 = arith.constant 0 : i32
        %dma_wait3A_871 = tpu.memref_slice %arg2[%dma_wait3A_869, %dma_wait3A_870] : memref<10000x128xf32, #tpu.memory_space<hbm>> -> memref<10000x128xf32, #tpu.memory_space<hbm>>
        tpu.wait_indirect_dma semaphore(%arg33 : memref<!tpu.dma_semaphore, #tpu.memory_space<semaphore_mem>>) src(%dma_wait3A_871 : memref<10000x128xf32, #tpu.memory_space<hbm>>) dst(%arg23 : memref<80x128xf32, #tpu.memory_space<vmem>>)
        "tpu.region"() ({
          %run_scoped3A = tpu.sem_alloc : memref<!tpu.dma_semaphore, #tpu.memory_space<semaphore_mem>>
          %dma_start3A_879 = arith.constant 0 : i32
          %dma_start3A_880 = arith.constant 0 : i32
          %dma_start3A_881 = tpu.memref_slice %arg29[%dma_start3A_879, %dma_start3A_880] : memref<5248x128xf32, #tpu.memory_space<vmem_shared>> -> memref<5248x128xf32, #tpu.memory_space<vmem_shared>>
          tpu.enqueue_indirect_dma source(%arg23 : memref<80x128xf32, #tpu.memory_space<vmem>>) target(%dma_start3A_881 : memref<5248x128xf32, #tpu.memory_space<vmem_shared>>) offsets(%arg18 : memref<80xi32, #tpu.memory_space<vmem>>) semaphore(%run_scoped3A : memref<!tpu.dma_semaphore, #tpu.memory_space<semaphore_mem>>) {add = true}
          %dma_wait3A_882 = arith.constant 0 : i32
          %dma_wait3A_883 = arith.constant 0 : i32
          %dma_wait3A_884 = tpu.memref_slice %arg29[%dma_wait3A_882, %dma_wait3A_883] : memref<5248x128xf32, #tpu.memory_space<vmem_shared>> -> memref<5248x128xf32, #tpu.memory_space<vmem_shared>>
          tpu.wait_indirect_dma semaphore(%run_scoped3A : memref<!tpu.dma_semaphore, #tpu.memory_space<semaphore_mem>>) src(%arg23 : memref<80x128xf32, #tpu.memory_space<vmem>>) dst(%dma_wait3A_884 : memref<5248x128xf32, #tpu.memory_space<vmem_shared>>)
          tpu.yield
        }) : () -> ()
        "tpu.region"() ({
          %run_scoped3A = tpu.sem_alloc : memref<!tpu.dma_semaphore, #tpu.memory_space<semaphore_mem>>
          %dma_start3A_879 = arith.constant 0 : i32
          %dma_start3A_880 = arith.constant 0 : i32
          %dma_start3A_881 = tpu.memref_slice %arg30[%dma_start3A_879, %dma_start3A_880] : memref<5248x16xf32, #tpu.memory_space<vmem_shared>> -> memref<5248x16xf32, #tpu.memory_space<vmem_shared>>
          tpu.enqueue_indirect_dma source(%arg26 : memref<80x16xf32, #tpu.memory_space<vmem>>) target(%dma_start3A_881 : memref<5248x16xf32, #tpu.memory_space<vmem_shared>>) offsets(%arg18 : memref<80xi32, #tpu.memory_space<vmem>>) semaphore(%run_scoped3A : memref<!tpu.dma_semaphore, #tpu.memory_space<semaphore_mem>>) {add = true}
          %dma_wait3A_882 = arith.constant 0 : i32
          %dma_wait3A_883 = arith.constant 0 : i32
          %dma_wait3A_884 = tpu.memref_slice %arg30[%dma_wait3A_882, %dma_wait3A_883] : memref<5248x16xf32, #tpu.memory_space<vmem_shared>> -> memref<5248x16xf32, #tpu.memory_space<vmem_shared>>
          tpu.wait_indirect_dma semaphore(%run_scoped3A : memref<!tpu.dma_semaphore, #tpu.memory_space<semaphore_mem>>) src(%arg26 : memref<80x16xf32, #tpu.memory_space<vmem>>) dst(%dma_wait3A_884 : memref<5248x16xf32, #tpu.memory_space<vmem_shared>>)
          tpu.yield
        }) : () -> ()
        %dma_wait3A_872 = arith.constant 0 : i32
        %dma_wait3A_873 = arith.constant 0 : i32
        %dma_wait3A_874 = tpu.memref_slice %arg2[%dma_wait3A_872, %dma_wait3A_873] : memref<10000x128xf32, #tpu.memory_space<hbm>> -> memref<10000x128xf32, #tpu.memory_space<hbm>>
        tpu.wait_indirect_dma semaphore(%arg34 : memref<!tpu.dma_semaphore, #tpu.memory_space<semaphore_mem>>) src(%dma_wait3A_874 : memref<10000x128xf32, #tpu.memory_space<hbm>>) dst(%arg24 : memref<80x128xf32, #tpu.memory_space<vmem>>)
        "tpu.region"() ({
          %run_scoped3A = tpu.sem_alloc : memref<!tpu.dma_semaphore, #tpu.memory_space<semaphore_mem>>
          %dma_start3A_879 = arith.constant 0 : i32
          %dma_start3A_880 = arith.constant 0 : i32
          %dma_start3A_881 = tpu.memref_slice %arg29[%dma_start3A_879, %dma_start3A_880] : memref<5248x128xf32, #tpu.memory_space<vmem_shared>> -> memref<5248x128xf32, #tpu.memory_space<vmem_shared>>
          tpu.enqueue_indirect_dma source(%arg24 : memref<80x128xf32, #tpu.memory_space<vmem>>) target(%dma_start3A_881 : memref<5248x128xf32, #tpu.memory_space<vmem_shared>>) offsets(%arg19 : memref<80xi32, #tpu.memory_space<vmem>>) semaphore(%run_scoped3A : memref<!tpu.dma_semaphore, #tpu.memory_space<semaphore_mem>>) {add = true}
          %dma_wait3A_882 = arith.constant 0 : i32
          %dma_wait3A_883 = arith.constant 0 : i32
          %dma_wait3A_884 = tpu.memref_slice %arg29[%dma_wait3A_882, %dma_wait3A_883] : memref<5248x128xf32, #tpu.memory_space<vmem_shared>> -> memref<5248x128xf32, #tpu.memory_space<vmem_shared>>
          tpu.wait_indirect_dma semaphore(%run_scoped3A : memref<!tpu.dma_semaphore, #tpu.memory_space<semaphore_mem>>) src(%arg24 : memref<80x128xf32, #tpu.memory_space<vmem>>) dst(%dma_wait3A_884 : memref<5248x128xf32, #tpu.memory_space<vmem_shared>>)
          tpu.yield
        }) : () -> ()
        "tpu.region"() ({
          %run_scoped3A = tpu.sem_alloc : memref<!tpu.dma_semaphore, #tpu.memory_space<semaphore_mem>>
          %dma_start3A_879 = arith.constant 0 : i32
          %dma_start3A_880 = arith.constant 0 : i32
          %dma_start3A_881 = tpu.memref_slice %arg30[%dma_start3A_879, %dma_start3A_880] : memref<5248x16xf32, #tpu.memory_space<vmem_shared>> -> memref<5248x16xf32, #tpu.memory_space<vmem_shared>>
          tpu.enqueue_indirect_dma source(%arg26 : memref<80x16xf32, #tpu.memory_space<vmem>>) target(%dma_start3A_881 : memref<5248x16xf32, #tpu.memory_space<vmem_shared>>) offsets(%arg19 : memref<80xi32, #tpu.memory_space<vmem>>) semaphore(%run_scoped3A : memref<!tpu.dma_semaphore, #tpu.memory_space<semaphore_mem>>) {add = true}
          %dma_wait3A_882 = arith.constant 0 : i32
          %dma_wait3A_883 = arith.constant 0 : i32
          %dma_wait3A_884 = tpu.memref_slice %arg30[%dma_wait3A_882, %dma_wait3A_883] : memref<5248x16xf32, #tpu.memory_space<vmem_shared>> -> memref<5248x16xf32, #tpu.memory_space<vmem_shared>>
          tpu.wait_indirect_dma semaphore(%run_scoped3A : memref<!tpu.dma_semaphore, #tpu.memory_space<semaphore_mem>>) src(%arg26 : memref<80x16xf32, #tpu.memory_space<vmem>>) dst(%dma_wait3A_884 : memref<5248x16xf32, #tpu.memory_space<vmem_shared>>)
          tpu.yield
        }) : () -> ()
        %dma_wait3A_875 = arith.constant 0 : i32
        %dma_wait3A_876 = arith.constant 0 : i32
        %dma_wait3A_877 = tpu.memref_slice %arg2[%dma_wait3A_875, %dma_wait3A_876] : memref<10000x128xf32, #tpu.memory_space<hbm>> -> memref<10000x128xf32, #tpu.memory_space<hbm>>
        tpu.wait_indirect_dma semaphore(%arg35 : memref<!tpu.dma_semaphore, #tpu.memory_space<semaphore_mem>>) src(%dma_wait3A_877 : memref<10000x128xf32, #tpu.memory_space<hbm>>) dst(%arg25 : memref<80x128xf32, #tpu.memory_space<vmem>>)
        "tpu.region"() ({
          %run_scoped3A = tpu.sem_alloc : memref<!tpu.dma_semaphore, #tpu.memory_space<semaphore_mem>>
          %dma_start3A_879 = arith.constant 0 : i32
          %dma_start3A_880 = arith.constant 0 : i32
          %dma_start3A_881 = tpu.memref_slice %arg29[%dma_start3A_879, %dma_start3A_880] : memref<5248x128xf32, #tpu.memory_space<vmem_shared>> -> memref<5248x128xf32, #tpu.memory_space<vmem_shared>>
          tpu.enqueue_indirect_dma source(%arg25 : memref<80x128xf32, #tpu.memory_space<vmem>>) target(%dma_start3A_881 : memref<5248x128xf32, #tpu.memory_space<vmem_shared>>) offsets(%arg20 : memref<80xi32, #tpu.memory_space<vmem>>) semaphore(%run_scoped3A : memref<!tpu.dma_semaphore, #tpu.memory_space<semaphore_mem>>) {add = true}
          %dma_wait3A_882 = arith.constant 0 : i32
          %dma_wait3A_883 = arith.constant 0 : i32
          %dma_wait3A_884 = tpu.memref_slice %arg29[%dma_wait3A_882, %dma_wait3A_883] : memref<5248x128xf32, #tpu.memory_space<vmem_shared>> -> memref<5248x128xf32, #tpu.memory_space<vmem_shared>>
          tpu.wait_indirect_dma semaphore(%run_scoped3A : memref<!tpu.dma_semaphore, #tpu.memory_space<semaphore_mem>>) src(%arg25 : memref<80x128xf32, #tpu.memory_space<vmem>>) dst(%dma_wait3A_884 : memref<5248x128xf32, #tpu.memory_space<vmem_shared>>)
          tpu.yield
        }) : () -> ()
        "tpu.region"() ({
          %run_scoped3A = tpu.sem_alloc : memref<!tpu.dma_semaphore, #tpu.memory_space<semaphore_mem>>
          %dma_start3A_879 = arith.constant 0 : i32
          %dma_start3A_880 = arith.constant 0 : i32
          %dma_start3A_881 = tpu.memref_slice %arg30[%dma_start3A_879, %dma_start3A_880] : memref<5248x16xf32, #tpu.memory_space<vmem_shared>> -> memref<5248x16xf32, #tpu.memory_space<vmem_shared>>
          tpu.enqueue_indirect_dma source(%arg26 : memref<80x16xf32, #tpu.memory_space<vmem>>) target(%dma_start3A_881 : memref<5248x16xf32, #tpu.memory_space<vmem_shared>>) offsets(%arg20 : memref<80xi32, #tpu.memory_space<vmem>>) semaphore(%run_scoped3A : memref<!tpu.dma_semaphore, #tpu.memory_space<semaphore_mem>>) {add = true}
          %dma_wait3A_882 = arith.constant 0 : i32
          %dma_wait3A_883 = arith.constant 0 : i32
          %dma_wait3A_884 = tpu.memref_slice %arg30[%dma_wait3A_882, %dma_wait3A_883] : memref<5248x16xf32, #tpu.memory_space<vmem_shared>> -> memref<5248x16xf32, #tpu.memory_space<vmem_shared>>
          tpu.wait_indirect_dma semaphore(%run_scoped3A : memref<!tpu.dma_semaphore, #tpu.memory_space<semaphore_mem>>) src(%arg26 : memref<80x16xf32, #tpu.memory_space<vmem>>) dst(%dma_wait3A_884 : memref<5248x16xf32, #tpu.memory_space<vmem_shared>>)
          tpu.yield
        }) : () -> ()
        %scan3A_878 = arith.constant 0 : i32
        scf.yield %scan3A_878 : i32
      }
      %scan3A_94 = arith.constant 50 : i32
      %barrier3A_95 = arith.constant 0 : index
      tpu.barrier barrier_id(%barrier3A_95)
      "tpu.region"() ({
        %run_scoped3A = tpu.sem_alloc : memref<!tpu.dma_semaphore, #tpu.memory_space<semaphore_mem>>
        %dma_start3A = arith.constant 0 : i32
        %dma_start3A_98 = tpu.memref_slice %arg6[%add3A, %select_n3A_61, %mul3A_18, %dma_start3A] : memref<8x2x5248x128xf32, #tpu.memory_space<hbm>> -> memref<1x1x328x128xf32, #tpu.memory_space<hbm>>
        %dma_start3A_99 = tpu.memref_squeeze %dma_start3A_98 : memref<1x1x328x128xf32, #tpu.memory_space<hbm>> -> memref<328x128xf32, #tpu.memory_space<hbm>>
        %dma_start3A_100 = arith.constant 0 : i32
        %dma_start3A_101 = tpu.memref_slice %arg29[%mul3A_18, %dma_start3A_100] : memref<5248x128xf32, #tpu.memory_space<vmem_shared>> -> memref<328x128xf32, #tpu.memory_space<vmem_shared>>
        tpu.enqueue_dma source(%dma_start3A_101 : memref<328x128xf32, #tpu.memory_space<vmem_shared>>) target(%dma_start3A_99 : memref<328x128xf32, #tpu.memory_space<hbm>>) target_semaphore(%run_scoped3A : memref<!tpu.dma_semaphore, #tpu.memory_space<semaphore_mem>>)
        %dma_wait3A = arith.constant 0 : i32
        %dma_wait3A_102 = tpu.memref_slice %arg6[%add3A, %select_n3A_61, %mul3A_18, %dma_wait3A] : memref<8x2x5248x128xf32, #tpu.memory_space<hbm>> -> memref<1x1x328x128xf32, #tpu.memory_space<hbm>>
        %dma_wait3A_103 = tpu.memref_squeeze %dma_wait3A_102 : memref<1x1x328x128xf32, #tpu.memory_space<hbm>> -> memref<328x128xf32, #tpu.memory_space<hbm>>
        %dma_wait3A_104 = arith.constant 0 : i32
        %dma_wait3A_105 = tpu.memref_slice %arg29[%mul3A_18, %dma_wait3A_104] : memref<5248x128xf32, #tpu.memory_space<vmem_shared>> -> memref<328x128xf32, #tpu.memory_space<vmem_shared>>
        tpu.wait_dma2 semaphore(%run_scoped3A : memref<!tpu.dma_semaphore, #tpu.memory_space<semaphore_mem>>) src(%dma_wait3A_105 : memref<328x128xf32, #tpu.memory_space<vmem_shared>>) dst(%dma_wait3A_103 : memref<328x128xf32, #tpu.memory_space<hbm>>)
        tpu.yield
      }) : () -> ()
      "tpu.region"() ({
        %run_scoped3A = tpu.sem_alloc : memref<!tpu.dma_semaphore, #tpu.memory_space<semaphore_mem>>
        %dma_start3A = arith.constant 0 : i32
        %dma_start3A_98 = tpu.memref_slice %arg7[%add3A, %select_n3A_61, %mul3A_18, %dma_start3A] : memref<8x2x5248x16xf32, #tpu.memory_space<hbm>> -> memref<1x1x328x16xf32, #tpu.memory_space<hbm>>
        %dma_start3A_99 = tpu.memref_squeeze %dma_start3A_98 : memref<1x1x328x16xf32, #tpu.memory_space<hbm>> -> memref<328x16xf32, #tpu.memory_space<hbm>>
        %dma_start3A_100 = arith.constant 0 : i32
        %dma_start3A_101 = tpu.memref_slice %arg30[%mul3A_18, %dma_start3A_100] : memref<5248x16xf32, #tpu.memory_space<vmem_shared>> -> memref<328x16xf32, #tpu.memory_space<vmem_shared>>
        tpu.enqueue_dma source(%dma_start3A_101 : memref<328x16xf32, #tpu.memory_space<vmem_shared>>) target(%dma_start3A_99 : memref<328x16xf32, #tpu.memory_space<hbm>>) target_semaphore(%run_scoped3A : memref<!tpu.dma_semaphore, #tpu.memory_space<semaphore_mem>>)
        %dma_wait3A = arith.constant 0 : i32
        %dma_wait3A_102 = tpu.memref_slice %arg7[%add3A, %select_n3A_61, %mul3A_18, %dma_wait3A] : memref<8x2x5248x16xf32, #tpu.memory_space<hbm>> -> memref<1x1x328x16xf32, #tpu.memory_space<hbm>>
        %dma_wait3A_103 = tpu.memref_squeeze %dma_wait3A_102 : memref<1x1x328x16xf32, #tpu.memory_space<hbm>> -> memref<328x16xf32, #tpu.memory_space<hbm>>
        %dma_wait3A_104 = arith.constant 0 : i32
        %dma_wait3A_105 = tpu.memref_slice %arg30[%mul3A_18, %dma_wait3A_104] : memref<5248x16xf32, #tpu.memory_space<vmem_shared>> -> memref<328x16xf32, #tpu.memory_space<vmem_shared>>
        tpu.wait_dma2 semaphore(%run_scoped3A : memref<!tpu.dma_semaphore, #tpu.memory_space<semaphore_mem>>) src(%dma_wait3A_105 : memref<328x16xf32, #tpu.memory_space<vmem_shared>>) dst(%dma_wait3A_103 : memref<328x16xf32, #tpu.memory_space<hbm>>)
        tpu.yield
      }) : () -> ()
      %barrier3A_96 = arith.constant 0 : index
      tpu.barrier barrier_id(%barrier3A_96)
      %scan3A_97 = arith.constant 0 : i32
      scf.yield %scan3A_97 : i32
    }
    %scan3A_27 = arith.constant 8 : i32
    return
  }
}

module attributes {stable_mosaic.version = 14 : i64} {
  func.func @_tc_body(%arg0: i32, %arg1: memref<8x18xf32, #tpu.memory_space<smem>>, %arg2: memref<8x128xf32, #tpu.memory_space<vmem>>, %arg3: memref<8x1x1024x128xf32, #tpu.memory_space<vmem>>, %arg4: memref<8x1x1024x16xf32, #tpu.memory_space<vmem>>, %arg5: memref<1024x128xf32, #tpu.memory_space<vmem>>, %arg6: memref<18x128x128xf32, #tpu.memory_space<vmem>>, %arg7: memref<128x128xf32, #tpu.memory_space<vmem>>, %arg8: memref<1024x128xf32, #tpu.memory_space<vmem>>, %arg9: memref<8x128x128xf32, #tpu.memory_space<vmem>>) attributes {dimension_semantics = [#tpu.dimension_semantics<arbitrary>], iteration_bounds = array<i64: 10>, scalar_prefetch = 0 : i64, scratch_operands = 1 : i64, tpu.core_type = #tpu.core_type<tc>, window_params = [{transform_indices = @transform_0, window_bounds = array<i64: 8, 18>}, {pipeline_mode = #tpu.pipeline_mode<synchronous>, transform_indices = @transform_1, window_bounds = array<i64: 8, 128>}, {transform_indices = @transform_2, window_bounds = array<i64: 8, 1, 1024, 128>}, {transform_indices = @transform_3, window_bounds = array<i64: 8, 1, 1024, 16>}, {transform_indices = @transform_4, window_bounds = array<i64: 1024, 128>}, {pipeline_mode = #tpu.pipeline_mode<synchronous>, transform_indices = @transform_5, window_bounds = array<i64: 18, 128, 128>}, {pipeline_mode = #tpu.pipeline_mode<synchronous>, transform_indices = @transform_6, window_bounds = array<i64: 128, 128>}, {transform_indices = @transform_7, window_bounds = array<i64: 1024, 128>}]} {
    %eq3A = arith.constant 0 : i32
    %eq3A_0 = arith.cmpi eq, %arg0, %eq3A : i32
    %convert_element_type3A = arith.extui %eq3A_0 : i1 to i32
    %cond3A = arith.constant 0 : i32
    %cond3A_1 = arith.cmpi ne, %convert_element_type3A, %cond3A : i32
    scf.if %cond3A_1 {
      %broadcast_in_dim3A = arith.constant 0.000000e+00 : f32
      %broadcast_in_dim3A_235 = vector.broadcast %broadcast_in_dim3A : f32 to vector<128x128xf32>
      %get3A_236 = arith.constant 0 : index
      %get3A_237 = arith.constant 0 : index
      %get3A_238 = memref.load %arg1[%get3A_236, %get3A_237] : memref<8x18xf32, #tpu.memory_space<smem>>
      %get3A_239 = arith.constant 0 : index
      %get3A_240 = arith.constant 0 : index
      %get3A_241 = arith.constant 0 : index
      %get3A_242 = vector.load %arg6[%get3A_239, %get3A_240, %get3A_241] : memref<18x128x128xf32, #tpu.memory_space<vmem>>, vector<1x128x128xf32>
      %get3A_243 = vector.shape_cast %get3A_242 : vector<1x128x128xf32> to vector<128x128xf32>
      %mul3A_244 = vector.broadcast %get3A_238 : f32 to vector<128x128xf32>
      %mul3A_245 = arith.mulf %mul3A_244, %get3A_243 : vector<128x128xf32>
      %add3A_246 = arith.addf %broadcast_in_dim3A_235, %mul3A_245 : vector<128x128xf32>
      %get3A_247 = arith.constant 0 : index
      %get3A_248 = arith.constant 1 : index
      %get3A_249 = memref.load %arg1[%get3A_247, %get3A_248] : memref<8x18xf32, #tpu.memory_space<smem>>
      %get3A_250 = arith.constant 1 : index
      %get3A_251 = arith.constant 0 : index
      %get3A_252 = arith.constant 0 : index
      %get3A_253 = vector.load %arg6[%get3A_250, %get3A_251, %get3A_252] : memref<18x128x128xf32, #tpu.memory_space<vmem>>, vector<1x128x128xf32>
      %get3A_254 = vector.shape_cast %get3A_253 : vector<1x128x128xf32> to vector<128x128xf32>
      %mul3A_255 = vector.broadcast %get3A_249 : f32 to vector<128x128xf32>
      %mul3A_256 = arith.mulf %mul3A_255, %get3A_254 : vector<128x128xf32>
      %add3A_257 = arith.addf %add3A_246, %mul3A_256 : vector<128x128xf32>
      %get3A_258 = arith.constant 0 : index
      %get3A_259 = arith.constant 2 : index
      %get3A_260 = memref.load %arg1[%get3A_258, %get3A_259] : memref<8x18xf32, #tpu.memory_space<smem>>
      %get3A_261 = arith.constant 2 : index
      %get3A_262 = arith.constant 0 : index
      %get3A_263 = arith.constant 0 : index
      %get3A_264 = vector.load %arg6[%get3A_261, %get3A_262, %get3A_263] : memref<18x128x128xf32, #tpu.memory_space<vmem>>, vector<1x128x128xf32>
      %get3A_265 = vector.shape_cast %get3A_264 : vector<1x128x128xf32> to vector<128x128xf32>
      %mul3A_266 = vector.broadcast %get3A_260 : f32 to vector<128x128xf32>
      %mul3A_267 = arith.mulf %mul3A_266, %get3A_265 : vector<128x128xf32>
      %add3A_268 = arith.addf %add3A_257, %mul3A_267 : vector<128x128xf32>
      %get3A_269 = arith.constant 0 : index
      %get3A_270 = arith.constant 3 : index
      %get3A_271 = memref.load %arg1[%get3A_269, %get3A_270] : memref<8x18xf32, #tpu.memory_space<smem>>
      %get3A_272 = arith.constant 3 : index
      %get3A_273 = arith.constant 0 : index
      %get3A_274 = arith.constant 0 : index
      %get3A_275 = vector.load %arg6[%get3A_272, %get3A_273, %get3A_274] : memref<18x128x128xf32, #tpu.memory_space<vmem>>, vector<1x128x128xf32>
      %get3A_276 = vector.shape_cast %get3A_275 : vector<1x128x128xf32> to vector<128x128xf32>
      %mul3A_277 = vector.broadcast %get3A_271 : f32 to vector<128x128xf32>
      %mul3A_278 = arith.mulf %mul3A_277, %get3A_276 : vector<128x128xf32>
      %add3A_279 = arith.addf %add3A_268, %mul3A_278 : vector<128x128xf32>
      %get3A_280 = arith.constant 0 : index
      %get3A_281 = arith.constant 4 : index
      %get3A_282 = memref.load %arg1[%get3A_280, %get3A_281] : memref<8x18xf32, #tpu.memory_space<smem>>
      %get3A_283 = arith.constant 4 : index
      %get3A_284 = arith.constant 0 : index
      %get3A_285 = arith.constant 0 : index
      %get3A_286 = vector.load %arg6[%get3A_283, %get3A_284, %get3A_285] : memref<18x128x128xf32, #tpu.memory_space<vmem>>, vector<1x128x128xf32>
      %get3A_287 = vector.shape_cast %get3A_286 : vector<1x128x128xf32> to vector<128x128xf32>
      %mul3A_288 = vector.broadcast %get3A_282 : f32 to vector<128x128xf32>
      %mul3A_289 = arith.mulf %mul3A_288, %get3A_287 : vector<128x128xf32>
      %add3A_290 = arith.addf %add3A_279, %mul3A_289 : vector<128x128xf32>
      %get3A_291 = arith.constant 0 : index
      %get3A_292 = arith.constant 5 : index
      %get3A_293 = memref.load %arg1[%get3A_291, %get3A_292] : memref<8x18xf32, #tpu.memory_space<smem>>
      %get3A_294 = arith.constant 5 : index
      %get3A_295 = arith.constant 0 : index
      %get3A_296 = arith.constant 0 : index
      %get3A_297 = vector.load %arg6[%get3A_294, %get3A_295, %get3A_296] : memref<18x128x128xf32, #tpu.memory_space<vmem>>, vector<1x128x128xf32>
      %get3A_298 = vector.shape_cast %get3A_297 : vector<1x128x128xf32> to vector<128x128xf32>
      %mul3A_299 = vector.broadcast %get3A_293 : f32 to vector<128x128xf32>
      %mul3A_300 = arith.mulf %mul3A_299, %get3A_298 : vector<128x128xf32>
      %add3A_301 = arith.addf %add3A_290, %mul3A_300 : vector<128x128xf32>
      %get3A_302 = arith.constant 0 : index
      %get3A_303 = arith.constant 6 : index
      %get3A_304 = memref.load %arg1[%get3A_302, %get3A_303] : memref<8x18xf32, #tpu.memory_space<smem>>
      %get3A_305 = arith.constant 6 : index
      %get3A_306 = arith.constant 0 : index
      %get3A_307 = arith.constant 0 : index
      %get3A_308 = vector.load %arg6[%get3A_305, %get3A_306, %get3A_307] : memref<18x128x128xf32, #tpu.memory_space<vmem>>, vector<1x128x128xf32>
      %get3A_309 = vector.shape_cast %get3A_308 : vector<1x128x128xf32> to vector<128x128xf32>
      %mul3A_310 = vector.broadcast %get3A_304 : f32 to vector<128x128xf32>
      %mul3A_311 = arith.mulf %mul3A_310, %get3A_309 : vector<128x128xf32>
      %add3A_312 = arith.addf %add3A_301, %mul3A_311 : vector<128x128xf32>
      %get3A_313 = arith.constant 0 : index
      %get3A_314 = arith.constant 7 : index
      %get3A_315 = memref.load %arg1[%get3A_313, %get3A_314] : memref<8x18xf32, #tpu.memory_space<smem>>
      %get3A_316 = arith.constant 7 : index
      %get3A_317 = arith.constant 0 : index
      %get3A_318 = arith.constant 0 : index
      %get3A_319 = vector.load %arg6[%get3A_316, %get3A_317, %get3A_318] : memref<18x128x128xf32, #tpu.memory_space<vmem>>, vector<1x128x128xf32>
      %get3A_320 = vector.shape_cast %get3A_319 : vector<1x128x128xf32> to vector<128x128xf32>
      %mul3A_321 = vector.broadcast %get3A_315 : f32 to vector<128x128xf32>
      %mul3A_322 = arith.mulf %mul3A_321, %get3A_320 : vector<128x128xf32>
      %add3A_323 = arith.addf %add3A_312, %mul3A_322 : vector<128x128xf32>
      %get3A_324 = arith.constant 0 : index
      %get3A_325 = arith.constant 8 : index
      %get3A_326 = memref.load %arg1[%get3A_324, %get3A_325] : memref<8x18xf32, #tpu.memory_space<smem>>
      %get3A_327 = arith.constant 8 : index
      %get3A_328 = arith.constant 0 : index
      %get3A_329 = arith.constant 0 : index
      %get3A_330 = vector.load %arg6[%get3A_327, %get3A_328, %get3A_329] : memref<18x128x128xf32, #tpu.memory_space<vmem>>, vector<1x128x128xf32>
      %get3A_331 = vector.shape_cast %get3A_330 : vector<1x128x128xf32> to vector<128x128xf32>
      %mul3A_332 = vector.broadcast %get3A_326 : f32 to vector<128x128xf32>
      %mul3A_333 = arith.mulf %mul3A_332, %get3A_331 : vector<128x128xf32>
      %add3A_334 = arith.addf %add3A_323, %mul3A_333 : vector<128x128xf32>
      %get3A_335 = arith.constant 0 : index
      %get3A_336 = arith.constant 9 : index
      %get3A_337 = memref.load %arg1[%get3A_335, %get3A_336] : memref<8x18xf32, #tpu.memory_space<smem>>
      %get3A_338 = arith.constant 9 : index
      %get3A_339 = arith.constant 0 : index
      %get3A_340 = arith.constant 0 : index
      %get3A_341 = vector.load %arg6[%get3A_338, %get3A_339, %get3A_340] : memref<18x128x128xf32, #tpu.memory_space<vmem>>, vector<1x128x128xf32>
      %get3A_342 = vector.shape_cast %get3A_341 : vector<1x128x128xf32> to vector<128x128xf32>
      %mul3A_343 = vector.broadcast %get3A_337 : f32 to vector<128x128xf32>
      %mul3A_344 = arith.mulf %mul3A_343, %get3A_342 : vector<128x128xf32>
      %add3A_345 = arith.addf %add3A_334, %mul3A_344 : vector<128x128xf32>
      %get3A_346 = arith.constant 0 : index
      %get3A_347 = arith.constant 10 : index
      %get3A_348 = memref.load %arg1[%get3A_346, %get3A_347] : memref<8x18xf32, #tpu.memory_space<smem>>
      %get3A_349 = arith.constant 10 : index
      %get3A_350 = arith.constant 0 : index
      %get3A_351 = arith.constant 0 : index
      %get3A_352 = vector.load %arg6[%get3A_349, %get3A_350, %get3A_351] : memref<18x128x128xf32, #tpu.memory_space<vmem>>, vector<1x128x128xf32>
      %get3A_353 = vector.shape_cast %get3A_352 : vector<1x128x128xf32> to vector<128x128xf32>
      %mul3A_354 = vector.broadcast %get3A_348 : f32 to vector<128x128xf32>
      %mul3A_355 = arith.mulf %mul3A_354, %get3A_353 : vector<128x128xf32>
      %add3A_356 = arith.addf %add3A_345, %mul3A_355 : vector<128x128xf32>
      %get3A_357 = arith.constant 0 : index
      %get3A_358 = arith.constant 11 : index
      %get3A_359 = memref.load %arg1[%get3A_357, %get3A_358] : memref<8x18xf32, #tpu.memory_space<smem>>
      %get3A_360 = arith.constant 11 : index
      %get3A_361 = arith.constant 0 : index
      %get3A_362 = arith.constant 0 : index
      %get3A_363 = vector.load %arg6[%get3A_360, %get3A_361, %get3A_362] : memref<18x128x128xf32, #tpu.memory_space<vmem>>, vector<1x128x128xf32>
      %get3A_364 = vector.shape_cast %get3A_363 : vector<1x128x128xf32> to vector<128x128xf32>
      %mul3A_365 = vector.broadcast %get3A_359 : f32 to vector<128x128xf32>
      %mul3A_366 = arith.mulf %mul3A_365, %get3A_364 : vector<128x128xf32>
      %add3A_367 = arith.addf %add3A_356, %mul3A_366 : vector<128x128xf32>
      %get3A_368 = arith.constant 0 : index
      %get3A_369 = arith.constant 12 : index
      %get3A_370 = memref.load %arg1[%get3A_368, %get3A_369] : memref<8x18xf32, #tpu.memory_space<smem>>
      %get3A_371 = arith.constant 12 : index
      %get3A_372 = arith.constant 0 : index
      %get3A_373 = arith.constant 0 : index
      %get3A_374 = vector.load %arg6[%get3A_371, %get3A_372, %get3A_373] : memref<18x128x128xf32, #tpu.memory_space<vmem>>, vector<1x128x128xf32>
      %get3A_375 = vector.shape_cast %get3A_374 : vector<1x128x128xf32> to vector<128x128xf32>
      %mul3A_376 = vector.broadcast %get3A_370 : f32 to vector<128x128xf32>
      %mul3A_377 = arith.mulf %mul3A_376, %get3A_375 : vector<128x128xf32>
      %add3A_378 = arith.addf %add3A_367, %mul3A_377 : vector<128x128xf32>
      %get3A_379 = arith.constant 0 : index
      %get3A_380 = arith.constant 13 : index
      %get3A_381 = memref.load %arg1[%get3A_379, %get3A_380] : memref<8x18xf32, #tpu.memory_space<smem>>
      %get3A_382 = arith.constant 13 : index
      %get3A_383 = arith.constant 0 : index
      %get3A_384 = arith.constant 0 : index
      %get3A_385 = vector.load %arg6[%get3A_382, %get3A_383, %get3A_384] : memref<18x128x128xf32, #tpu.memory_space<vmem>>, vector<1x128x128xf32>
      %get3A_386 = vector.shape_cast %get3A_385 : vector<1x128x128xf32> to vector<128x128xf32>
      %mul3A_387 = vector.broadcast %get3A_381 : f32 to vector<128x128xf32>
      %mul3A_388 = arith.mulf %mul3A_387, %get3A_386 : vector<128x128xf32>
      %add3A_389 = arith.addf %add3A_378, %mul3A_388 : vector<128x128xf32>
      %get3A_390 = arith.constant 0 : index
      %get3A_391 = arith.constant 14 : index
      %get3A_392 = memref.load %arg1[%get3A_390, %get3A_391] : memref<8x18xf32, #tpu.memory_space<smem>>
      %get3A_393 = arith.constant 14 : index
      %get3A_394 = arith.constant 0 : index
      %get3A_395 = arith.constant 0 : index
      %get3A_396 = vector.load %arg6[%get3A_393, %get3A_394, %get3A_395] : memref<18x128x128xf32, #tpu.memory_space<vmem>>, vector<1x128x128xf32>
      %get3A_397 = vector.shape_cast %get3A_396 : vector<1x128x128xf32> to vector<128x128xf32>
      %mul3A_398 = vector.broadcast %get3A_392 : f32 to vector<128x128xf32>
      %mul3A_399 = arith.mulf %mul3A_398, %get3A_397 : vector<128x128xf32>
      %add3A_400 = arith.addf %add3A_389, %mul3A_399 : vector<128x128xf32>
      %get3A_401 = arith.constant 0 : index
      %get3A_402 = arith.constant 15 : index
      %get3A_403 = memref.load %arg1[%get3A_401, %get3A_402] : memref<8x18xf32, #tpu.memory_space<smem>>
      %get3A_404 = arith.constant 15 : index
      %get3A_405 = arith.constant 0 : index
      %get3A_406 = arith.constant 0 : index
      %get3A_407 = vector.load %arg6[%get3A_404, %get3A_405, %get3A_406] : memref<18x128x128xf32, #tpu.memory_space<vmem>>, vector<1x128x128xf32>
      %get3A_408 = vector.shape_cast %get3A_407 : vector<1x128x128xf32> to vector<128x128xf32>
      %mul3A_409 = vector.broadcast %get3A_403 : f32 to vector<128x128xf32>
      %mul3A_410 = arith.mulf %mul3A_409, %get3A_408 : vector<128x128xf32>
      %add3A_411 = arith.addf %add3A_400, %mul3A_410 : vector<128x128xf32>
      %get3A_412 = arith.constant 0 : index
      %get3A_413 = arith.constant 16 : index
      %get3A_414 = memref.load %arg1[%get3A_412, %get3A_413] : memref<8x18xf32, #tpu.memory_space<smem>>
      %get3A_415 = arith.constant 16 : index
      %get3A_416 = arith.constant 0 : index
      %get3A_417 = arith.constant 0 : index
      %get3A_418 = vector.load %arg6[%get3A_415, %get3A_416, %get3A_417] : memref<18x128x128xf32, #tpu.memory_space<vmem>>, vector<1x128x128xf32>
      %get3A_419 = vector.shape_cast %get3A_418 : vector<1x128x128xf32> to vector<128x128xf32>
      %mul3A_420 = vector.broadcast %get3A_414 : f32 to vector<128x128xf32>
      %mul3A_421 = arith.mulf %mul3A_420, %get3A_419 : vector<128x128xf32>
      %add3A_422 = arith.addf %add3A_411, %mul3A_421 : vector<128x128xf32>
      %get3A_423 = arith.constant 0 : index
      %get3A_424 = arith.constant 17 : index
      %get3A_425 = memref.load %arg1[%get3A_423, %get3A_424] : memref<8x18xf32, #tpu.memory_space<smem>>
      %get3A_426 = arith.constant 17 : index
      %get3A_427 = arith.constant 0 : index
      %get3A_428 = arith.constant 0 : index
      %get3A_429 = vector.load %arg6[%get3A_426, %get3A_427, %get3A_428] : memref<18x128x128xf32, #tpu.memory_space<vmem>>, vector<1x128x128xf32>
      %get3A_430 = vector.shape_cast %get3A_429 : vector<1x128x128xf32> to vector<128x128xf32>
      %mul3A_431 = vector.broadcast %get3A_425 : f32 to vector<128x128xf32>
      %mul3A_432 = arith.mulf %mul3A_431, %get3A_430 : vector<128x128xf32>
      %add3A_433 = arith.addf %add3A_422, %mul3A_432 : vector<128x128xf32>
      %swap3A_434 = arith.constant 0 : index
      %swap3A_435 = arith.constant 0 : index
      %swap3A_436 = arith.constant 0 : index
      %swap3A_437 = vector.load %arg9[%swap3A_434, %swap3A_435, %swap3A_436] : memref<8x128x128xf32, #tpu.memory_space<vmem>>, vector<1x128x128xf32>
      %swap3A_438 = vector.shape_cast %swap3A_437 : vector<1x128x128xf32> to vector<128x128xf32>
      %swap3A_439 = vector.shape_cast %add3A_433 : vector<128x128xf32> to vector<1x128x128xf32>
      tpu.vector_store %arg9[%swap3A_434, %swap3A_435, %swap3A_436], %swap3A_439 {strides = array<i32>} : memref<8x128x128xf32, #tpu.memory_space<vmem>>, vector<1x128x128xf32>,
      %broadcast_in_dim3A_440 = arith.constant 0.000000e+00 : f32
      %broadcast_in_dim3A_441 = vector.broadcast %broadcast_in_dim3A_440 : f32 to vector<128x128xf32>
      %get3A_442 = arith.constant 1 : index
      %get3A_443 = arith.constant 0 : index
      %get3A_444 = memref.load %arg1[%get3A_442, %get3A_443] : memref<8x18xf32, #tpu.memory_space<smem>>
      %get3A_445 = arith.constant 0 : index
      %get3A_446 = arith.constant 0 : index
      %get3A_447 = arith.constant 0 : index
      %get3A_448 = vector.load %arg6[%get3A_445, %get3A_446, %get3A_447] : memref<18x128x128xf32, #tpu.memory_space<vmem>>, vector<1x128x128xf32>
      %get3A_449 = vector.shape_cast %get3A_448 : vector<1x128x128xf32> to vector<128x128xf32>
      %mul3A_450 = vector.broadcast %get3A_444 : f32 to vector<128x128xf32>
      %mul3A_451 = arith.mulf %mul3A_450, %get3A_449 : vector<128x128xf32>
      %add3A_452 = arith.addf %broadcast_in_dim3A_441, %mul3A_451 : vector<128x128xf32>
      %get3A_453 = arith.constant 1 : index
      %get3A_454 = arith.constant 1 : index
      %get3A_455 = memref.load %arg1[%get3A_453, %get3A_454] : memref<8x18xf32, #tpu.memory_space<smem>>
      %get3A_456 = arith.constant 1 : index
      %get3A_457 = arith.constant 0 : index
      %get3A_458 = arith.constant 0 : index
      %get3A_459 = vector.load %arg6[%get3A_456, %get3A_457, %get3A_458] : memref<18x128x128xf32, #tpu.memory_space<vmem>>, vector<1x128x128xf32>
      %get3A_460 = vector.shape_cast %get3A_459 : vector<1x128x128xf32> to vector<128x128xf32>
      %mul3A_461 = vector.broadcast %get3A_455 : f32 to vector<128x128xf32>
      %mul3A_462 = arith.mulf %mul3A_461, %get3A_460 : vector<128x128xf32>
      %add3A_463 = arith.addf %add3A_452, %mul3A_462 : vector<128x128xf32>
      %get3A_464 = arith.constant 1 : index
      %get3A_465 = arith.constant 2 : index
      %get3A_466 = memref.load %arg1[%get3A_464, %get3A_465] : memref<8x18xf32, #tpu.memory_space<smem>>
      %get3A_467 = arith.constant 2 : index
      %get3A_468 = arith.constant 0 : index
      %get3A_469 = arith.constant 0 : index
      %get3A_470 = vector.load %arg6[%get3A_467, %get3A_468, %get3A_469] : memref<18x128x128xf32, #tpu.memory_space<vmem>>, vector<1x128x128xf32>
      %get3A_471 = vector.shape_cast %get3A_470 : vector<1x128x128xf32> to vector<128x128xf32>
      %mul3A_472 = vector.broadcast %get3A_466 : f32 to vector<128x128xf32>
      %mul3A_473 = arith.mulf %mul3A_472, %get3A_471 : vector<128x128xf32>
      %add3A_474 = arith.addf %add3A_463, %mul3A_473 : vector<128x128xf32>
      %get3A_475 = arith.constant 1 : index
      %get3A_476 = arith.constant 3 : index
      %get3A_477 = memref.load %arg1[%get3A_475, %get3A_476] : memref<8x18xf32, #tpu.memory_space<smem>>
      %get3A_478 = arith.constant 3 : index
      %get3A_479 = arith.constant 0 : index
      %get3A_480 = arith.constant 0 : index
      %get3A_481 = vector.load %arg6[%get3A_478, %get3A_479, %get3A_480] : memref<18x128x128xf32, #tpu.memory_space<vmem>>, vector<1x128x128xf32>
      %get3A_482 = vector.shape_cast %get3A_481 : vector<1x128x128xf32> to vector<128x128xf32>
      %mul3A_483 = vector.broadcast %get3A_477 : f32 to vector<128x128xf32>
      %mul3A_484 = arith.mulf %mul3A_483, %get3A_482 : vector<128x128xf32>
      %add3A_485 = arith.addf %add3A_474, %mul3A_484 : vector<128x128xf32>
      %get3A_486 = arith.constant 1 : index
      %get3A_487 = arith.constant 4 : index
      %get3A_488 = memref.load %arg1[%get3A_486, %get3A_487] : memref<8x18xf32, #tpu.memory_space<smem>>
      %get3A_489 = arith.constant 4 : index
      %get3A_490 = arith.constant 0 : index
      %get3A_491 = arith.constant 0 : index
      %get3A_492 = vector.load %arg6[%get3A_489, %get3A_490, %get3A_491] : memref<18x128x128xf32, #tpu.memory_space<vmem>>, vector<1x128x128xf32>
      %get3A_493 = vector.shape_cast %get3A_492 : vector<1x128x128xf32> to vector<128x128xf32>
      %mul3A_494 = vector.broadcast %get3A_488 : f32 to vector<128x128xf32>
      %mul3A_495 = arith.mulf %mul3A_494, %get3A_493 : vector<128x128xf32>
      %add3A_496 = arith.addf %add3A_485, %mul3A_495 : vector<128x128xf32>
      %get3A_497 = arith.constant 1 : index
      %get3A_498 = arith.constant 5 : index
      %get3A_499 = memref.load %arg1[%get3A_497, %get3A_498] : memref<8x18xf32, #tpu.memory_space<smem>>
      %get3A_500 = arith.constant 5 : index
      %get3A_501 = arith.constant 0 : index
      %get3A_502 = arith.constant 0 : index
      %get3A_503 = vector.load %arg6[%get3A_500, %get3A_501, %get3A_502] : memref<18x128x128xf32, #tpu.memory_space<vmem>>, vector<1x128x128xf32>
      %get3A_504 = vector.shape_cast %get3A_503 : vector<1x128x128xf32> to vector<128x128xf32>
      %mul3A_505 = vector.broadcast %get3A_499 : f32 to vector<128x128xf32>
      %mul3A_506 = arith.mulf %mul3A_505, %get3A_504 : vector<128x128xf32>
      %add3A_507 = arith.addf %add3A_496, %mul3A_506 : vector<128x128xf32>
      %get3A_508 = arith.constant 1 : index
      %get3A_509 = arith.constant 6 : index
      %get3A_510 = memref.load %arg1[%get3A_508, %get3A_509] : memref<8x18xf32, #tpu.memory_space<smem>>
      %get3A_511 = arith.constant 6 : index
      %get3A_512 = arith.constant 0 : index
      %get3A_513 = arith.constant 0 : index
      %get3A_514 = vector.load %arg6[%get3A_511, %get3A_512, %get3A_513] : memref<18x128x128xf32, #tpu.memory_space<vmem>>, vector<1x128x128xf32>
      %get3A_515 = vector.shape_cast %get3A_514 : vector<1x128x128xf32> to vector<128x128xf32>
      %mul3A_516 = vector.broadcast %get3A_510 : f32 to vector<128x128xf32>
      %mul3A_517 = arith.mulf %mul3A_516, %get3A_515 : vector<128x128xf32>
      %add3A_518 = arith.addf %add3A_507, %mul3A_517 : vector<128x128xf32>
      %get3A_519 = arith.constant 1 : index
      %get3A_520 = arith.constant 7 : index
      %get3A_521 = memref.load %arg1[%get3A_519, %get3A_520] : memref<8x18xf32, #tpu.memory_space<smem>>
      %get3A_522 = arith.constant 7 : index
      %get3A_523 = arith.constant 0 : index
      %get3A_524 = arith.constant 0 : index
      %get3A_525 = vector.load %arg6[%get3A_522, %get3A_523, %get3A_524] : memref<18x128x128xf32, #tpu.memory_space<vmem>>, vector<1x128x128xf32>
      %get3A_526 = vector.shape_cast %get3A_525 : vector<1x128x128xf32> to vector<128x128xf32>
      %mul3A_527 = vector.broadcast %get3A_521 : f32 to vector<128x128xf32>
      %mul3A_528 = arith.mulf %mul3A_527, %get3A_526 : vector<128x128xf32>
      %add3A_529 = arith.addf %add3A_518, %mul3A_528 : vector<128x128xf32>
      %get3A_530 = arith.constant 1 : index
      %get3A_531 = arith.constant 8 : index
      %get3A_532 = memref.load %arg1[%get3A_530, %get3A_531] : memref<8x18xf32, #tpu.memory_space<smem>>
      %get3A_533 = arith.constant 8 : index
      %get3A_534 = arith.constant 0 : index
      %get3A_535 = arith.constant 0 : index
      %get3A_536 = vector.load %arg6[%get3A_533, %get3A_534, %get3A_535] : memref<18x128x128xf32, #tpu.memory_space<vmem>>, vector<1x128x128xf32>
      %get3A_537 = vector.shape_cast %get3A_536 : vector<1x128x128xf32> to vector<128x128xf32>
      %mul3A_538 = vector.broadcast %get3A_532 : f32 to vector<128x128xf32>
      %mul3A_539 = arith.mulf %mul3A_538, %get3A_537 : vector<128x128xf32>
      %add3A_540 = arith.addf %add3A_529, %mul3A_539 : vector<128x128xf32>
      %get3A_541 = arith.constant 1 : index
      %get3A_542 = arith.constant 9 : index
      %get3A_543 = memref.load %arg1[%get3A_541, %get3A_542] : memref<8x18xf32, #tpu.memory_space<smem>>
      %get3A_544 = arith.constant 9 : index
      %get3A_545 = arith.constant 0 : index
      %get3A_546 = arith.constant 0 : index
      %get3A_547 = vector.load %arg6[%get3A_544, %get3A_545, %get3A_546] : memref<18x128x128xf32, #tpu.memory_space<vmem>>, vector<1x128x128xf32>
      %get3A_548 = vector.shape_cast %get3A_547 : vector<1x128x128xf32> to vector<128x128xf32>
      %mul3A_549 = vector.broadcast %get3A_543 : f32 to vector<128x128xf32>
      %mul3A_550 = arith.mulf %mul3A_549, %get3A_548 : vector<128x128xf32>
      %add3A_551 = arith.addf %add3A_540, %mul3A_550 : vector<128x128xf32>
      %get3A_552 = arith.constant 1 : index
      %get3A_553 = arith.constant 10 : index
      %get3A_554 = memref.load %arg1[%get3A_552, %get3A_553] : memref<8x18xf32, #tpu.memory_space<smem>>
      %get3A_555 = arith.constant 10 : index
      %get3A_556 = arith.constant 0 : index
      %get3A_557 = arith.constant 0 : index
      %get3A_558 = vector.load %arg6[%get3A_555, %get3A_556, %get3A_557] : memref<18x128x128xf32, #tpu.memory_space<vmem>>, vector<1x128x128xf32>
      %get3A_559 = vector.shape_cast %get3A_558 : vector<1x128x128xf32> to vector<128x128xf32>
      %mul3A_560 = vector.broadcast %get3A_554 : f32 to vector<128x128xf32>
      %mul3A_561 = arith.mulf %mul3A_560, %get3A_559 : vector<128x128xf32>
      %add3A_562 = arith.addf %add3A_551, %mul3A_561 : vector<128x128xf32>
      %get3A_563 = arith.constant 1 : index
      %get3A_564 = arith.constant 11 : index
      %get3A_565 = memref.load %arg1[%get3A_563, %get3A_564] : memref<8x18xf32, #tpu.memory_space<smem>>
      %get3A_566 = arith.constant 11 : index
      %get3A_567 = arith.constant 0 : index
      %get3A_568 = arith.constant 0 : index
      %get3A_569 = vector.load %arg6[%get3A_566, %get3A_567, %get3A_568] : memref<18x128x128xf32, #tpu.memory_space<vmem>>, vector<1x128x128xf32>
      %get3A_570 = vector.shape_cast %get3A_569 : vector<1x128x128xf32> to vector<128x128xf32>
      %mul3A_571 = vector.broadcast %get3A_565 : f32 to vector<128x128xf32>
      %mul3A_572 = arith.mulf %mul3A_571, %get3A_570 : vector<128x128xf32>
      %add3A_573 = arith.addf %add3A_562, %mul3A_572 : vector<128x128xf32>
      %get3A_574 = arith.constant 1 : index
      %get3A_575 = arith.constant 12 : index
      %get3A_576 = memref.load %arg1[%get3A_574, %get3A_575] : memref<8x18xf32, #tpu.memory_space<smem>>
      %get3A_577 = arith.constant 12 : index
      %get3A_578 = arith.constant 0 : index
      %get3A_579 = arith.constant 0 : index
      %get3A_580 = vector.load %arg6[%get3A_577, %get3A_578, %get3A_579] : memref<18x128x128xf32, #tpu.memory_space<vmem>>, vector<1x128x128xf32>
      %get3A_581 = vector.shape_cast %get3A_580 : vector<1x128x128xf32> to vector<128x128xf32>
      %mul3A_582 = vector.broadcast %get3A_576 : f32 to vector<128x128xf32>
      %mul3A_583 = arith.mulf %mul3A_582, %get3A_581 : vector<128x128xf32>
      %add3A_584 = arith.addf %add3A_573, %mul3A_583 : vector<128x128xf32>
      %get3A_585 = arith.constant 1 : index
      %get3A_586 = arith.constant 13 : index
      %get3A_587 = memref.load %arg1[%get3A_585, %get3A_586] : memref<8x18xf32, #tpu.memory_space<smem>>
      %get3A_588 = arith.constant 13 : index
      %get3A_589 = arith.constant 0 : index
      %get3A_590 = arith.constant 0 : index
      %get3A_591 = vector.load %arg6[%get3A_588, %get3A_589, %get3A_590] : memref<18x128x128xf32, #tpu.memory_space<vmem>>, vector<1x128x128xf32>
      %get3A_592 = vector.shape_cast %get3A_591 : vector<1x128x128xf32> to vector<128x128xf32>
      %mul3A_593 = vector.broadcast %get3A_587 : f32 to vector<128x128xf32>
      %mul3A_594 = arith.mulf %mul3A_593, %get3A_592 : vector<128x128xf32>
      %add3A_595 = arith.addf %add3A_584, %mul3A_594 : vector<128x128xf32>
      %get3A_596 = arith.constant 1 : index
      %get3A_597 = arith.constant 14 : index
      %get3A_598 = memref.load %arg1[%get3A_596, %get3A_597] : memref<8x18xf32, #tpu.memory_space<smem>>
      %get3A_599 = arith.constant 14 : index
      %get3A_600 = arith.constant 0 : index
      %get3A_601 = arith.constant 0 : index
      %get3A_602 = vector.load %arg6[%get3A_599, %get3A_600, %get3A_601] : memref<18x128x128xf32, #tpu.memory_space<vmem>>, vector<1x128x128xf32>
      %get3A_603 = vector.shape_cast %get3A_602 : vector<1x128x128xf32> to vector<128x128xf32>
      %mul3A_604 = vector.broadcast %get3A_598 : f32 to vector<128x128xf32>
      %mul3A_605 = arith.mulf %mul3A_604, %get3A_603 : vector<128x128xf32>
      %add3A_606 = arith.addf %add3A_595, %mul3A_605 : vector<128x128xf32>
      %get3A_607 = arith.constant 1 : index
      %get3A_608 = arith.constant 15 : index
      %get3A_609 = memref.load %arg1[%get3A_607, %get3A_608] : memref<8x18xf32, #tpu.memory_space<smem>>
      %get3A_610 = arith.constant 15 : index
      %get3A_611 = arith.constant 0 : index
      %get3A_612 = arith.constant 0 : index
      %get3A_613 = vector.load %arg6[%get3A_610, %get3A_611, %get3A_612] : memref<18x128x128xf32, #tpu.memory_space<vmem>>, vector<1x128x128xf32>
      %get3A_614 = vector.shape_cast %get3A_613 : vector<1x128x128xf32> to vector<128x128xf32>
      %mul3A_615 = vector.broadcast %get3A_609 : f32 to vector<128x128xf32>
      %mul3A_616 = arith.mulf %mul3A_615, %get3A_614 : vector<128x128xf32>
      %add3A_617 = arith.addf %add3A_606, %mul3A_616 : vector<128x128xf32>
      %get3A_618 = arith.constant 1 : index
      %get3A_619 = arith.constant 16 : index
      %get3A_620 = memref.load %arg1[%get3A_618, %get3A_619] : memref<8x18xf32, #tpu.memory_space<smem>>
      %get3A_621 = arith.constant 16 : index
      %get3A_622 = arith.constant 0 : index
      %get3A_623 = arith.constant 0 : index
      %get3A_624 = vector.load %arg6[%get3A_621, %get3A_622, %get3A_623] : memref<18x128x128xf32, #tpu.memory_space<vmem>>, vector<1x128x128xf32>
      %get3A_625 = vector.shape_cast %get3A_624 : vector<1x128x128xf32> to vector<128x128xf32>
      %mul3A_626 = vector.broadcast %get3A_620 : f32 to vector<128x128xf32>
      %mul3A_627 = arith.mulf %mul3A_626, %get3A_625 : vector<128x128xf32>
      %add3A_628 = arith.addf %add3A_617, %mul3A_627 : vector<128x128xf32>
      %get3A_629 = arith.constant 1 : index
      %get3A_630 = arith.constant 17 : index
      %get3A_631 = memref.load %arg1[%get3A_629, %get3A_630] : memref<8x18xf32, #tpu.memory_space<smem>>
      %get3A_632 = arith.constant 17 : index
      %get3A_633 = arith.constant 0 : index
      %get3A_634 = arith.constant 0 : index
      %get3A_635 = vector.load %arg6[%get3A_632, %get3A_633, %get3A_634] : memref<18x128x128xf32, #tpu.memory_space<vmem>>, vector<1x128x128xf32>
      %get3A_636 = vector.shape_cast %get3A_635 : vector<1x128x128xf32> to vector<128x128xf32>
      %mul3A_637 = vector.broadcast %get3A_631 : f32 to vector<128x128xf32>
      %mul3A_638 = arith.mulf %mul3A_637, %get3A_636 : vector<128x128xf32>
      %add3A_639 = arith.addf %add3A_628, %mul3A_638 : vector<128x128xf32>
      %swap3A_640 = arith.constant 1 : index
      %swap3A_641 = arith.constant 0 : index
      %swap3A_642 = arith.constant 0 : index
      %swap3A_643 = vector.load %arg9[%swap3A_640, %swap3A_641, %swap3A_642] : memref<8x128x128xf32, #tpu.memory_space<vmem>>, vector<1x128x128xf32>
      %swap3A_644 = vector.shape_cast %swap3A_643 : vector<1x128x128xf32> to vector<128x128xf32>
      %swap3A_645 = vector.shape_cast %add3A_639 : vector<128x128xf32> to vector<1x128x128xf32>
      tpu.vector_store %arg9[%swap3A_640, %swap3A_641, %swap3A_642], %swap3A_645 {strides = array<i32>} : memref<8x128x128xf32, #tpu.memory_space<vmem>>, vector<1x128x128xf32>,
      %broadcast_in_dim3A_646 = arith.constant 0.000000e+00 : f32
      %broadcast_in_dim3A_647 = vector.broadcast %broadcast_in_dim3A_646 : f32 to vector<128x128xf32>
      %get3A_648 = arith.constant 2 : index
      %get3A_649 = arith.constant 0 : index
      %get3A_650 = memref.load %arg1[%get3A_648, %get3A_649] : memref<8x18xf32, #tpu.memory_space<smem>>
      %get3A_651 = arith.constant 0 : index
      %get3A_652 = arith.constant 0 : index
      %get3A_653 = arith.constant 0 : index
      %get3A_654 = vector.load %arg6[%get3A_651, %get3A_652, %get3A_653] : memref<18x128x128xf32, #tpu.memory_space<vmem>>, vector<1x128x128xf32>
      %get3A_655 = vector.shape_cast %get3A_654 : vector<1x128x128xf32> to vector<128x128xf32>
      %mul3A_656 = vector.broadcast %get3A_650 : f32 to vector<128x128xf32>
      %mul3A_657 = arith.mulf %mul3A_656, %get3A_655 : vector<128x128xf32>
      %add3A_658 = arith.addf %broadcast_in_dim3A_647, %mul3A_657 : vector<128x128xf32>
      %get3A_659 = arith.constant 2 : index
      %get3A_660 = arith.constant 1 : index
      %get3A_661 = memref.load %arg1[%get3A_659, %get3A_660] : memref<8x18xf32, #tpu.memory_space<smem>>
      %get3A_662 = arith.constant 1 : index
      %get3A_663 = arith.constant 0 : index
      %get3A_664 = arith.constant 0 : index
      %get3A_665 = vector.load %arg6[%get3A_662, %get3A_663, %get3A_664] : memref<18x128x128xf32, #tpu.memory_space<vmem>>, vector<1x128x128xf32>
      %get3A_666 = vector.shape_cast %get3A_665 : vector<1x128x128xf32> to vector<128x128xf32>
      %mul3A_667 = vector.broadcast %get3A_661 : f32 to vector<128x128xf32>
      %mul3A_668 = arith.mulf %mul3A_667, %get3A_666 : vector<128x128xf32>
      %add3A_669 = arith.addf %add3A_658, %mul3A_668 : vector<128x128xf32>
      %get3A_670 = arith.constant 2 : index
      %get3A_671 = arith.constant 2 : index
      %get3A_672 = memref.load %arg1[%get3A_670, %get3A_671] : memref<8x18xf32, #tpu.memory_space<smem>>
      %get3A_673 = arith.constant 2 : index
      %get3A_674 = arith.constant 0 : index
      %get3A_675 = arith.constant 0 : index
      %get3A_676 = vector.load %arg6[%get3A_673, %get3A_674, %get3A_675] : memref<18x128x128xf32, #tpu.memory_space<vmem>>, vector<1x128x128xf32>
      %get3A_677 = vector.shape_cast %get3A_676 : vector<1x128x128xf32> to vector<128x128xf32>
      %mul3A_678 = vector.broadcast %get3A_672 : f32 to vector<128x128xf32>
      %mul3A_679 = arith.mulf %mul3A_678, %get3A_677 : vector<128x128xf32>
      %add3A_680 = arith.addf %add3A_669, %mul3A_679 : vector<128x128xf32>
      %get3A_681 = arith.constant 2 : index
      %get3A_682 = arith.constant 3 : index
      %get3A_683 = memref.load %arg1[%get3A_681, %get3A_682] : memref<8x18xf32, #tpu.memory_space<smem>>
      %get3A_684 = arith.constant 3 : index
      %get3A_685 = arith.constant 0 : index
      %get3A_686 = arith.constant 0 : index
      %get3A_687 = vector.load %arg6[%get3A_684, %get3A_685, %get3A_686] : memref<18x128x128xf32, #tpu.memory_space<vmem>>, vector<1x128x128xf32>
      %get3A_688 = vector.shape_cast %get3A_687 : vector<1x128x128xf32> to vector<128x128xf32>
      %mul3A_689 = vector.broadcast %get3A_683 : f32 to vector<128x128xf32>
      %mul3A_690 = arith.mulf %mul3A_689, %get3A_688 : vector<128x128xf32>
      %add3A_691 = arith.addf %add3A_680, %mul3A_690 : vector<128x128xf32>
      %get3A_692 = arith.constant 2 : index
      %get3A_693 = arith.constant 4 : index
      %get3A_694 = memref.load %arg1[%get3A_692, %get3A_693] : memref<8x18xf32, #tpu.memory_space<smem>>
      %get3A_695 = arith.constant 4 : index
      %get3A_696 = arith.constant 0 : index
      %get3A_697 = arith.constant 0 : index
      %get3A_698 = vector.load %arg6[%get3A_695, %get3A_696, %get3A_697] : memref<18x128x128xf32, #tpu.memory_space<vmem>>, vector<1x128x128xf32>
      %get3A_699 = vector.shape_cast %get3A_698 : vector<1x128x128xf32> to vector<128x128xf32>
      %mul3A_700 = vector.broadcast %get3A_694 : f32 to vector<128x128xf32>
      %mul3A_701 = arith.mulf %mul3A_700, %get3A_699 : vector<128x128xf32>
      %add3A_702 = arith.addf %add3A_691, %mul3A_701 : vector<128x128xf32>
      %get3A_703 = arith.constant 2 : index
      %get3A_704 = arith.constant 5 : index
      %get3A_705 = memref.load %arg1[%get3A_703, %get3A_704] : memref<8x18xf32, #tpu.memory_space<smem>>
      %get3A_706 = arith.constant 5 : index
      %get3A_707 = arith.constant 0 : index
      %get3A_708 = arith.constant 0 : index
      %get3A_709 = vector.load %arg6[%get3A_706, %get3A_707, %get3A_708] : memref<18x128x128xf32, #tpu.memory_space<vmem>>, vector<1x128x128xf32>
      %get3A_710 = vector.shape_cast %get3A_709 : vector<1x128x128xf32> to vector<128x128xf32>
      %mul3A_711 = vector.broadcast %get3A_705 : f32 to vector<128x128xf32>
      %mul3A_712 = arith.mulf %mul3A_711, %get3A_710 : vector<128x128xf32>
      %add3A_713 = arith.addf %add3A_702, %mul3A_712 : vector<128x128xf32>
      %get3A_714 = arith.constant 2 : index
      %get3A_715 = arith.constant 6 : index
      %get3A_716 = memref.load %arg1[%get3A_714, %get3A_715] : memref<8x18xf32, #tpu.memory_space<smem>>
      %get3A_717 = arith.constant 6 : index
      %get3A_718 = arith.constant 0 : index
      %get3A_719 = arith.constant 0 : index
      %get3A_720 = vector.load %arg6[%get3A_717, %get3A_718, %get3A_719] : memref<18x128x128xf32, #tpu.memory_space<vmem>>, vector<1x128x128xf32>
      %get3A_721 = vector.shape_cast %get3A_720 : vector<1x128x128xf32> to vector<128x128xf32>
      %mul3A_722 = vector.broadcast %get3A_716 : f32 to vector<128x128xf32>
      %mul3A_723 = arith.mulf %mul3A_722, %get3A_721 : vector<128x128xf32>
      %add3A_724 = arith.addf %add3A_713, %mul3A_723 : vector<128x128xf32>
      %get3A_725 = arith.constant 2 : index
      %get3A_726 = arith.constant 7 : index
      %get3A_727 = memref.load %arg1[%get3A_725, %get3A_726] : memref<8x18xf32, #tpu.memory_space<smem>>
      %get3A_728 = arith.constant 7 : index
      %get3A_729 = arith.constant 0 : index
      %get3A_730 = arith.constant 0 : index
      %get3A_731 = vector.load %arg6[%get3A_728, %get3A_729, %get3A_730] : memref<18x128x128xf32, #tpu.memory_space<vmem>>, vector<1x128x128xf32>
      %get3A_732 = vector.shape_cast %get3A_731 : vector<1x128x128xf32> to vector<128x128xf32>
      %mul3A_733 = vector.broadcast %get3A_727 : f32 to vector<128x128xf32>
      %mul3A_734 = arith.mulf %mul3A_733, %get3A_732 : vector<128x128xf32>
      %add3A_735 = arith.addf %add3A_724, %mul3A_734 : vector<128x128xf32>
      %get3A_736 = arith.constant 2 : index
      %get3A_737 = arith.constant 8 : index
      %get3A_738 = memref.load %arg1[%get3A_736, %get3A_737] : memref<8x18xf32, #tpu.memory_space<smem>>
      %get3A_739 = arith.constant 8 : index
      %get3A_740 = arith.constant 0 : index
      %get3A_741 = arith.constant 0 : index
      %get3A_742 = vector.load %arg6[%get3A_739, %get3A_740, %get3A_741] : memref<18x128x128xf32, #tpu.memory_space<vmem>>, vector<1x128x128xf32>
      %get3A_743 = vector.shape_cast %get3A_742 : vector<1x128x128xf32> to vector<128x128xf32>
      %mul3A_744 = vector.broadcast %get3A_738 : f32 to vector<128x128xf32>
      %mul3A_745 = arith.mulf %mul3A_744, %get3A_743 : vector<128x128xf32>
      %add3A_746 = arith.addf %add3A_735, %mul3A_745 : vector<128x128xf32>
      %get3A_747 = arith.constant 2 : index
      %get3A_748 = arith.constant 9 : index
      %get3A_749 = memref.load %arg1[%get3A_747, %get3A_748] : memref<8x18xf32, #tpu.memory_space<smem>>
      %get3A_750 = arith.constant 9 : index
      %get3A_751 = arith.constant 0 : index
      %get3A_752 = arith.constant 0 : index
      %get3A_753 = vector.load %arg6[%get3A_750, %get3A_751, %get3A_752] : memref<18x128x128xf32, #tpu.memory_space<vmem>>, vector<1x128x128xf32>
      %get3A_754 = vector.shape_cast %get3A_753 : vector<1x128x128xf32> to vector<128x128xf32>
      %mul3A_755 = vector.broadcast %get3A_749 : f32 to vector<128x128xf32>
      %mul3A_756 = arith.mulf %mul3A_755, %get3A_754 : vector<128x128xf32>
      %add3A_757 = arith.addf %add3A_746, %mul3A_756 : vector<128x128xf32>
      %get3A_758 = arith.constant 2 : index
      %get3A_759 = arith.constant 10 : index
      %get3A_760 = memref.load %arg1[%get3A_758, %get3A_759] : memref<8x18xf32, #tpu.memory_space<smem>>
      %get3A_761 = arith.constant 10 : index
      %get3A_762 = arith.constant 0 : index
      %get3A_763 = arith.constant 0 : index
      %get3A_764 = vector.load %arg6[%get3A_761, %get3A_762, %get3A_763] : memref<18x128x128xf32, #tpu.memory_space<vmem>>, vector<1x128x128xf32>
      %get3A_765 = vector.shape_cast %get3A_764 : vector<1x128x128xf32> to vector<128x128xf32>
      %mul3A_766 = vector.broadcast %get3A_760 : f32 to vector<128x128xf32>
      %mul3A_767 = arith.mulf %mul3A_766, %get3A_765 : vector<128x128xf32>
      %add3A_768 = arith.addf %add3A_757, %mul3A_767 : vector<128x128xf32>
      %get3A_769 = arith.constant 2 : index
      %get3A_770 = arith.constant 11 : index
      %get3A_771 = memref.load %arg1[%get3A_769, %get3A_770] : memref<8x18xf32, #tpu.memory_space<smem>>
      %get3A_772 = arith.constant 11 : index
      %get3A_773 = arith.constant 0 : index
      %get3A_774 = arith.constant 0 : index
      %get3A_775 = vector.load %arg6[%get3A_772, %get3A_773, %get3A_774] : memref<18x128x128xf32, #tpu.memory_space<vmem>>, vector<1x128x128xf32>
      %get3A_776 = vector.shape_cast %get3A_775 : vector<1x128x128xf32> to vector<128x128xf32>
      %mul3A_777 = vector.broadcast %get3A_771 : f32 to vector<128x128xf32>
      %mul3A_778 = arith.mulf %mul3A_777, %get3A_776 : vector<128x128xf32>
      %add3A_779 = arith.addf %add3A_768, %mul3A_778 : vector<128x128xf32>
      %get3A_780 = arith.constant 2 : index
      %get3A_781 = arith.constant 12 : index
      %get3A_782 = memref.load %arg1[%get3A_780, %get3A_781] : memref<8x18xf32, #tpu.memory_space<smem>>
      %get3A_783 = arith.constant 12 : index
      %get3A_784 = arith.constant 0 : index
      %get3A_785 = arith.constant 0 : index
      %get3A_786 = vector.load %arg6[%get3A_783, %get3A_784, %get3A_785] : memref<18x128x128xf32, #tpu.memory_space<vmem>>, vector<1x128x128xf32>
      %get3A_787 = vector.shape_cast %get3A_786 : vector<1x128x128xf32> to vector<128x128xf32>
      %mul3A_788 = vector.broadcast %get3A_782 : f32 to vector<128x128xf32>
      %mul3A_789 = arith.mulf %mul3A_788, %get3A_787 : vector<128x128xf32>
      %add3A_790 = arith.addf %add3A_779, %mul3A_789 : vector<128x128xf32>
      %get3A_791 = arith.constant 2 : index
      %get3A_792 = arith.constant 13 : index
      %get3A_793 = memref.load %arg1[%get3A_791, %get3A_792] : memref<8x18xf32, #tpu.memory_space<smem>>
      %get3A_794 = arith.constant 13 : index
      %get3A_795 = arith.constant 0 : index
      %get3A_796 = arith.constant 0 : index
      %get3A_797 = vector.load %arg6[%get3A_794, %get3A_795, %get3A_796] : memref<18x128x128xf32, #tpu.memory_space<vmem>>, vector<1x128x128xf32>
      %get3A_798 = vector.shape_cast %get3A_797 : vector<1x128x128xf32> to vector<128x128xf32>
      %mul3A_799 = vector.broadcast %get3A_793 : f32 to vector<128x128xf32>
      %mul3A_800 = arith.mulf %mul3A_799, %get3A_798 : vector<128x128xf32>
      %add3A_801 = arith.addf %add3A_790, %mul3A_800 : vector<128x128xf32>
      %get3A_802 = arith.constant 2 : index
      %get3A_803 = arith.constant 14 : index
      %get3A_804 = memref.load %arg1[%get3A_802, %get3A_803] : memref<8x18xf32, #tpu.memory_space<smem>>
      %get3A_805 = arith.constant 14 : index
      %get3A_806 = arith.constant 0 : index
      %get3A_807 = arith.constant 0 : index
      %get3A_808 = vector.load %arg6[%get3A_805, %get3A_806, %get3A_807] : memref<18x128x128xf32, #tpu.memory_space<vmem>>, vector<1x128x128xf32>
      %get3A_809 = vector.shape_cast %get3A_808 : vector<1x128x128xf32> to vector<128x128xf32>
      %mul3A_810 = vector.broadcast %get3A_804 : f32 to vector<128x128xf32>
      %mul3A_811 = arith.mulf %mul3A_810, %get3A_809 : vector<128x128xf32>
      %add3A_812 = arith.addf %add3A_801, %mul3A_811 : vector<128x128xf32>
      %get3A_813 = arith.constant 2 : index
      %get3A_814 = arith.constant 15 : index
      %get3A_815 = memref.load %arg1[%get3A_813, %get3A_814] : memref<8x18xf32, #tpu.memory_space<smem>>
      %get3A_816 = arith.constant 15 : index
      %get3A_817 = arith.constant 0 : index
      %get3A_818 = arith.constant 0 : index
      %get3A_819 = vector.load %arg6[%get3A_816, %get3A_817, %get3A_818] : memref<18x128x128xf32, #tpu.memory_space<vmem>>, vector<1x128x128xf32>
      %get3A_820 = vector.shape_cast %get3A_819 : vector<1x128x128xf32> to vector<128x128xf32>
      %mul3A_821 = vector.broadcast %get3A_815 : f32 to vector<128x128xf32>
      %mul3A_822 = arith.mulf %mul3A_821, %get3A_820 : vector<128x128xf32>
      %add3A_823 = arith.addf %add3A_812, %mul3A_822 : vector<128x128xf32>
      %get3A_824 = arith.constant 2 : index
      %get3A_825 = arith.constant 16 : index
      %get3A_826 = memref.load %arg1[%get3A_824, %get3A_825] : memref<8x18xf32, #tpu.memory_space<smem>>
      %get3A_827 = arith.constant 16 : index
      %get3A_828 = arith.constant 0 : index
      %get3A_829 = arith.constant 0 : index
      %get3A_830 = vector.load %arg6[%get3A_827, %get3A_828, %get3A_829] : memref<18x128x128xf32, #tpu.memory_space<vmem>>, vector<1x128x128xf32>
      %get3A_831 = vector.shape_cast %get3A_830 : vector<1x128x128xf32> to vector<128x128xf32>
      %mul3A_832 = vector.broadcast %get3A_826 : f32 to vector<128x128xf32>
      %mul3A_833 = arith.mulf %mul3A_832, %get3A_831 : vector<128x128xf32>
      %add3A_834 = arith.addf %add3A_823, %mul3A_833 : vector<128x128xf32>
      %get3A_835 = arith.constant 2 : index
      %get3A_836 = arith.constant 17 : index
      %get3A_837 = memref.load %arg1[%get3A_835, %get3A_836] : memref<8x18xf32, #tpu.memory_space<smem>>
      %get3A_838 = arith.constant 17 : index
      %get3A_839 = arith.constant 0 : index
      %get3A_840 = arith.constant 0 : index
      %get3A_841 = vector.load %arg6[%get3A_838, %get3A_839, %get3A_840] : memref<18x128x128xf32, #tpu.memory_space<vmem>>, vector<1x128x128xf32>
      %get3A_842 = vector.shape_cast %get3A_841 : vector<1x128x128xf32> to vector<128x128xf32>
      %mul3A_843 = vector.broadcast %get3A_837 : f32 to vector<128x128xf32>
      %mul3A_844 = arith.mulf %mul3A_843, %get3A_842 : vector<128x128xf32>
      %add3A_845 = arith.addf %add3A_834, %mul3A_844 : vector<128x128xf32>
      %swap3A_846 = arith.constant 2 : index
      %swap3A_847 = arith.constant 0 : index
      %swap3A_848 = arith.constant 0 : index
      %swap3A_849 = vector.load %arg9[%swap3A_846, %swap3A_847, %swap3A_848] : memref<8x128x128xf32, #tpu.memory_space<vmem>>, vector<1x128x128xf32>
      %swap3A_850 = vector.shape_cast %swap3A_849 : vector<1x128x128xf32> to vector<128x128xf32>
      %swap3A_851 = vector.shape_cast %add3A_845 : vector<128x128xf32> to vector<1x128x128xf32>
      tpu.vector_store %arg9[%swap3A_846, %swap3A_847, %swap3A_848], %swap3A_851 {strides = array<i32>} : memref<8x128x128xf32, #tpu.memory_space<vmem>>, vector<1x128x128xf32>,
      %broadcast_in_dim3A_852 = arith.constant 0.000000e+00 : f32
      %broadcast_in_dim3A_853 = vector.broadcast %broadcast_in_dim3A_852 : f32 to vector<128x128xf32>
      %get3A_854 = arith.constant 3 : index
      %get3A_855 = arith.constant 0 : index
      %get3A_856 = memref.load %arg1[%get3A_854, %get3A_855] : memref<8x18xf32, #tpu.memory_space<smem>>
      %get3A_857 = arith.constant 0 : index
      %get3A_858 = arith.constant 0 : index
      %get3A_859 = arith.constant 0 : index
      %get3A_860 = vector.load %arg6[%get3A_857, %get3A_858, %get3A_859] : memref<18x128x128xf32, #tpu.memory_space<vmem>>, vector<1x128x128xf32>
      %get3A_861 = vector.shape_cast %get3A_860 : vector<1x128x128xf32> to vector<128x128xf32>
      %mul3A_862 = vector.broadcast %get3A_856 : f32 to vector<128x128xf32>
      %mul3A_863 = arith.mulf %mul3A_862, %get3A_861 : vector<128x128xf32>
      %add3A_864 = arith.addf %broadcast_in_dim3A_853, %mul3A_863 : vector<128x128xf32>
      %get3A_865 = arith.constant 3 : index
      %get3A_866 = arith.constant 1 : index
      %get3A_867 = memref.load %arg1[%get3A_865, %get3A_866] : memref<8x18xf32, #tpu.memory_space<smem>>
      %get3A_868 = arith.constant 1 : index
      %get3A_869 = arith.constant 0 : index
      %get3A_870 = arith.constant 0 : index
      %get3A_871 = vector.load %arg6[%get3A_868, %get3A_869, %get3A_870] : memref<18x128x128xf32, #tpu.memory_space<vmem>>, vector<1x128x128xf32>
      %get3A_872 = vector.shape_cast %get3A_871 : vector<1x128x128xf32> to vector<128x128xf32>
      %mul3A_873 = vector.broadcast %get3A_867 : f32 to vector<128x128xf32>
      %mul3A_874 = arith.mulf %mul3A_873, %get3A_872 : vector<128x128xf32>
      %add3A_875 = arith.addf %add3A_864, %mul3A_874 : vector<128x128xf32>
      %get3A_876 = arith.constant 3 : index
      %get3A_877 = arith.constant 2 : index
      %get3A_878 = memref.load %arg1[%get3A_876, %get3A_877] : memref<8x18xf32, #tpu.memory_space<smem>>
      %get3A_879 = arith.constant 2 : index
      %get3A_880 = arith.constant 0 : index
      %get3A_881 = arith.constant 0 : index
      %get3A_882 = vector.load %arg6[%get3A_879, %get3A_880, %get3A_881] : memref<18x128x128xf32, #tpu.memory_space<vmem>>, vector<1x128x128xf32>
      %get3A_883 = vector.shape_cast %get3A_882 : vector<1x128x128xf32> to vector<128x128xf32>
      %mul3A_884 = vector.broadcast %get3A_878 : f32 to vector<128x128xf32>
      %mul3A_885 = arith.mulf %mul3A_884, %get3A_883 : vector<128x128xf32>
      %add3A_886 = arith.addf %add3A_875, %mul3A_885 : vector<128x128xf32>
      %get3A_887 = arith.constant 3 : index
      %get3A_888 = arith.constant 3 : index
      %get3A_889 = memref.load %arg1[%get3A_887, %get3A_888] : memref<8x18xf32, #tpu.memory_space<smem>>
      %get3A_890 = arith.constant 3 : index
      %get3A_891 = arith.constant 0 : index
      %get3A_892 = arith.constant 0 : index
      %get3A_893 = vector.load %arg6[%get3A_890, %get3A_891, %get3A_892] : memref<18x128x128xf32, #tpu.memory_space<vmem>>, vector<1x128x128xf32>
      %get3A_894 = vector.shape_cast %get3A_893 : vector<1x128x128xf32> to vector<128x128xf32>
      %mul3A_895 = vector.broadcast %get3A_889 : f32 to vector<128x128xf32>
      %mul3A_896 = arith.mulf %mul3A_895, %get3A_894 : vector<128x128xf32>
      %add3A_897 = arith.addf %add3A_886, %mul3A_896 : vector<128x128xf32>
      %get3A_898 = arith.constant 3 : index
      %get3A_899 = arith.constant 4 : index
      %get3A_900 = memref.load %arg1[%get3A_898, %get3A_899] : memref<8x18xf32, #tpu.memory_space<smem>>
      %get3A_901 = arith.constant 4 : index
      %get3A_902 = arith.constant 0 : index
      %get3A_903 = arith.constant 0 : index
      %get3A_904 = vector.load %arg6[%get3A_901, %get3A_902, %get3A_903] : memref<18x128x128xf32, #tpu.memory_space<vmem>>, vector<1x128x128xf32>
      %get3A_905 = vector.shape_cast %get3A_904 : vector<1x128x128xf32> to vector<128x128xf32>
      %mul3A_906 = vector.broadcast %get3A_900 : f32 to vector<128x128xf32>
      %mul3A_907 = arith.mulf %mul3A_906, %get3A_905 : vector<128x128xf32>
      %add3A_908 = arith.addf %add3A_897, %mul3A_907 : vector<128x128xf32>
      %get3A_909 = arith.constant 3 : index
      %get3A_910 = arith.constant 5 : index
      %get3A_911 = memref.load %arg1[%get3A_909, %get3A_910] : memref<8x18xf32, #tpu.memory_space<smem>>
      %get3A_912 = arith.constant 5 : index
      %get3A_913 = arith.constant 0 : index
      %get3A_914 = arith.constant 0 : index
      %get3A_915 = vector.load %arg6[%get3A_912, %get3A_913, %get3A_914] : memref<18x128x128xf32, #tpu.memory_space<vmem>>, vector<1x128x128xf32>
      %get3A_916 = vector.shape_cast %get3A_915 : vector<1x128x128xf32> to vector<128x128xf32>
      %mul3A_917 = vector.broadcast %get3A_911 : f32 to vector<128x128xf32>
      %mul3A_918 = arith.mulf %mul3A_917, %get3A_916 : vector<128x128xf32>
      %add3A_919 = arith.addf %add3A_908, %mul3A_918 : vector<128x128xf32>
      %get3A_920 = arith.constant 3 : index
      %get3A_921 = arith.constant 6 : index
      %get3A_922 = memref.load %arg1[%get3A_920, %get3A_921] : memref<8x18xf32, #tpu.memory_space<smem>>
      %get3A_923 = arith.constant 6 : index
      %get3A_924 = arith.constant 0 : index
      %get3A_925 = arith.constant 0 : index
      %get3A_926 = vector.load %arg6[%get3A_923, %get3A_924, %get3A_925] : memref<18x128x128xf32, #tpu.memory_space<vmem>>, vector<1x128x128xf32>
      %get3A_927 = vector.shape_cast %get3A_926 : vector<1x128x128xf32> to vector<128x128xf32>
      %mul3A_928 = vector.broadcast %get3A_922 : f32 to vector<128x128xf32>
      %mul3A_929 = arith.mulf %mul3A_928, %get3A_927 : vector<128x128xf32>
      %add3A_930 = arith.addf %add3A_919, %mul3A_929 : vector<128x128xf32>
      %get3A_931 = arith.constant 3 : index
      %get3A_932 = arith.constant 7 : index
      %get3A_933 = memref.load %arg1[%get3A_931, %get3A_932] : memref<8x18xf32, #tpu.memory_space<smem>>
      %get3A_934 = arith.constant 7 : index
      %get3A_935 = arith.constant 0 : index
      %get3A_936 = arith.constant 0 : index
      %get3A_937 = vector.load %arg6[%get3A_934, %get3A_935, %get3A_936] : memref<18x128x128xf32, #tpu.memory_space<vmem>>, vector<1x128x128xf32>
      %get3A_938 = vector.shape_cast %get3A_937 : vector<1x128x128xf32> to vector<128x128xf32>
      %mul3A_939 = vector.broadcast %get3A_933 : f32 to vector<128x128xf32>
      %mul3A_940 = arith.mulf %mul3A_939, %get3A_938 : vector<128x128xf32>
      %add3A_941 = arith.addf %add3A_930, %mul3A_940 : vector<128x128xf32>
      %get3A_942 = arith.constant 3 : index
      %get3A_943 = arith.constant 8 : index
      %get3A_944 = memref.load %arg1[%get3A_942, %get3A_943] : memref<8x18xf32, #tpu.memory_space<smem>>
      %get3A_945 = arith.constant 8 : index
      %get3A_946 = arith.constant 0 : index
      %get3A_947 = arith.constant 0 : index
      %get3A_948 = vector.load %arg6[%get3A_945, %get3A_946, %get3A_947] : memref<18x128x128xf32, #tpu.memory_space<vmem>>, vector<1x128x128xf32>
      %get3A_949 = vector.shape_cast %get3A_948 : vector<1x128x128xf32> to vector<128x128xf32>
      %mul3A_950 = vector.broadcast %get3A_944 : f32 to vector<128x128xf32>
      %mul3A_951 = arith.mulf %mul3A_950, %get3A_949 : vector<128x128xf32>
      %add3A_952 = arith.addf %add3A_941, %mul3A_951 : vector<128x128xf32>
      %get3A_953 = arith.constant 3 : index
      %get3A_954 = arith.constant 9 : index
      %get3A_955 = memref.load %arg1[%get3A_953, %get3A_954] : memref<8x18xf32, #tpu.memory_space<smem>>
      %get3A_956 = arith.constant 9 : index
      %get3A_957 = arith.constant 0 : index
      %get3A_958 = arith.constant 0 : index
      %get3A_959 = vector.load %arg6[%get3A_956, %get3A_957, %get3A_958] : memref<18x128x128xf32, #tpu.memory_space<vmem>>, vector<1x128x128xf32>
      %get3A_960 = vector.shape_cast %get3A_959 : vector<1x128x128xf32> to vector<128x128xf32>
      %mul3A_961 = vector.broadcast %get3A_955 : f32 to vector<128x128xf32>
      %mul3A_962 = arith.mulf %mul3A_961, %get3A_960 : vector<128x128xf32>
      %add3A_963 = arith.addf %add3A_952, %mul3A_962 : vector<128x128xf32>
      %get3A_964 = arith.constant 3 : index
      %get3A_965 = arith.constant 10 : index
      %get3A_966 = memref.load %arg1[%get3A_964, %get3A_965] : memref<8x18xf32, #tpu.memory_space<smem>>
      %get3A_967 = arith.constant 10 : index
      %get3A_968 = arith.constant 0 : index
      %get3A_969 = arith.constant 0 : index
      %get3A_970 = vector.load %arg6[%get3A_967, %get3A_968, %get3A_969] : memref<18x128x128xf32, #tpu.memory_space<vmem>>, vector<1x128x128xf32>
      %get3A_971 = vector.shape_cast %get3A_970 : vector<1x128x128xf32> to vector<128x128xf32>
      %mul3A_972 = vector.broadcast %get3A_966 : f32 to vector<128x128xf32>
      %mul3A_973 = arith.mulf %mul3A_972, %get3A_971 : vector<128x128xf32>
      %add3A_974 = arith.addf %add3A_963, %mul3A_973 : vector<128x128xf32>
      %get3A_975 = arith.constant 3 : index
      %get3A_976 = arith.constant 11 : index
      %get3A_977 = memref.load %arg1[%get3A_975, %get3A_976] : memref<8x18xf32, #tpu.memory_space<smem>>
      %get3A_978 = arith.constant 11 : index
      %get3A_979 = arith.constant 0 : index
      %get3A_980 = arith.constant 0 : index
      %get3A_981 = vector.load %arg6[%get3A_978, %get3A_979, %get3A_980] : memref<18x128x128xf32, #tpu.memory_space<vmem>>, vector<1x128x128xf32>
      %get3A_982 = vector.shape_cast %get3A_981 : vector<1x128x128xf32> to vector<128x128xf32>
      %mul3A_983 = vector.broadcast %get3A_977 : f32 to vector<128x128xf32>
      %mul3A_984 = arith.mulf %mul3A_983, %get3A_982 : vector<128x128xf32>
      %add3A_985 = arith.addf %add3A_974, %mul3A_984 : vector<128x128xf32>
      %get3A_986 = arith.constant 3 : index
      %get3A_987 = arith.constant 12 : index
      %get3A_988 = memref.load %arg1[%get3A_986, %get3A_987] : memref<8x18xf32, #tpu.memory_space<smem>>
      %get3A_989 = arith.constant 12 : index
      %get3A_990 = arith.constant 0 : index
      %get3A_991 = arith.constant 0 : index
      %get3A_992 = vector.load %arg6[%get3A_989, %get3A_990, %get3A_991] : memref<18x128x128xf32, #tpu.memory_space<vmem>>, vector<1x128x128xf32>
      %get3A_993 = vector.shape_cast %get3A_992 : vector<1x128x128xf32> to vector<128x128xf32>
      %mul3A_994 = vector.broadcast %get3A_988 : f32 to vector<128x128xf32>
      %mul3A_995 = arith.mulf %mul3A_994, %get3A_993 : vector<128x128xf32>
      %add3A_996 = arith.addf %add3A_985, %mul3A_995 : vector<128x128xf32>
      %get3A_997 = arith.constant 3 : index
      %get3A_998 = arith.constant 13 : index
      %get3A_999 = memref.load %arg1[%get3A_997, %get3A_998] : memref<8x18xf32, #tpu.memory_space<smem>>
      %get3A_1000 = arith.constant 13 : index
      %get3A_1001 = arith.constant 0 : index
      %get3A_1002 = arith.constant 0 : index
      %get3A_1003 = vector.load %arg6[%get3A_1000, %get3A_1001, %get3A_1002] : memref<18x128x128xf32, #tpu.memory_space<vmem>>, vector<1x128x128xf32>
      %get3A_1004 = vector.shape_cast %get3A_1003 : vector<1x128x128xf32> to vector<128x128xf32>
      %mul3A_1005 = vector.broadcast %get3A_999 : f32 to vector<128x128xf32>
      %mul3A_1006 = arith.mulf %mul3A_1005, %get3A_1004 : vector<128x128xf32>
      %add3A_1007 = arith.addf %add3A_996, %mul3A_1006 : vector<128x128xf32>
      %get3A_1008 = arith.constant 3 : index
      %get3A_1009 = arith.constant 14 : index
      %get3A_1010 = memref.load %arg1[%get3A_1008, %get3A_1009] : memref<8x18xf32, #tpu.memory_space<smem>>
      %get3A_1011 = arith.constant 14 : index
      %get3A_1012 = arith.constant 0 : index
      %get3A_1013 = arith.constant 0 : index
      %get3A_1014 = vector.load %arg6[%get3A_1011, %get3A_1012, %get3A_1013] : memref<18x128x128xf32, #tpu.memory_space<vmem>>, vector<1x128x128xf32>
      %get3A_1015 = vector.shape_cast %get3A_1014 : vector<1x128x128xf32> to vector<128x128xf32>
      %mul3A_1016 = vector.broadcast %get3A_1010 : f32 to vector<128x128xf32>
      %mul3A_1017 = arith.mulf %mul3A_1016, %get3A_1015 : vector<128x128xf32>
      %add3A_1018 = arith.addf %add3A_1007, %mul3A_1017 : vector<128x128xf32>
      %get3A_1019 = arith.constant 3 : index
      %get3A_1020 = arith.constant 15 : index
      %get3A_1021 = memref.load %arg1[%get3A_1019, %get3A_1020] : memref<8x18xf32, #tpu.memory_space<smem>>
      %get3A_1022 = arith.constant 15 : index
      %get3A_1023 = arith.constant 0 : index
      %get3A_1024 = arith.constant 0 : index
      %get3A_1025 = vector.load %arg6[%get3A_1022, %get3A_1023, %get3A_1024] : memref<18x128x128xf32, #tpu.memory_space<vmem>>, vector<1x128x128xf32>
      %get3A_1026 = vector.shape_cast %get3A_1025 : vector<1x128x128xf32> to vector<128x128xf32>
      %mul3A_1027 = vector.broadcast %get3A_1021 : f32 to vector<128x128xf32>
      %mul3A_1028 = arith.mulf %mul3A_1027, %get3A_1026 : vector<128x128xf32>
      %add3A_1029 = arith.addf %add3A_1018, %mul3A_1028 : vector<128x128xf32>
      %get3A_1030 = arith.constant 3 : index
      %get3A_1031 = arith.constant 16 : index
      %get3A_1032 = memref.load %arg1[%get3A_1030, %get3A_1031] : memref<8x18xf32, #tpu.memory_space<smem>>
      %get3A_1033 = arith.constant 16 : index
      %get3A_1034 = arith.constant 0 : index
      %get3A_1035 = arith.constant 0 : index
      %get3A_1036 = vector.load %arg6[%get3A_1033, %get3A_1034, %get3A_1035] : memref<18x128x128xf32, #tpu.memory_space<vmem>>, vector<1x128x128xf32>
      %get3A_1037 = vector.shape_cast %get3A_1036 : vector<1x128x128xf32> to vector<128x128xf32>
      %mul3A_1038 = vector.broadcast %get3A_1032 : f32 to vector<128x128xf32>
      %mul3A_1039 = arith.mulf %mul3A_1038, %get3A_1037 : vector<128x128xf32>
      %add3A_1040 = arith.addf %add3A_1029, %mul3A_1039 : vector<128x128xf32>
      %get3A_1041 = arith.constant 3 : index
      %get3A_1042 = arith.constant 17 : index
      %get3A_1043 = memref.load %arg1[%get3A_1041, %get3A_1042] : memref<8x18xf32, #tpu.memory_space<smem>>
      %get3A_1044 = arith.constant 17 : index
      %get3A_1045 = arith.constant 0 : index
      %get3A_1046 = arith.constant 0 : index
      %get3A_1047 = vector.load %arg6[%get3A_1044, %get3A_1045, %get3A_1046] : memref<18x128x128xf32, #tpu.memory_space<vmem>>, vector<1x128x128xf32>
      %get3A_1048 = vector.shape_cast %get3A_1047 : vector<1x128x128xf32> to vector<128x128xf32>
      %mul3A_1049 = vector.broadcast %get3A_1043 : f32 to vector<128x128xf32>
      %mul3A_1050 = arith.mulf %mul3A_1049, %get3A_1048 : vector<128x128xf32>
      %add3A_1051 = arith.addf %add3A_1040, %mul3A_1050 : vector<128x128xf32>
      %swap3A_1052 = arith.constant 3 : index
      %swap3A_1053 = arith.constant 0 : index
      %swap3A_1054 = arith.constant 0 : index
      %swap3A_1055 = vector.load %arg9[%swap3A_1052, %swap3A_1053, %swap3A_1054] : memref<8x128x128xf32, #tpu.memory_space<vmem>>, vector<1x128x128xf32>
      %swap3A_1056 = vector.shape_cast %swap3A_1055 : vector<1x128x128xf32> to vector<128x128xf32>
      %swap3A_1057 = vector.shape_cast %add3A_1051 : vector<128x128xf32> to vector<1x128x128xf32>
      tpu.vector_store %arg9[%swap3A_1052, %swap3A_1053, %swap3A_1054], %swap3A_1057 {strides = array<i32>} : memref<8x128x128xf32, #tpu.memory_space<vmem>>, vector<1x128x128xf32>,
      %broadcast_in_dim3A_1058 = arith.constant 0.000000e+00 : f32
      %broadcast_in_dim3A_1059 = vector.broadcast %broadcast_in_dim3A_1058 : f32 to vector<128x128xf32>
      %get3A_1060 = arith.constant 4 : index
      %get3A_1061 = arith.constant 0 : index
      %get3A_1062 = memref.load %arg1[%get3A_1060, %get3A_1061] : memref<8x18xf32, #tpu.memory_space<smem>>
      %get3A_1063 = arith.constant 0 : index
      %get3A_1064 = arith.constant 0 : index
      %get3A_1065 = arith.constant 0 : index
      %get3A_1066 = vector.load %arg6[%get3A_1063, %get3A_1064, %get3A_1065] : memref<18x128x128xf32, #tpu.memory_space<vmem>>, vector<1x128x128xf32>
      %get3A_1067 = vector.shape_cast %get3A_1066 : vector<1x128x128xf32> to vector<128x128xf32>
      %mul3A_1068 = vector.broadcast %get3A_1062 : f32 to vector<128x128xf32>
      %mul3A_1069 = arith.mulf %mul3A_1068, %get3A_1067 : vector<128x128xf32>
      %add3A_1070 = arith.addf %broadcast_in_dim3A_1059, %mul3A_1069 : vector<128x128xf32>
      %get3A_1071 = arith.constant 4 : index
      %get3A_1072 = arith.constant 1 : index
      %get3A_1073 = memref.load %arg1[%get3A_1071, %get3A_1072] : memref<8x18xf32, #tpu.memory_space<smem>>
      %get3A_1074 = arith.constant 1 : index
      %get3A_1075 = arith.constant 0 : index
      %get3A_1076 = arith.constant 0 : index
      %get3A_1077 = vector.load %arg6[%get3A_1074, %get3A_1075, %get3A_1076] : memref<18x128x128xf32, #tpu.memory_space<vmem>>, vector<1x128x128xf32>
      %get3A_1078 = vector.shape_cast %get3A_1077 : vector<1x128x128xf32> to vector<128x128xf32>
      %mul3A_1079 = vector.broadcast %get3A_1073 : f32 to vector<128x128xf32>
      %mul3A_1080 = arith.mulf %mul3A_1079, %get3A_1078 : vector<128x128xf32>
      %add3A_1081 = arith.addf %add3A_1070, %mul3A_1080 : vector<128x128xf32>
      %get3A_1082 = arith.constant 4 : index
      %get3A_1083 = arith.constant 2 : index
      %get3A_1084 = memref.load %arg1[%get3A_1082, %get3A_1083] : memref<8x18xf32, #tpu.memory_space<smem>>
      %get3A_1085 = arith.constant 2 : index
      %get3A_1086 = arith.constant 0 : index
      %get3A_1087 = arith.constant 0 : index
      %get3A_1088 = vector.load %arg6[%get3A_1085, %get3A_1086, %get3A_1087] : memref<18x128x128xf32, #tpu.memory_space<vmem>>, vector<1x128x128xf32>
      %get3A_1089 = vector.shape_cast %get3A_1088 : vector<1x128x128xf32> to vector<128x128xf32>
      %mul3A_1090 = vector.broadcast %get3A_1084 : f32 to vector<128x128xf32>
      %mul3A_1091 = arith.mulf %mul3A_1090, %get3A_1089 : vector<128x128xf32>
      %add3A_1092 = arith.addf %add3A_1081, %mul3A_1091 : vector<128x128xf32>
      %get3A_1093 = arith.constant 4 : index
      %get3A_1094 = arith.constant 3 : index
      %get3A_1095 = memref.load %arg1[%get3A_1093, %get3A_1094] : memref<8x18xf32, #tpu.memory_space<smem>>
      %get3A_1096 = arith.constant 3 : index
      %get3A_1097 = arith.constant 0 : index
      %get3A_1098 = arith.constant 0 : index
      %get3A_1099 = vector.load %arg6[%get3A_1096, %get3A_1097, %get3A_1098] : memref<18x128x128xf32, #tpu.memory_space<vmem>>, vector<1x128x128xf32>
      %get3A_1100 = vector.shape_cast %get3A_1099 : vector<1x128x128xf32> to vector<128x128xf32>
      %mul3A_1101 = vector.broadcast %get3A_1095 : f32 to vector<128x128xf32>
      %mul3A_1102 = arith.mulf %mul3A_1101, %get3A_1100 : vector<128x128xf32>
      %add3A_1103 = arith.addf %add3A_1092, %mul3A_1102 : vector<128x128xf32>
      %get3A_1104 = arith.constant 4 : index
      %get3A_1105 = arith.constant 4 : index
      %get3A_1106 = memref.load %arg1[%get3A_1104, %get3A_1105] : memref<8x18xf32, #tpu.memory_space<smem>>
      %get3A_1107 = arith.constant 4 : index
      %get3A_1108 = arith.constant 0 : index
      %get3A_1109 = arith.constant 0 : index
      %get3A_1110 = vector.load %arg6[%get3A_1107, %get3A_1108, %get3A_1109] : memref<18x128x128xf32, #tpu.memory_space<vmem>>, vector<1x128x128xf32>
      %get3A_1111 = vector.shape_cast %get3A_1110 : vector<1x128x128xf32> to vector<128x128xf32>
      %mul3A_1112 = vector.broadcast %get3A_1106 : f32 to vector<128x128xf32>
      %mul3A_1113 = arith.mulf %mul3A_1112, %get3A_1111 : vector<128x128xf32>
      %add3A_1114 = arith.addf %add3A_1103, %mul3A_1113 : vector<128x128xf32>
      %get3A_1115 = arith.constant 4 : index
      %get3A_1116 = arith.constant 5 : index
      %get3A_1117 = memref.load %arg1[%get3A_1115, %get3A_1116] : memref<8x18xf32, #tpu.memory_space<smem>>
      %get3A_1118 = arith.constant 5 : index
      %get3A_1119 = arith.constant 0 : index
      %get3A_1120 = arith.constant 0 : index
      %get3A_1121 = vector.load %arg6[%get3A_1118, %get3A_1119, %get3A_1120] : memref<18x128x128xf32, #tpu.memory_space<vmem>>, vector<1x128x128xf32>
      %get3A_1122 = vector.shape_cast %get3A_1121 : vector<1x128x128xf32> to vector<128x128xf32>
      %mul3A_1123 = vector.broadcast %get3A_1117 : f32 to vector<128x128xf32>
      %mul3A_1124 = arith.mulf %mul3A_1123, %get3A_1122 : vector<128x128xf32>
      %add3A_1125 = arith.addf %add3A_1114, %mul3A_1124 : vector<128x128xf32>
      %get3A_1126 = arith.constant 4 : index
      %get3A_1127 = arith.constant 6 : index
      %get3A_1128 = memref.load %arg1[%get3A_1126, %get3A_1127] : memref<8x18xf32, #tpu.memory_space<smem>>
      %get3A_1129 = arith.constant 6 : index
      %get3A_1130 = arith.constant 0 : index
      %get3A_1131 = arith.constant 0 : index
      %get3A_1132 = vector.load %arg6[%get3A_1129, %get3A_1130, %get3A_1131] : memref<18x128x128xf32, #tpu.memory_space<vmem>>, vector<1x128x128xf32>
      %get3A_1133 = vector.shape_cast %get3A_1132 : vector<1x128x128xf32> to vector<128x128xf32>
      %mul3A_1134 = vector.broadcast %get3A_1128 : f32 to vector<128x128xf32>
      %mul3A_1135 = arith.mulf %mul3A_1134, %get3A_1133 : vector<128x128xf32>
      %add3A_1136 = arith.addf %add3A_1125, %mul3A_1135 : vector<128x128xf32>
      %get3A_1137 = arith.constant 4 : index
      %get3A_1138 = arith.constant 7 : index
      %get3A_1139 = memref.load %arg1[%get3A_1137, %get3A_1138] : memref<8x18xf32, #tpu.memory_space<smem>>
      %get3A_1140 = arith.constant 7 : index
      %get3A_1141 = arith.constant 0 : index
      %get3A_1142 = arith.constant 0 : index
      %get3A_1143 = vector.load %arg6[%get3A_1140, %get3A_1141, %get3A_1142] : memref<18x128x128xf32, #tpu.memory_space<vmem>>, vector<1x128x128xf32>
      %get3A_1144 = vector.shape_cast %get3A_1143 : vector<1x128x128xf32> to vector<128x128xf32>
      %mul3A_1145 = vector.broadcast %get3A_1139 : f32 to vector<128x128xf32>
      %mul3A_1146 = arith.mulf %mul3A_1145, %get3A_1144 : vector<128x128xf32>
      %add3A_1147 = arith.addf %add3A_1136, %mul3A_1146 : vector<128x128xf32>
      %get3A_1148 = arith.constant 4 : index
      %get3A_1149 = arith.constant 8 : index
      %get3A_1150 = memref.load %arg1[%get3A_1148, %get3A_1149] : memref<8x18xf32, #tpu.memory_space<smem>>
      %get3A_1151 = arith.constant 8 : index
      %get3A_1152 = arith.constant 0 : index
      %get3A_1153 = arith.constant 0 : index
      %get3A_1154 = vector.load %arg6[%get3A_1151, %get3A_1152, %get3A_1153] : memref<18x128x128xf32, #tpu.memory_space<vmem>>, vector<1x128x128xf32>
      %get3A_1155 = vector.shape_cast %get3A_1154 : vector<1x128x128xf32> to vector<128x128xf32>
      %mul3A_1156 = vector.broadcast %get3A_1150 : f32 to vector<128x128xf32>
      %mul3A_1157 = arith.mulf %mul3A_1156, %get3A_1155 : vector<128x128xf32>
      %add3A_1158 = arith.addf %add3A_1147, %mul3A_1157 : vector<128x128xf32>
      %get3A_1159 = arith.constant 4 : index
      %get3A_1160 = arith.constant 9 : index
      %get3A_1161 = memref.load %arg1[%get3A_1159, %get3A_1160] : memref<8x18xf32, #tpu.memory_space<smem>>
      %get3A_1162 = arith.constant 9 : index
      %get3A_1163 = arith.constant 0 : index
      %get3A_1164 = arith.constant 0 : index
      %get3A_1165 = vector.load %arg6[%get3A_1162, %get3A_1163, %get3A_1164] : memref<18x128x128xf32, #tpu.memory_space<vmem>>, vector<1x128x128xf32>
      %get3A_1166 = vector.shape_cast %get3A_1165 : vector<1x128x128xf32> to vector<128x128xf32>
      %mul3A_1167 = vector.broadcast %get3A_1161 : f32 to vector<128x128xf32>
      %mul3A_1168 = arith.mulf %mul3A_1167, %get3A_1166 : vector<128x128xf32>
      %add3A_1169 = arith.addf %add3A_1158, %mul3A_1168 : vector<128x128xf32>
      %get3A_1170 = arith.constant 4 : index
      %get3A_1171 = arith.constant 10 : index
      %get3A_1172 = memref.load %arg1[%get3A_1170, %get3A_1171] : memref<8x18xf32, #tpu.memory_space<smem>>
      %get3A_1173 = arith.constant 10 : index
      %get3A_1174 = arith.constant 0 : index
      %get3A_1175 = arith.constant 0 : index
      %get3A_1176 = vector.load %arg6[%get3A_1173, %get3A_1174, %get3A_1175] : memref<18x128x128xf32, #tpu.memory_space<vmem>>, vector<1x128x128xf32>
      %get3A_1177 = vector.shape_cast %get3A_1176 : vector<1x128x128xf32> to vector<128x128xf32>
      %mul3A_1178 = vector.broadcast %get3A_1172 : f32 to vector<128x128xf32>
      %mul3A_1179 = arith.mulf %mul3A_1178, %get3A_1177 : vector<128x128xf32>
      %add3A_1180 = arith.addf %add3A_1169, %mul3A_1179 : vector<128x128xf32>
      %get3A_1181 = arith.constant 4 : index
      %get3A_1182 = arith.constant 11 : index
      %get3A_1183 = memref.load %arg1[%get3A_1181, %get3A_1182] : memref<8x18xf32, #tpu.memory_space<smem>>
      %get3A_1184 = arith.constant 11 : index
      %get3A_1185 = arith.constant 0 : index
      %get3A_1186 = arith.constant 0 : index
      %get3A_1187 = vector.load %arg6[%get3A_1184, %get3A_1185, %get3A_1186] : memref<18x128x128xf32, #tpu.memory_space<vmem>>, vector<1x128x128xf32>
      %get3A_1188 = vector.shape_cast %get3A_1187 : vector<1x128x128xf32> to vector<128x128xf32>
      %mul3A_1189 = vector.broadcast %get3A_1183 : f32 to vector<128x128xf32>
      %mul3A_1190 = arith.mulf %mul3A_1189, %get3A_1188 : vector<128x128xf32>
      %add3A_1191 = arith.addf %add3A_1180, %mul3A_1190 : vector<128x128xf32>
      %get3A_1192 = arith.constant 4 : index
      %get3A_1193 = arith.constant 12 : index
      %get3A_1194 = memref.load %arg1[%get3A_1192, %get3A_1193] : memref<8x18xf32, #tpu.memory_space<smem>>
      %get3A_1195 = arith.constant 12 : index
      %get3A_1196 = arith.constant 0 : index
      %get3A_1197 = arith.constant 0 : index
      %get3A_1198 = vector.load %arg6[%get3A_1195, %get3A_1196, %get3A_1197] : memref<18x128x128xf32, #tpu.memory_space<vmem>>, vector<1x128x128xf32>
      %get3A_1199 = vector.shape_cast %get3A_1198 : vector<1x128x128xf32> to vector<128x128xf32>
      %mul3A_1200 = vector.broadcast %get3A_1194 : f32 to vector<128x128xf32>
      %mul3A_1201 = arith.mulf %mul3A_1200, %get3A_1199 : vector<128x128xf32>
      %add3A_1202 = arith.addf %add3A_1191, %mul3A_1201 : vector<128x128xf32>
      %get3A_1203 = arith.constant 4 : index
      %get3A_1204 = arith.constant 13 : index
      %get3A_1205 = memref.load %arg1[%get3A_1203, %get3A_1204] : memref<8x18xf32, #tpu.memory_space<smem>>
      %get3A_1206 = arith.constant 13 : index
      %get3A_1207 = arith.constant 0 : index
      %get3A_1208 = arith.constant 0 : index
      %get3A_1209 = vector.load %arg6[%get3A_1206, %get3A_1207, %get3A_1208] : memref<18x128x128xf32, #tpu.memory_space<vmem>>, vector<1x128x128xf32>
      %get3A_1210 = vector.shape_cast %get3A_1209 : vector<1x128x128xf32> to vector<128x128xf32>
      %mul3A_1211 = vector.broadcast %get3A_1205 : f32 to vector<128x128xf32>
      %mul3A_1212 = arith.mulf %mul3A_1211, %get3A_1210 : vector<128x128xf32>
      %add3A_1213 = arith.addf %add3A_1202, %mul3A_1212 : vector<128x128xf32>
      %get3A_1214 = arith.constant 4 : index
      %get3A_1215 = arith.constant 14 : index
      %get3A_1216 = memref.load %arg1[%get3A_1214, %get3A_1215] : memref<8x18xf32, #tpu.memory_space<smem>>
      %get3A_1217 = arith.constant 14 : index
      %get3A_1218 = arith.constant 0 : index
      %get3A_1219 = arith.constant 0 : index
      %get3A_1220 = vector.load %arg6[%get3A_1217, %get3A_1218, %get3A_1219] : memref<18x128x128xf32, #tpu.memory_space<vmem>>, vector<1x128x128xf32>
      %get3A_1221 = vector.shape_cast %get3A_1220 : vector<1x128x128xf32> to vector<128x128xf32>
      %mul3A_1222 = vector.broadcast %get3A_1216 : f32 to vector<128x128xf32>
      %mul3A_1223 = arith.mulf %mul3A_1222, %get3A_1221 : vector<128x128xf32>
      %add3A_1224 = arith.addf %add3A_1213, %mul3A_1223 : vector<128x128xf32>
      %get3A_1225 = arith.constant 4 : index
      %get3A_1226 = arith.constant 15 : index
      %get3A_1227 = memref.load %arg1[%get3A_1225, %get3A_1226] : memref<8x18xf32, #tpu.memory_space<smem>>
      %get3A_1228 = arith.constant 15 : index
      %get3A_1229 = arith.constant 0 : index
      %get3A_1230 = arith.constant 0 : index
      %get3A_1231 = vector.load %arg6[%get3A_1228, %get3A_1229, %get3A_1230] : memref<18x128x128xf32, #tpu.memory_space<vmem>>, vector<1x128x128xf32>
      %get3A_1232 = vector.shape_cast %get3A_1231 : vector<1x128x128xf32> to vector<128x128xf32>
      %mul3A_1233 = vector.broadcast %get3A_1227 : f32 to vector<128x128xf32>
      %mul3A_1234 = arith.mulf %mul3A_1233, %get3A_1232 : vector<128x128xf32>
      %add3A_1235 = arith.addf %add3A_1224, %mul3A_1234 : vector<128x128xf32>
      %get3A_1236 = arith.constant 4 : index
      %get3A_1237 = arith.constant 16 : index
      %get3A_1238 = memref.load %arg1[%get3A_1236, %get3A_1237] : memref<8x18xf32, #tpu.memory_space<smem>>
      %get3A_1239 = arith.constant 16 : index
      %get3A_1240 = arith.constant 0 : index
      %get3A_1241 = arith.constant 0 : index
      %get3A_1242 = vector.load %arg6[%get3A_1239, %get3A_1240, %get3A_1241] : memref<18x128x128xf32, #tpu.memory_space<vmem>>, vector<1x128x128xf32>
      %get3A_1243 = vector.shape_cast %get3A_1242 : vector<1x128x128xf32> to vector<128x128xf32>
      %mul3A_1244 = vector.broadcast %get3A_1238 : f32 to vector<128x128xf32>
      %mul3A_1245 = arith.mulf %mul3A_1244, %get3A_1243 : vector<128x128xf32>
      %add3A_1246 = arith.addf %add3A_1235, %mul3A_1245 : vector<128x128xf32>
      %get3A_1247 = arith.constant 4 : index
      %get3A_1248 = arith.constant 17 : index
      %get3A_1249 = memref.load %arg1[%get3A_1247, %get3A_1248] : memref<8x18xf32, #tpu.memory_space<smem>>
      %get3A_1250 = arith.constant 17 : index
      %get3A_1251 = arith.constant 0 : index
      %get3A_1252 = arith.constant 0 : index
      %get3A_1253 = vector.load %arg6[%get3A_1250, %get3A_1251, %get3A_1252] : memref<18x128x128xf32, #tpu.memory_space<vmem>>, vector<1x128x128xf32>
      %get3A_1254 = vector.shape_cast %get3A_1253 : vector<1x128x128xf32> to vector<128x128xf32>
      %mul3A_1255 = vector.broadcast %get3A_1249 : f32 to vector<128x128xf32>
      %mul3A_1256 = arith.mulf %mul3A_1255, %get3A_1254 : vector<128x128xf32>
      %add3A_1257 = arith.addf %add3A_1246, %mul3A_1256 : vector<128x128xf32>
      %swap3A_1258 = arith.constant 4 : index
      %swap3A_1259 = arith.constant 0 : index
      %swap3A_1260 = arith.constant 0 : index
      %swap3A_1261 = vector.load %arg9[%swap3A_1258, %swap3A_1259, %swap3A_1260] : memref<8x128x128xf32, #tpu.memory_space<vmem>>, vector<1x128x128xf32>
      %swap3A_1262 = vector.shape_cast %swap3A_1261 : vector<1x128x128xf32> to vector<128x128xf32>
      %swap3A_1263 = vector.shape_cast %add3A_1257 : vector<128x128xf32> to vector<1x128x128xf32>
      tpu.vector_store %arg9[%swap3A_1258, %swap3A_1259, %swap3A_1260], %swap3A_1263 {strides = array<i32>} : memref<8x128x128xf32, #tpu.memory_space<vmem>>, vector<1x128x128xf32>,
      %broadcast_in_dim3A_1264 = arith.constant 0.000000e+00 : f32
      %broadcast_in_dim3A_1265 = vector.broadcast %broadcast_in_dim3A_1264 : f32 to vector<128x128xf32>
      %get3A_1266 = arith.constant 5 : index
      %get3A_1267 = arith.constant 0 : index
      %get3A_1268 = memref.load %arg1[%get3A_1266, %get3A_1267] : memref<8x18xf32, #tpu.memory_space<smem>>
      %get3A_1269 = arith.constant 0 : index
      %get3A_1270 = arith.constant 0 : index
      %get3A_1271 = arith.constant 0 : index
      %get3A_1272 = vector.load %arg6[%get3A_1269, %get3A_1270, %get3A_1271] : memref<18x128x128xf32, #tpu.memory_space<vmem>>, vector<1x128x128xf32>
      %get3A_1273 = vector.shape_cast %get3A_1272 : vector<1x128x128xf32> to vector<128x128xf32>
      %mul3A_1274 = vector.broadcast %get3A_1268 : f32 to vector<128x128xf32>
      %mul3A_1275 = arith.mulf %mul3A_1274, %get3A_1273 : vector<128x128xf32>
      %add3A_1276 = arith.addf %broadcast_in_dim3A_1265, %mul3A_1275 : vector<128x128xf32>
      %get3A_1277 = arith.constant 5 : index
      %get3A_1278 = arith.constant 1 : index
      %get3A_1279 = memref.load %arg1[%get3A_1277, %get3A_1278] : memref<8x18xf32, #tpu.memory_space<smem>>
      %get3A_1280 = arith.constant 1 : index
      %get3A_1281 = arith.constant 0 : index
      %get3A_1282 = arith.constant 0 : index
      %get3A_1283 = vector.load %arg6[%get3A_1280, %get3A_1281, %get3A_1282] : memref<18x128x128xf32, #tpu.memory_space<vmem>>, vector<1x128x128xf32>
      %get3A_1284 = vector.shape_cast %get3A_1283 : vector<1x128x128xf32> to vector<128x128xf32>
      %mul3A_1285 = vector.broadcast %get3A_1279 : f32 to vector<128x128xf32>
      %mul3A_1286 = arith.mulf %mul3A_1285, %get3A_1284 : vector<128x128xf32>
      %add3A_1287 = arith.addf %add3A_1276, %mul3A_1286 : vector<128x128xf32>
      %get3A_1288 = arith.constant 5 : index
      %get3A_1289 = arith.constant 2 : index
      %get3A_1290 = memref.load %arg1[%get3A_1288, %get3A_1289] : memref<8x18xf32, #tpu.memory_space<smem>>
      %get3A_1291 = arith.constant 2 : index
      %get3A_1292 = arith.constant 0 : index
      %get3A_1293 = arith.constant 0 : index
      %get3A_1294 = vector.load %arg6[%get3A_1291, %get3A_1292, %get3A_1293] : memref<18x128x128xf32, #tpu.memory_space<vmem>>, vector<1x128x128xf32>
      %get3A_1295 = vector.shape_cast %get3A_1294 : vector<1x128x128xf32> to vector<128x128xf32>
      %mul3A_1296 = vector.broadcast %get3A_1290 : f32 to vector<128x128xf32>
      %mul3A_1297 = arith.mulf %mul3A_1296, %get3A_1295 : vector<128x128xf32>
      %add3A_1298 = arith.addf %add3A_1287, %mul3A_1297 : vector<128x128xf32>
      %get3A_1299 = arith.constant 5 : index
      %get3A_1300 = arith.constant 3 : index
      %get3A_1301 = memref.load %arg1[%get3A_1299, %get3A_1300] : memref<8x18xf32, #tpu.memory_space<smem>>
      %get3A_1302 = arith.constant 3 : index
      %get3A_1303 = arith.constant 0 : index
      %get3A_1304 = arith.constant 0 : index
      %get3A_1305 = vector.load %arg6[%get3A_1302, %get3A_1303, %get3A_1304] : memref<18x128x128xf32, #tpu.memory_space<vmem>>, vector<1x128x128xf32>
      %get3A_1306 = vector.shape_cast %get3A_1305 : vector<1x128x128xf32> to vector<128x128xf32>
      %mul3A_1307 = vector.broadcast %get3A_1301 : f32 to vector<128x128xf32>
      %mul3A_1308 = arith.mulf %mul3A_1307, %get3A_1306 : vector<128x128xf32>
      %add3A_1309 = arith.addf %add3A_1298, %mul3A_1308 : vector<128x128xf32>
      %get3A_1310 = arith.constant 5 : index
      %get3A_1311 = arith.constant 4 : index
      %get3A_1312 = memref.load %arg1[%get3A_1310, %get3A_1311] : memref<8x18xf32, #tpu.memory_space<smem>>
      %get3A_1313 = arith.constant 4 : index
      %get3A_1314 = arith.constant 0 : index
      %get3A_1315 = arith.constant 0 : index
      %get3A_1316 = vector.load %arg6[%get3A_1313, %get3A_1314, %get3A_1315] : memref<18x128x128xf32, #tpu.memory_space<vmem>>, vector<1x128x128xf32>
      %get3A_1317 = vector.shape_cast %get3A_1316 : vector<1x128x128xf32> to vector<128x128xf32>
      %mul3A_1318 = vector.broadcast %get3A_1312 : f32 to vector<128x128xf32>
      %mul3A_1319 = arith.mulf %mul3A_1318, %get3A_1317 : vector<128x128xf32>
      %add3A_1320 = arith.addf %add3A_1309, %mul3A_1319 : vector<128x128xf32>
      %get3A_1321 = arith.constant 5 : index
      %get3A_1322 = arith.constant 5 : index
      %get3A_1323 = memref.load %arg1[%get3A_1321, %get3A_1322] : memref<8x18xf32, #tpu.memory_space<smem>>
      %get3A_1324 = arith.constant 5 : index
      %get3A_1325 = arith.constant 0 : index
      %get3A_1326 = arith.constant 0 : index
      %get3A_1327 = vector.load %arg6[%get3A_1324, %get3A_1325, %get3A_1326] : memref<18x128x128xf32, #tpu.memory_space<vmem>>, vector<1x128x128xf32>
      %get3A_1328 = vector.shape_cast %get3A_1327 : vector<1x128x128xf32> to vector<128x128xf32>
      %mul3A_1329 = vector.broadcast %get3A_1323 : f32 to vector<128x128xf32>
      %mul3A_1330 = arith.mulf %mul3A_1329, %get3A_1328 : vector<128x128xf32>
      %add3A_1331 = arith.addf %add3A_1320, %mul3A_1330 : vector<128x128xf32>
      %get3A_1332 = arith.constant 5 : index
      %get3A_1333 = arith.constant 6 : index
      %get3A_1334 = memref.load %arg1[%get3A_1332, %get3A_1333] : memref<8x18xf32, #tpu.memory_space<smem>>
      %get3A_1335 = arith.constant 6 : index
      %get3A_1336 = arith.constant 0 : index
      %get3A_1337 = arith.constant 0 : index
      %get3A_1338 = vector.load %arg6[%get3A_1335, %get3A_1336, %get3A_1337] : memref<18x128x128xf32, #tpu.memory_space<vmem>>, vector<1x128x128xf32>
      %get3A_1339 = vector.shape_cast %get3A_1338 : vector<1x128x128xf32> to vector<128x128xf32>
      %mul3A_1340 = vector.broadcast %get3A_1334 : f32 to vector<128x128xf32>
      %mul3A_1341 = arith.mulf %mul3A_1340, %get3A_1339 : vector<128x128xf32>
      %add3A_1342 = arith.addf %add3A_1331, %mul3A_1341 : vector<128x128xf32>
      %get3A_1343 = arith.constant 5 : index
      %get3A_1344 = arith.constant 7 : index
      %get3A_1345 = memref.load %arg1[%get3A_1343, %get3A_1344] : memref<8x18xf32, #tpu.memory_space<smem>>
      %get3A_1346 = arith.constant 7 : index
      %get3A_1347 = arith.constant 0 : index
      %get3A_1348 = arith.constant 0 : index
      %get3A_1349 = vector.load %arg6[%get3A_1346, %get3A_1347, %get3A_1348] : memref<18x128x128xf32, #tpu.memory_space<vmem>>, vector<1x128x128xf32>
      %get3A_1350 = vector.shape_cast %get3A_1349 : vector<1x128x128xf32> to vector<128x128xf32>
      %mul3A_1351 = vector.broadcast %get3A_1345 : f32 to vector<128x128xf32>
      %mul3A_1352 = arith.mulf %mul3A_1351, %get3A_1350 : vector<128x128xf32>
      %add3A_1353 = arith.addf %add3A_1342, %mul3A_1352 : vector<128x128xf32>
      %get3A_1354 = arith.constant 5 : index
      %get3A_1355 = arith.constant 8 : index
      %get3A_1356 = memref.load %arg1[%get3A_1354, %get3A_1355] : memref<8x18xf32, #tpu.memory_space<smem>>
      %get3A_1357 = arith.constant 8 : index
      %get3A_1358 = arith.constant 0 : index
      %get3A_1359 = arith.constant 0 : index
      %get3A_1360 = vector.load %arg6[%get3A_1357, %get3A_1358, %get3A_1359] : memref<18x128x128xf32, #tpu.memory_space<vmem>>, vector<1x128x128xf32>
      %get3A_1361 = vector.shape_cast %get3A_1360 : vector<1x128x128xf32> to vector<128x128xf32>
      %mul3A_1362 = vector.broadcast %get3A_1356 : f32 to vector<128x128xf32>
      %mul3A_1363 = arith.mulf %mul3A_1362, %get3A_1361 : vector<128x128xf32>
      %add3A_1364 = arith.addf %add3A_1353, %mul3A_1363 : vector<128x128xf32>
      %get3A_1365 = arith.constant 5 : index
      %get3A_1366 = arith.constant 9 : index
      %get3A_1367 = memref.load %arg1[%get3A_1365, %get3A_1366] : memref<8x18xf32, #tpu.memory_space<smem>>
      %get3A_1368 = arith.constant 9 : index
      %get3A_1369 = arith.constant 0 : index
      %get3A_1370 = arith.constant 0 : index
      %get3A_1371 = vector.load %arg6[%get3A_1368, %get3A_1369, %get3A_1370] : memref<18x128x128xf32, #tpu.memory_space<vmem>>, vector<1x128x128xf32>
      %get3A_1372 = vector.shape_cast %get3A_1371 : vector<1x128x128xf32> to vector<128x128xf32>
      %mul3A_1373 = vector.broadcast %get3A_1367 : f32 to vector<128x128xf32>
      %mul3A_1374 = arith.mulf %mul3A_1373, %get3A_1372 : vector<128x128xf32>
      %add3A_1375 = arith.addf %add3A_1364, %mul3A_1374 : vector<128x128xf32>
      %get3A_1376 = arith.constant 5 : index
      %get3A_1377 = arith.constant 10 : index
      %get3A_1378 = memref.load %arg1[%get3A_1376, %get3A_1377] : memref<8x18xf32, #tpu.memory_space<smem>>
      %get3A_1379 = arith.constant 10 : index
      %get3A_1380 = arith.constant 0 : index
      %get3A_1381 = arith.constant 0 : index
      %get3A_1382 = vector.load %arg6[%get3A_1379, %get3A_1380, %get3A_1381] : memref<18x128x128xf32, #tpu.memory_space<vmem>>, vector<1x128x128xf32>
      %get3A_1383 = vector.shape_cast %get3A_1382 : vector<1x128x128xf32> to vector<128x128xf32>
      %mul3A_1384 = vector.broadcast %get3A_1378 : f32 to vector<128x128xf32>
      %mul3A_1385 = arith.mulf %mul3A_1384, %get3A_1383 : vector<128x128xf32>
      %add3A_1386 = arith.addf %add3A_1375, %mul3A_1385 : vector<128x128xf32>
      %get3A_1387 = arith.constant 5 : index
      %get3A_1388 = arith.constant 11 : index
      %get3A_1389 = memref.load %arg1[%get3A_1387, %get3A_1388] : memref<8x18xf32, #tpu.memory_space<smem>>
      %get3A_1390 = arith.constant 11 : index
      %get3A_1391 = arith.constant 0 : index
      %get3A_1392 = arith.constant 0 : index
      %get3A_1393 = vector.load %arg6[%get3A_1390, %get3A_1391, %get3A_1392] : memref<18x128x128xf32, #tpu.memory_space<vmem>>, vector<1x128x128xf32>
      %get3A_1394 = vector.shape_cast %get3A_1393 : vector<1x128x128xf32> to vector<128x128xf32>
      %mul3A_1395 = vector.broadcast %get3A_1389 : f32 to vector<128x128xf32>
      %mul3A_1396 = arith.mulf %mul3A_1395, %get3A_1394 : vector<128x128xf32>
      %add3A_1397 = arith.addf %add3A_1386, %mul3A_1396 : vector<128x128xf32>
      %get3A_1398 = arith.constant 5 : index
      %get3A_1399 = arith.constant 12 : index
      %get3A_1400 = memref.load %arg1[%get3A_1398, %get3A_1399] : memref<8x18xf32, #tpu.memory_space<smem>>
      %get3A_1401 = arith.constant 12 : index
      %get3A_1402 = arith.constant 0 : index
      %get3A_1403 = arith.constant 0 : index
      %get3A_1404 = vector.load %arg6[%get3A_1401, %get3A_1402, %get3A_1403] : memref<18x128x128xf32, #tpu.memory_space<vmem>>, vector<1x128x128xf32>
      %get3A_1405 = vector.shape_cast %get3A_1404 : vector<1x128x128xf32> to vector<128x128xf32>
      %mul3A_1406 = vector.broadcast %get3A_1400 : f32 to vector<128x128xf32>
      %mul3A_1407 = arith.mulf %mul3A_1406, %get3A_1405 : vector<128x128xf32>
      %add3A_1408 = arith.addf %add3A_1397, %mul3A_1407 : vector<128x128xf32>
      %get3A_1409 = arith.constant 5 : index
      %get3A_1410 = arith.constant 13 : index
      %get3A_1411 = memref.load %arg1[%get3A_1409, %get3A_1410] : memref<8x18xf32, #tpu.memory_space<smem>>
      %get3A_1412 = arith.constant 13 : index
      %get3A_1413 = arith.constant 0 : index
      %get3A_1414 = arith.constant 0 : index
      %get3A_1415 = vector.load %arg6[%get3A_1412, %get3A_1413, %get3A_1414] : memref<18x128x128xf32, #tpu.memory_space<vmem>>, vector<1x128x128xf32>
      %get3A_1416 = vector.shape_cast %get3A_1415 : vector<1x128x128xf32> to vector<128x128xf32>
      %mul3A_1417 = vector.broadcast %get3A_1411 : f32 to vector<128x128xf32>
      %mul3A_1418 = arith.mulf %mul3A_1417, %get3A_1416 : vector<128x128xf32>
      %add3A_1419 = arith.addf %add3A_1408, %mul3A_1418 : vector<128x128xf32>
      %get3A_1420 = arith.constant 5 : index
      %get3A_1421 = arith.constant 14 : index
      %get3A_1422 = memref.load %arg1[%get3A_1420, %get3A_1421] : memref<8x18xf32, #tpu.memory_space<smem>>
      %get3A_1423 = arith.constant 14 : index
      %get3A_1424 = arith.constant 0 : index
      %get3A_1425 = arith.constant 0 : index
      %get3A_1426 = vector.load %arg6[%get3A_1423, %get3A_1424, %get3A_1425] : memref<18x128x128xf32, #tpu.memory_space<vmem>>, vector<1x128x128xf32>
      %get3A_1427 = vector.shape_cast %get3A_1426 : vector<1x128x128xf32> to vector<128x128xf32>
      %mul3A_1428 = vector.broadcast %get3A_1422 : f32 to vector<128x128xf32>
      %mul3A_1429 = arith.mulf %mul3A_1428, %get3A_1427 : vector<128x128xf32>
      %add3A_1430 = arith.addf %add3A_1419, %mul3A_1429 : vector<128x128xf32>
      %get3A_1431 = arith.constant 5 : index
      %get3A_1432 = arith.constant 15 : index
      %get3A_1433 = memref.load %arg1[%get3A_1431, %get3A_1432] : memref<8x18xf32, #tpu.memory_space<smem>>
      %get3A_1434 = arith.constant 15 : index
      %get3A_1435 = arith.constant 0 : index
      %get3A_1436 = arith.constant 0 : index
      %get3A_1437 = vector.load %arg6[%get3A_1434, %get3A_1435, %get3A_1436] : memref<18x128x128xf32, #tpu.memory_space<vmem>>, vector<1x128x128xf32>
      %get3A_1438 = vector.shape_cast %get3A_1437 : vector<1x128x128xf32> to vector<128x128xf32>
      %mul3A_1439 = vector.broadcast %get3A_1433 : f32 to vector<128x128xf32>
      %mul3A_1440 = arith.mulf %mul3A_1439, %get3A_1438 : vector<128x128xf32>
      %add3A_1441 = arith.addf %add3A_1430, %mul3A_1440 : vector<128x128xf32>
      %get3A_1442 = arith.constant 5 : index
      %get3A_1443 = arith.constant 16 : index
      %get3A_1444 = memref.load %arg1[%get3A_1442, %get3A_1443] : memref<8x18xf32, #tpu.memory_space<smem>>
      %get3A_1445 = arith.constant 16 : index
      %get3A_1446 = arith.constant 0 : index
      %get3A_1447 = arith.constant 0 : index
      %get3A_1448 = vector.load %arg6[%get3A_1445, %get3A_1446, %get3A_1447] : memref<18x128x128xf32, #tpu.memory_space<vmem>>, vector<1x128x128xf32>
      %get3A_1449 = vector.shape_cast %get3A_1448 : vector<1x128x128xf32> to vector<128x128xf32>
      %mul3A_1450 = vector.broadcast %get3A_1444 : f32 to vector<128x128xf32>
      %mul3A_1451 = arith.mulf %mul3A_1450, %get3A_1449 : vector<128x128xf32>
      %add3A_1452 = arith.addf %add3A_1441, %mul3A_1451 : vector<128x128xf32>
      %get3A_1453 = arith.constant 5 : index
      %get3A_1454 = arith.constant 17 : index
      %get3A_1455 = memref.load %arg1[%get3A_1453, %get3A_1454] : memref<8x18xf32, #tpu.memory_space<smem>>
      %get3A_1456 = arith.constant 17 : index
      %get3A_1457 = arith.constant 0 : index
      %get3A_1458 = arith.constant 0 : index
      %get3A_1459 = vector.load %arg6[%get3A_1456, %get3A_1457, %get3A_1458] : memref<18x128x128xf32, #tpu.memory_space<vmem>>, vector<1x128x128xf32>
      %get3A_1460 = vector.shape_cast %get3A_1459 : vector<1x128x128xf32> to vector<128x128xf32>
      %mul3A_1461 = vector.broadcast %get3A_1455 : f32 to vector<128x128xf32>
      %mul3A_1462 = arith.mulf %mul3A_1461, %get3A_1460 : vector<128x128xf32>
      %add3A_1463 = arith.addf %add3A_1452, %mul3A_1462 : vector<128x128xf32>
      %swap3A_1464 = arith.constant 5 : index
      %swap3A_1465 = arith.constant 0 : index
      %swap3A_1466 = arith.constant 0 : index
      %swap3A_1467 = vector.load %arg9[%swap3A_1464, %swap3A_1465, %swap3A_1466] : memref<8x128x128xf32, #tpu.memory_space<vmem>>, vector<1x128x128xf32>
      %swap3A_1468 = vector.shape_cast %swap3A_1467 : vector<1x128x128xf32> to vector<128x128xf32>
      %swap3A_1469 = vector.shape_cast %add3A_1463 : vector<128x128xf32> to vector<1x128x128xf32>
      tpu.vector_store %arg9[%swap3A_1464, %swap3A_1465, %swap3A_1466], %swap3A_1469 {strides = array<i32>} : memref<8x128x128xf32, #tpu.memory_space<vmem>>, vector<1x128x128xf32>,
      %broadcast_in_dim3A_1470 = arith.constant 0.000000e+00 : f32
      %broadcast_in_dim3A_1471 = vector.broadcast %broadcast_in_dim3A_1470 : f32 to vector<128x128xf32>
      %get3A_1472 = arith.constant 6 : index
      %get3A_1473 = arith.constant 0 : index
      %get3A_1474 = memref.load %arg1[%get3A_1472, %get3A_1473] : memref<8x18xf32, #tpu.memory_space<smem>>
      %get3A_1475 = arith.constant 0 : index
      %get3A_1476 = arith.constant 0 : index
      %get3A_1477 = arith.constant 0 : index
      %get3A_1478 = vector.load %arg6[%get3A_1475, %get3A_1476, %get3A_1477] : memref<18x128x128xf32, #tpu.memory_space<vmem>>, vector<1x128x128xf32>
      %get3A_1479 = vector.shape_cast %get3A_1478 : vector<1x128x128xf32> to vector<128x128xf32>
      %mul3A_1480 = vector.broadcast %get3A_1474 : f32 to vector<128x128xf32>
      %mul3A_1481 = arith.mulf %mul3A_1480, %get3A_1479 : vector<128x128xf32>
      %add3A_1482 = arith.addf %broadcast_in_dim3A_1471, %mul3A_1481 : vector<128x128xf32>
      %get3A_1483 = arith.constant 6 : index
      %get3A_1484 = arith.constant 1 : index
      %get3A_1485 = memref.load %arg1[%get3A_1483, %get3A_1484] : memref<8x18xf32, #tpu.memory_space<smem>>
      %get3A_1486 = arith.constant 1 : index
      %get3A_1487 = arith.constant 0 : index
      %get3A_1488 = arith.constant 0 : index
      %get3A_1489 = vector.load %arg6[%get3A_1486, %get3A_1487, %get3A_1488] : memref<18x128x128xf32, #tpu.memory_space<vmem>>, vector<1x128x128xf32>
      %get3A_1490 = vector.shape_cast %get3A_1489 : vector<1x128x128xf32> to vector<128x128xf32>
      %mul3A_1491 = vector.broadcast %get3A_1485 : f32 to vector<128x128xf32>
      %mul3A_1492 = arith.mulf %mul3A_1491, %get3A_1490 : vector<128x128xf32>
      %add3A_1493 = arith.addf %add3A_1482, %mul3A_1492 : vector<128x128xf32>
      %get3A_1494 = arith.constant 6 : index
      %get3A_1495 = arith.constant 2 : index
      %get3A_1496 = memref.load %arg1[%get3A_1494, %get3A_1495] : memref<8x18xf32, #tpu.memory_space<smem>>
      %get3A_1497 = arith.constant 2 : index
      %get3A_1498 = arith.constant 0 : index
      %get3A_1499 = arith.constant 0 : index
      %get3A_1500 = vector.load %arg6[%get3A_1497, %get3A_1498, %get3A_1499] : memref<18x128x128xf32, #tpu.memory_space<vmem>>, vector<1x128x128xf32>
      %get3A_1501 = vector.shape_cast %get3A_1500 : vector<1x128x128xf32> to vector<128x128xf32>
      %mul3A_1502 = vector.broadcast %get3A_1496 : f32 to vector<128x128xf32>
      %mul3A_1503 = arith.mulf %mul3A_1502, %get3A_1501 : vector<128x128xf32>
      %add3A_1504 = arith.addf %add3A_1493, %mul3A_1503 : vector<128x128xf32>
      %get3A_1505 = arith.constant 6 : index
      %get3A_1506 = arith.constant 3 : index
      %get3A_1507 = memref.load %arg1[%get3A_1505, %get3A_1506] : memref<8x18xf32, #tpu.memory_space<smem>>
      %get3A_1508 = arith.constant 3 : index
      %get3A_1509 = arith.constant 0 : index
      %get3A_1510 = arith.constant 0 : index
      %get3A_1511 = vector.load %arg6[%get3A_1508, %get3A_1509, %get3A_1510] : memref<18x128x128xf32, #tpu.memory_space<vmem>>, vector<1x128x128xf32>
      %get3A_1512 = vector.shape_cast %get3A_1511 : vector<1x128x128xf32> to vector<128x128xf32>
      %mul3A_1513 = vector.broadcast %get3A_1507 : f32 to vector<128x128xf32>
      %mul3A_1514 = arith.mulf %mul3A_1513, %get3A_1512 : vector<128x128xf32>
      %add3A_1515 = arith.addf %add3A_1504, %mul3A_1514 : vector<128x128xf32>
      %get3A_1516 = arith.constant 6 : index
      %get3A_1517 = arith.constant 4 : index
      %get3A_1518 = memref.load %arg1[%get3A_1516, %get3A_1517] : memref<8x18xf32, #tpu.memory_space<smem>>
      %get3A_1519 = arith.constant 4 : index
      %get3A_1520 = arith.constant 0 : index
      %get3A_1521 = arith.constant 0 : index
      %get3A_1522 = vector.load %arg6[%get3A_1519, %get3A_1520, %get3A_1521] : memref<18x128x128xf32, #tpu.memory_space<vmem>>, vector<1x128x128xf32>
      %get3A_1523 = vector.shape_cast %get3A_1522 : vector<1x128x128xf32> to vector<128x128xf32>
      %mul3A_1524 = vector.broadcast %get3A_1518 : f32 to vector<128x128xf32>
      %mul3A_1525 = arith.mulf %mul3A_1524, %get3A_1523 : vector<128x128xf32>
      %add3A_1526 = arith.addf %add3A_1515, %mul3A_1525 : vector<128x128xf32>
      %get3A_1527 = arith.constant 6 : index
      %get3A_1528 = arith.constant 5 : index
      %get3A_1529 = memref.load %arg1[%get3A_1527, %get3A_1528] : memref<8x18xf32, #tpu.memory_space<smem>>
      %get3A_1530 = arith.constant 5 : index
      %get3A_1531 = arith.constant 0 : index
      %get3A_1532 = arith.constant 0 : index
      %get3A_1533 = vector.load %arg6[%get3A_1530, %get3A_1531, %get3A_1532] : memref<18x128x128xf32, #tpu.memory_space<vmem>>, vector<1x128x128xf32>
      %get3A_1534 = vector.shape_cast %get3A_1533 : vector<1x128x128xf32> to vector<128x128xf32>
      %mul3A_1535 = vector.broadcast %get3A_1529 : f32 to vector<128x128xf32>
      %mul3A_1536 = arith.mulf %mul3A_1535, %get3A_1534 : vector<128x128xf32>
      %add3A_1537 = arith.addf %add3A_1526, %mul3A_1536 : vector<128x128xf32>
      %get3A_1538 = arith.constant 6 : index
      %get3A_1539 = arith.constant 6 : index
      %get3A_1540 = memref.load %arg1[%get3A_1538, %get3A_1539] : memref<8x18xf32, #tpu.memory_space<smem>>
      %get3A_1541 = arith.constant 6 : index
      %get3A_1542 = arith.constant 0 : index
      %get3A_1543 = arith.constant 0 : index
      %get3A_1544 = vector.load %arg6[%get3A_1541, %get3A_1542, %get3A_1543] : memref<18x128x128xf32, #tpu.memory_space<vmem>>, vector<1x128x128xf32>
      %get3A_1545 = vector.shape_cast %get3A_1544 : vector<1x128x128xf32> to vector<128x128xf32>
      %mul3A_1546 = vector.broadcast %get3A_1540 : f32 to vector<128x128xf32>
      %mul3A_1547 = arith.mulf %mul3A_1546, %get3A_1545 : vector<128x128xf32>
      %add3A_1548 = arith.addf %add3A_1537, %mul3A_1547 : vector<128x128xf32>
      %get3A_1549 = arith.constant 6 : index
      %get3A_1550 = arith.constant 7 : index
      %get3A_1551 = memref.load %arg1[%get3A_1549, %get3A_1550] : memref<8x18xf32, #tpu.memory_space<smem>>
      %get3A_1552 = arith.constant 7 : index
      %get3A_1553 = arith.constant 0 : index
      %get3A_1554 = arith.constant 0 : index
      %get3A_1555 = vector.load %arg6[%get3A_1552, %get3A_1553, %get3A_1554] : memref<18x128x128xf32, #tpu.memory_space<vmem>>, vector<1x128x128xf32>
      %get3A_1556 = vector.shape_cast %get3A_1555 : vector<1x128x128xf32> to vector<128x128xf32>
      %mul3A_1557 = vector.broadcast %get3A_1551 : f32 to vector<128x128xf32>
      %mul3A_1558 = arith.mulf %mul3A_1557, %get3A_1556 : vector<128x128xf32>
      %add3A_1559 = arith.addf %add3A_1548, %mul3A_1558 : vector<128x128xf32>
      %get3A_1560 = arith.constant 6 : index
      %get3A_1561 = arith.constant 8 : index
      %get3A_1562 = memref.load %arg1[%get3A_1560, %get3A_1561] : memref<8x18xf32, #tpu.memory_space<smem>>
      %get3A_1563 = arith.constant 8 : index
      %get3A_1564 = arith.constant 0 : index
      %get3A_1565 = arith.constant 0 : index
      %get3A_1566 = vector.load %arg6[%get3A_1563, %get3A_1564, %get3A_1565] : memref<18x128x128xf32, #tpu.memory_space<vmem>>, vector<1x128x128xf32>
      %get3A_1567 = vector.shape_cast %get3A_1566 : vector<1x128x128xf32> to vector<128x128xf32>
      %mul3A_1568 = vector.broadcast %get3A_1562 : f32 to vector<128x128xf32>
      %mul3A_1569 = arith.mulf %mul3A_1568, %get3A_1567 : vector<128x128xf32>
      %add3A_1570 = arith.addf %add3A_1559, %mul3A_1569 : vector<128x128xf32>
      %get3A_1571 = arith.constant 6 : index
      %get3A_1572 = arith.constant 9 : index
      %get3A_1573 = memref.load %arg1[%get3A_1571, %get3A_1572] : memref<8x18xf32, #tpu.memory_space<smem>>
      %get3A_1574 = arith.constant 9 : index
      %get3A_1575 = arith.constant 0 : index
      %get3A_1576 = arith.constant 0 : index
      %get3A_1577 = vector.load %arg6[%get3A_1574, %get3A_1575, %get3A_1576] : memref<18x128x128xf32, #tpu.memory_space<vmem>>, vector<1x128x128xf32>
      %get3A_1578 = vector.shape_cast %get3A_1577 : vector<1x128x128xf32> to vector<128x128xf32>
      %mul3A_1579 = vector.broadcast %get3A_1573 : f32 to vector<128x128xf32>
      %mul3A_1580 = arith.mulf %mul3A_1579, %get3A_1578 : vector<128x128xf32>
      %add3A_1581 = arith.addf %add3A_1570, %mul3A_1580 : vector<128x128xf32>
      %get3A_1582 = arith.constant 6 : index
      %get3A_1583 = arith.constant 10 : index
      %get3A_1584 = memref.load %arg1[%get3A_1582, %get3A_1583] : memref<8x18xf32, #tpu.memory_space<smem>>
      %get3A_1585 = arith.constant 10 : index
      %get3A_1586 = arith.constant 0 : index
      %get3A_1587 = arith.constant 0 : index
      %get3A_1588 = vector.load %arg6[%get3A_1585, %get3A_1586, %get3A_1587] : memref<18x128x128xf32, #tpu.memory_space<vmem>>, vector<1x128x128xf32>
      %get3A_1589 = vector.shape_cast %get3A_1588 : vector<1x128x128xf32> to vector<128x128xf32>
      %mul3A_1590 = vector.broadcast %get3A_1584 : f32 to vector<128x128xf32>
      %mul3A_1591 = arith.mulf %mul3A_1590, %get3A_1589 : vector<128x128xf32>
      %add3A_1592 = arith.addf %add3A_1581, %mul3A_1591 : vector<128x128xf32>
      %get3A_1593 = arith.constant 6 : index
      %get3A_1594 = arith.constant 11 : index
      %get3A_1595 = memref.load %arg1[%get3A_1593, %get3A_1594] : memref<8x18xf32, #tpu.memory_space<smem>>
      %get3A_1596 = arith.constant 11 : index
      %get3A_1597 = arith.constant 0 : index
      %get3A_1598 = arith.constant 0 : index
      %get3A_1599 = vector.load %arg6[%get3A_1596, %get3A_1597, %get3A_1598] : memref<18x128x128xf32, #tpu.memory_space<vmem>>, vector<1x128x128xf32>
      %get3A_1600 = vector.shape_cast %get3A_1599 : vector<1x128x128xf32> to vector<128x128xf32>
      %mul3A_1601 = vector.broadcast %get3A_1595 : f32 to vector<128x128xf32>
      %mul3A_1602 = arith.mulf %mul3A_1601, %get3A_1600 : vector<128x128xf32>
      %add3A_1603 = arith.addf %add3A_1592, %mul3A_1602 : vector<128x128xf32>
      %get3A_1604 = arith.constant 6 : index
      %get3A_1605 = arith.constant 12 : index
      %get3A_1606 = memref.load %arg1[%get3A_1604, %get3A_1605] : memref<8x18xf32, #tpu.memory_space<smem>>
      %get3A_1607 = arith.constant 12 : index
      %get3A_1608 = arith.constant 0 : index
      %get3A_1609 = arith.constant 0 : index
      %get3A_1610 = vector.load %arg6[%get3A_1607, %get3A_1608, %get3A_1609] : memref<18x128x128xf32, #tpu.memory_space<vmem>>, vector<1x128x128xf32>
      %get3A_1611 = vector.shape_cast %get3A_1610 : vector<1x128x128xf32> to vector<128x128xf32>
      %mul3A_1612 = vector.broadcast %get3A_1606 : f32 to vector<128x128xf32>
      %mul3A_1613 = arith.mulf %mul3A_1612, %get3A_1611 : vector<128x128xf32>
      %add3A_1614 = arith.addf %add3A_1603, %mul3A_1613 : vector<128x128xf32>
      %get3A_1615 = arith.constant 6 : index
      %get3A_1616 = arith.constant 13 : index
      %get3A_1617 = memref.load %arg1[%get3A_1615, %get3A_1616] : memref<8x18xf32, #tpu.memory_space<smem>>
      %get3A_1618 = arith.constant 13 : index
      %get3A_1619 = arith.constant 0 : index
      %get3A_1620 = arith.constant 0 : index
      %get3A_1621 = vector.load %arg6[%get3A_1618, %get3A_1619, %get3A_1620] : memref<18x128x128xf32, #tpu.memory_space<vmem>>, vector<1x128x128xf32>
      %get3A_1622 = vector.shape_cast %get3A_1621 : vector<1x128x128xf32> to vector<128x128xf32>
      %mul3A_1623 = vector.broadcast %get3A_1617 : f32 to vector<128x128xf32>
      %mul3A_1624 = arith.mulf %mul3A_1623, %get3A_1622 : vector<128x128xf32>
      %add3A_1625 = arith.addf %add3A_1614, %mul3A_1624 : vector<128x128xf32>
      %get3A_1626 = arith.constant 6 : index
      %get3A_1627 = arith.constant 14 : index
      %get3A_1628 = memref.load %arg1[%get3A_1626, %get3A_1627] : memref<8x18xf32, #tpu.memory_space<smem>>
      %get3A_1629 = arith.constant 14 : index
      %get3A_1630 = arith.constant 0 : index
      %get3A_1631 = arith.constant 0 : index
      %get3A_1632 = vector.load %arg6[%get3A_1629, %get3A_1630, %get3A_1631] : memref<18x128x128xf32, #tpu.memory_space<vmem>>, vector<1x128x128xf32>
      %get3A_1633 = vector.shape_cast %get3A_1632 : vector<1x128x128xf32> to vector<128x128xf32>
      %mul3A_1634 = vector.broadcast %get3A_1628 : f32 to vector<128x128xf32>
      %mul3A_1635 = arith.mulf %mul3A_1634, %get3A_1633 : vector<128x128xf32>
      %add3A_1636 = arith.addf %add3A_1625, %mul3A_1635 : vector<128x128xf32>
      %get3A_1637 = arith.constant 6 : index
      %get3A_1638 = arith.constant 15 : index
      %get3A_1639 = memref.load %arg1[%get3A_1637, %get3A_1638] : memref<8x18xf32, #tpu.memory_space<smem>>
      %get3A_1640 = arith.constant 15 : index
      %get3A_1641 = arith.constant 0 : index
      %get3A_1642 = arith.constant 0 : index
      %get3A_1643 = vector.load %arg6[%get3A_1640, %get3A_1641, %get3A_1642] : memref<18x128x128xf32, #tpu.memory_space<vmem>>, vector<1x128x128xf32>
      %get3A_1644 = vector.shape_cast %get3A_1643 : vector<1x128x128xf32> to vector<128x128xf32>
      %mul3A_1645 = vector.broadcast %get3A_1639 : f32 to vector<128x128xf32>
      %mul3A_1646 = arith.mulf %mul3A_1645, %get3A_1644 : vector<128x128xf32>
      %add3A_1647 = arith.addf %add3A_1636, %mul3A_1646 : vector<128x128xf32>
      %get3A_1648 = arith.constant 6 : index
      %get3A_1649 = arith.constant 16 : index
      %get3A_1650 = memref.load %arg1[%get3A_1648, %get3A_1649] : memref<8x18xf32, #tpu.memory_space<smem>>
      %get3A_1651 = arith.constant 16 : index
      %get3A_1652 = arith.constant 0 : index
      %get3A_1653 = arith.constant 0 : index
      %get3A_1654 = vector.load %arg6[%get3A_1651, %get3A_1652, %get3A_1653] : memref<18x128x128xf32, #tpu.memory_space<vmem>>, vector<1x128x128xf32>
      %get3A_1655 = vector.shape_cast %get3A_1654 : vector<1x128x128xf32> to vector<128x128xf32>
      %mul3A_1656 = vector.broadcast %get3A_1650 : f32 to vector<128x128xf32>
      %mul3A_1657 = arith.mulf %mul3A_1656, %get3A_1655 : vector<128x128xf32>
      %add3A_1658 = arith.addf %add3A_1647, %mul3A_1657 : vector<128x128xf32>
      %get3A_1659 = arith.constant 6 : index
      %get3A_1660 = arith.constant 17 : index
      %get3A_1661 = memref.load %arg1[%get3A_1659, %get3A_1660] : memref<8x18xf32, #tpu.memory_space<smem>>
      %get3A_1662 = arith.constant 17 : index
      %get3A_1663 = arith.constant 0 : index
      %get3A_1664 = arith.constant 0 : index
      %get3A_1665 = vector.load %arg6[%get3A_1662, %get3A_1663, %get3A_1664] : memref<18x128x128xf32, #tpu.memory_space<vmem>>, vector<1x128x128xf32>
      %get3A_1666 = vector.shape_cast %get3A_1665 : vector<1x128x128xf32> to vector<128x128xf32>
      %mul3A_1667 = vector.broadcast %get3A_1661 : f32 to vector<128x128xf32>
      %mul3A_1668 = arith.mulf %mul3A_1667, %get3A_1666 : vector<128x128xf32>
      %add3A_1669 = arith.addf %add3A_1658, %mul3A_1668 : vector<128x128xf32>
      %swap3A_1670 = arith.constant 6 : index
      %swap3A_1671 = arith.constant 0 : index
      %swap3A_1672 = arith.constant 0 : index
      %swap3A_1673 = vector.load %arg9[%swap3A_1670, %swap3A_1671, %swap3A_1672] : memref<8x128x128xf32, #tpu.memory_space<vmem>>, vector<1x128x128xf32>
      %swap3A_1674 = vector.shape_cast %swap3A_1673 : vector<1x128x128xf32> to vector<128x128xf32>
      %swap3A_1675 = vector.shape_cast %add3A_1669 : vector<128x128xf32> to vector<1x128x128xf32>
      tpu.vector_store %arg9[%swap3A_1670, %swap3A_1671, %swap3A_1672], %swap3A_1675 {strides = array<i32>} : memref<8x128x128xf32, #tpu.memory_space<vmem>>, vector<1x128x128xf32>,
      %broadcast_in_dim3A_1676 = arith.constant 0.000000e+00 : f32
      %broadcast_in_dim3A_1677 = vector.broadcast %broadcast_in_dim3A_1676 : f32 to vector<128x128xf32>
      %get3A_1678 = arith.constant 7 : index
      %get3A_1679 = arith.constant 0 : index
      %get3A_1680 = memref.load %arg1[%get3A_1678, %get3A_1679] : memref<8x18xf32, #tpu.memory_space<smem>>
      %get3A_1681 = arith.constant 0 : index
      %get3A_1682 = arith.constant 0 : index
      %get3A_1683 = arith.constant 0 : index
      %get3A_1684 = vector.load %arg6[%get3A_1681, %get3A_1682, %get3A_1683] : memref<18x128x128xf32, #tpu.memory_space<vmem>>, vector<1x128x128xf32>
      %get3A_1685 = vector.shape_cast %get3A_1684 : vector<1x128x128xf32> to vector<128x128xf32>
      %mul3A_1686 = vector.broadcast %get3A_1680 : f32 to vector<128x128xf32>
      %mul3A_1687 = arith.mulf %mul3A_1686, %get3A_1685 : vector<128x128xf32>
      %add3A_1688 = arith.addf %broadcast_in_dim3A_1677, %mul3A_1687 : vector<128x128xf32>
      %get3A_1689 = arith.constant 7 : index
      %get3A_1690 = arith.constant 1 : index
      %get3A_1691 = memref.load %arg1[%get3A_1689, %get3A_1690] : memref<8x18xf32, #tpu.memory_space<smem>>
      %get3A_1692 = arith.constant 1 : index
      %get3A_1693 = arith.constant 0 : index
      %get3A_1694 = arith.constant 0 : index
      %get3A_1695 = vector.load %arg6[%get3A_1692, %get3A_1693, %get3A_1694] : memref<18x128x128xf32, #tpu.memory_space<vmem>>, vector<1x128x128xf32>
      %get3A_1696 = vector.shape_cast %get3A_1695 : vector<1x128x128xf32> to vector<128x128xf32>
      %mul3A_1697 = vector.broadcast %get3A_1691 : f32 to vector<128x128xf32>
      %mul3A_1698 = arith.mulf %mul3A_1697, %get3A_1696 : vector<128x128xf32>
      %add3A_1699 = arith.addf %add3A_1688, %mul3A_1698 : vector<128x128xf32>
      %get3A_1700 = arith.constant 7 : index
      %get3A_1701 = arith.constant 2 : index
      %get3A_1702 = memref.load %arg1[%get3A_1700, %get3A_1701] : memref<8x18xf32, #tpu.memory_space<smem>>
      %get3A_1703 = arith.constant 2 : index
      %get3A_1704 = arith.constant 0 : index
      %get3A_1705 = arith.constant 0 : index
      %get3A_1706 = vector.load %arg6[%get3A_1703, %get3A_1704, %get3A_1705] : memref<18x128x128xf32, #tpu.memory_space<vmem>>, vector<1x128x128xf32>
      %get3A_1707 = vector.shape_cast %get3A_1706 : vector<1x128x128xf32> to vector<128x128xf32>
      %mul3A_1708 = vector.broadcast %get3A_1702 : f32 to vector<128x128xf32>
      %mul3A_1709 = arith.mulf %mul3A_1708, %get3A_1707 : vector<128x128xf32>
      %add3A_1710 = arith.addf %add3A_1699, %mul3A_1709 : vector<128x128xf32>
      %get3A_1711 = arith.constant 7 : index
      %get3A_1712 = arith.constant 3 : index
      %get3A_1713 = memref.load %arg1[%get3A_1711, %get3A_1712] : memref<8x18xf32, #tpu.memory_space<smem>>
      %get3A_1714 = arith.constant 3 : index
      %get3A_1715 = arith.constant 0 : index
      %get3A_1716 = arith.constant 0 : index
      %get3A_1717 = vector.load %arg6[%get3A_1714, %get3A_1715, %get3A_1716] : memref<18x128x128xf32, #tpu.memory_space<vmem>>, vector<1x128x128xf32>
      %get3A_1718 = vector.shape_cast %get3A_1717 : vector<1x128x128xf32> to vector<128x128xf32>
      %mul3A_1719 = vector.broadcast %get3A_1713 : f32 to vector<128x128xf32>
      %mul3A_1720 = arith.mulf %mul3A_1719, %get3A_1718 : vector<128x128xf32>
      %add3A_1721 = arith.addf %add3A_1710, %mul3A_1720 : vector<128x128xf32>
      %get3A_1722 = arith.constant 7 : index
      %get3A_1723 = arith.constant 4 : index
      %get3A_1724 = memref.load %arg1[%get3A_1722, %get3A_1723] : memref<8x18xf32, #tpu.memory_space<smem>>
      %get3A_1725 = arith.constant 4 : index
      %get3A_1726 = arith.constant 0 : index
      %get3A_1727 = arith.constant 0 : index
      %get3A_1728 = vector.load %arg6[%get3A_1725, %get3A_1726, %get3A_1727] : memref<18x128x128xf32, #tpu.memory_space<vmem>>, vector<1x128x128xf32>
      %get3A_1729 = vector.shape_cast %get3A_1728 : vector<1x128x128xf32> to vector<128x128xf32>
      %mul3A_1730 = vector.broadcast %get3A_1724 : f32 to vector<128x128xf32>
      %mul3A_1731 = arith.mulf %mul3A_1730, %get3A_1729 : vector<128x128xf32>
      %add3A_1732 = arith.addf %add3A_1721, %mul3A_1731 : vector<128x128xf32>
      %get3A_1733 = arith.constant 7 : index
      %get3A_1734 = arith.constant 5 : index
      %get3A_1735 = memref.load %arg1[%get3A_1733, %get3A_1734] : memref<8x18xf32, #tpu.memory_space<smem>>
      %get3A_1736 = arith.constant 5 : index
      %get3A_1737 = arith.constant 0 : index
      %get3A_1738 = arith.constant 0 : index
      %get3A_1739 = vector.load %arg6[%get3A_1736, %get3A_1737, %get3A_1738] : memref<18x128x128xf32, #tpu.memory_space<vmem>>, vector<1x128x128xf32>
      %get3A_1740 = vector.shape_cast %get3A_1739 : vector<1x128x128xf32> to vector<128x128xf32>
      %mul3A_1741 = vector.broadcast %get3A_1735 : f32 to vector<128x128xf32>
      %mul3A_1742 = arith.mulf %mul3A_1741, %get3A_1740 : vector<128x128xf32>
      %add3A_1743 = arith.addf %add3A_1732, %mul3A_1742 : vector<128x128xf32>
      %get3A_1744 = arith.constant 7 : index
      %get3A_1745 = arith.constant 6 : index
      %get3A_1746 = memref.load %arg1[%get3A_1744, %get3A_1745] : memref<8x18xf32, #tpu.memory_space<smem>>
      %get3A_1747 = arith.constant 6 : index
      %get3A_1748 = arith.constant 0 : index
      %get3A_1749 = arith.constant 0 : index
      %get3A_1750 = vector.load %arg6[%get3A_1747, %get3A_1748, %get3A_1749] : memref<18x128x128xf32, #tpu.memory_space<vmem>>, vector<1x128x128xf32>
      %get3A_1751 = vector.shape_cast %get3A_1750 : vector<1x128x128xf32> to vector<128x128xf32>
      %mul3A_1752 = vector.broadcast %get3A_1746 : f32 to vector<128x128xf32>
      %mul3A_1753 = arith.mulf %mul3A_1752, %get3A_1751 : vector<128x128xf32>
      %add3A_1754 = arith.addf %add3A_1743, %mul3A_1753 : vector<128x128xf32>
      %get3A_1755 = arith.constant 7 : index
      %get3A_1756 = arith.constant 7 : index
      %get3A_1757 = memref.load %arg1[%get3A_1755, %get3A_1756] : memref<8x18xf32, #tpu.memory_space<smem>>
      %get3A_1758 = arith.constant 7 : index
      %get3A_1759 = arith.constant 0 : index
      %get3A_1760 = arith.constant 0 : index
      %get3A_1761 = vector.load %arg6[%get3A_1758, %get3A_1759, %get3A_1760] : memref<18x128x128xf32, #tpu.memory_space<vmem>>, vector<1x128x128xf32>
      %get3A_1762 = vector.shape_cast %get3A_1761 : vector<1x128x128xf32> to vector<128x128xf32>
      %mul3A_1763 = vector.broadcast %get3A_1757 : f32 to vector<128x128xf32>
      %mul3A_1764 = arith.mulf %mul3A_1763, %get3A_1762 : vector<128x128xf32>
      %add3A_1765 = arith.addf %add3A_1754, %mul3A_1764 : vector<128x128xf32>
      %get3A_1766 = arith.constant 7 : index
      %get3A_1767 = arith.constant 8 : index
      %get3A_1768 = memref.load %arg1[%get3A_1766, %get3A_1767] : memref<8x18xf32, #tpu.memory_space<smem>>
      %get3A_1769 = arith.constant 8 : index
      %get3A_1770 = arith.constant 0 : index
      %get3A_1771 = arith.constant 0 : index
      %get3A_1772 = vector.load %arg6[%get3A_1769, %get3A_1770, %get3A_1771] : memref<18x128x128xf32, #tpu.memory_space<vmem>>, vector<1x128x128xf32>
      %get3A_1773 = vector.shape_cast %get3A_1772 : vector<1x128x128xf32> to vector<128x128xf32>
      %mul3A_1774 = vector.broadcast %get3A_1768 : f32 to vector<128x128xf32>
      %mul3A_1775 = arith.mulf %mul3A_1774, %get3A_1773 : vector<128x128xf32>
      %add3A_1776 = arith.addf %add3A_1765, %mul3A_1775 : vector<128x128xf32>
      %get3A_1777 = arith.constant 7 : index
      %get3A_1778 = arith.constant 9 : index
      %get3A_1779 = memref.load %arg1[%get3A_1777, %get3A_1778] : memref<8x18xf32, #tpu.memory_space<smem>>
      %get3A_1780 = arith.constant 9 : index
      %get3A_1781 = arith.constant 0 : index
      %get3A_1782 = arith.constant 0 : index
      %get3A_1783 = vector.load %arg6[%get3A_1780, %get3A_1781, %get3A_1782] : memref<18x128x128xf32, #tpu.memory_space<vmem>>, vector<1x128x128xf32>
      %get3A_1784 = vector.shape_cast %get3A_1783 : vector<1x128x128xf32> to vector<128x128xf32>
      %mul3A_1785 = vector.broadcast %get3A_1779 : f32 to vector<128x128xf32>
      %mul3A_1786 = arith.mulf %mul3A_1785, %get3A_1784 : vector<128x128xf32>
      %add3A_1787 = arith.addf %add3A_1776, %mul3A_1786 : vector<128x128xf32>
      %get3A_1788 = arith.constant 7 : index
      %get3A_1789 = arith.constant 10 : index
      %get3A_1790 = memref.load %arg1[%get3A_1788, %get3A_1789] : memref<8x18xf32, #tpu.memory_space<smem>>
      %get3A_1791 = arith.constant 10 : index
      %get3A_1792 = arith.constant 0 : index
      %get3A_1793 = arith.constant 0 : index
      %get3A_1794 = vector.load %arg6[%get3A_1791, %get3A_1792, %get3A_1793] : memref<18x128x128xf32, #tpu.memory_space<vmem>>, vector<1x128x128xf32>
      %get3A_1795 = vector.shape_cast %get3A_1794 : vector<1x128x128xf32> to vector<128x128xf32>
      %mul3A_1796 = vector.broadcast %get3A_1790 : f32 to vector<128x128xf32>
      %mul3A_1797 = arith.mulf %mul3A_1796, %get3A_1795 : vector<128x128xf32>
      %add3A_1798 = arith.addf %add3A_1787, %mul3A_1797 : vector<128x128xf32>
      %get3A_1799 = arith.constant 7 : index
      %get3A_1800 = arith.constant 11 : index
      %get3A_1801 = memref.load %arg1[%get3A_1799, %get3A_1800] : memref<8x18xf32, #tpu.memory_space<smem>>
      %get3A_1802 = arith.constant 11 : index
      %get3A_1803 = arith.constant 0 : index
      %get3A_1804 = arith.constant 0 : index
      %get3A_1805 = vector.load %arg6[%get3A_1802, %get3A_1803, %get3A_1804] : memref<18x128x128xf32, #tpu.memory_space<vmem>>, vector<1x128x128xf32>
      %get3A_1806 = vector.shape_cast %get3A_1805 : vector<1x128x128xf32> to vector<128x128xf32>
      %mul3A_1807 = vector.broadcast %get3A_1801 : f32 to vector<128x128xf32>
      %mul3A_1808 = arith.mulf %mul3A_1807, %get3A_1806 : vector<128x128xf32>
      %add3A_1809 = arith.addf %add3A_1798, %mul3A_1808 : vector<128x128xf32>
      %get3A_1810 = arith.constant 7 : index
      %get3A_1811 = arith.constant 12 : index
      %get3A_1812 = memref.load %arg1[%get3A_1810, %get3A_1811] : memref<8x18xf32, #tpu.memory_space<smem>>
      %get3A_1813 = arith.constant 12 : index
      %get3A_1814 = arith.constant 0 : index
      %get3A_1815 = arith.constant 0 : index
      %get3A_1816 = vector.load %arg6[%get3A_1813, %get3A_1814, %get3A_1815] : memref<18x128x128xf32, #tpu.memory_space<vmem>>, vector<1x128x128xf32>
      %get3A_1817 = vector.shape_cast %get3A_1816 : vector<1x128x128xf32> to vector<128x128xf32>
      %mul3A_1818 = vector.broadcast %get3A_1812 : f32 to vector<128x128xf32>
      %mul3A_1819 = arith.mulf %mul3A_1818, %get3A_1817 : vector<128x128xf32>
      %add3A_1820 = arith.addf %add3A_1809, %mul3A_1819 : vector<128x128xf32>
      %get3A_1821 = arith.constant 7 : index
      %get3A_1822 = arith.constant 13 : index
      %get3A_1823 = memref.load %arg1[%get3A_1821, %get3A_1822] : memref<8x18xf32, #tpu.memory_space<smem>>
      %get3A_1824 = arith.constant 13 : index
      %get3A_1825 = arith.constant 0 : index
      %get3A_1826 = arith.constant 0 : index
      %get3A_1827 = vector.load %arg6[%get3A_1824, %get3A_1825, %get3A_1826] : memref<18x128x128xf32, #tpu.memory_space<vmem>>, vector<1x128x128xf32>
      %get3A_1828 = vector.shape_cast %get3A_1827 : vector<1x128x128xf32> to vector<128x128xf32>
      %mul3A_1829 = vector.broadcast %get3A_1823 : f32 to vector<128x128xf32>
      %mul3A_1830 = arith.mulf %mul3A_1829, %get3A_1828 : vector<128x128xf32>
      %add3A_1831 = arith.addf %add3A_1820, %mul3A_1830 : vector<128x128xf32>
      %get3A_1832 = arith.constant 7 : index
      %get3A_1833 = arith.constant 14 : index
      %get3A_1834 = memref.load %arg1[%get3A_1832, %get3A_1833] : memref<8x18xf32, #tpu.memory_space<smem>>
      %get3A_1835 = arith.constant 14 : index
      %get3A_1836 = arith.constant 0 : index
      %get3A_1837 = arith.constant 0 : index
      %get3A_1838 = vector.load %arg6[%get3A_1835, %get3A_1836, %get3A_1837] : memref<18x128x128xf32, #tpu.memory_space<vmem>>, vector<1x128x128xf32>
      %get3A_1839 = vector.shape_cast %get3A_1838 : vector<1x128x128xf32> to vector<128x128xf32>
      %mul3A_1840 = vector.broadcast %get3A_1834 : f32 to vector<128x128xf32>
      %mul3A_1841 = arith.mulf %mul3A_1840, %get3A_1839 : vector<128x128xf32>
      %add3A_1842 = arith.addf %add3A_1831, %mul3A_1841 : vector<128x128xf32>
      %get3A_1843 = arith.constant 7 : index
      %get3A_1844 = arith.constant 15 : index
      %get3A_1845 = memref.load %arg1[%get3A_1843, %get3A_1844] : memref<8x18xf32, #tpu.memory_space<smem>>
      %get3A_1846 = arith.constant 15 : index
      %get3A_1847 = arith.constant 0 : index
      %get3A_1848 = arith.constant 0 : index
      %get3A_1849 = vector.load %arg6[%get3A_1846, %get3A_1847, %get3A_1848] : memref<18x128x128xf32, #tpu.memory_space<vmem>>, vector<1x128x128xf32>
      %get3A_1850 = vector.shape_cast %get3A_1849 : vector<1x128x128xf32> to vector<128x128xf32>
      %mul3A_1851 = vector.broadcast %get3A_1845 : f32 to vector<128x128xf32>
      %mul3A_1852 = arith.mulf %mul3A_1851, %get3A_1850 : vector<128x128xf32>
      %add3A_1853 = arith.addf %add3A_1842, %mul3A_1852 : vector<128x128xf32>
      %get3A_1854 = arith.constant 7 : index
      %get3A_1855 = arith.constant 16 : index
      %get3A_1856 = memref.load %arg1[%get3A_1854, %get3A_1855] : memref<8x18xf32, #tpu.memory_space<smem>>
      %get3A_1857 = arith.constant 16 : index
      %get3A_1858 = arith.constant 0 : index
      %get3A_1859 = arith.constant 0 : index
      %get3A_1860 = vector.load %arg6[%get3A_1857, %get3A_1858, %get3A_1859] : memref<18x128x128xf32, #tpu.memory_space<vmem>>, vector<1x128x128xf32>
      %get3A_1861 = vector.shape_cast %get3A_1860 : vector<1x128x128xf32> to vector<128x128xf32>
      %mul3A_1862 = vector.broadcast %get3A_1856 : f32 to vector<128x128xf32>
      %mul3A_1863 = arith.mulf %mul3A_1862, %get3A_1861 : vector<128x128xf32>
      %add3A_1864 = arith.addf %add3A_1853, %mul3A_1863 : vector<128x128xf32>
      %get3A_1865 = arith.constant 7 : index
      %get3A_1866 = arith.constant 17 : index
      %get3A_1867 = memref.load %arg1[%get3A_1865, %get3A_1866] : memref<8x18xf32, #tpu.memory_space<smem>>
      %get3A_1868 = arith.constant 17 : index
      %get3A_1869 = arith.constant 0 : index
      %get3A_1870 = arith.constant 0 : index
      %get3A_1871 = vector.load %arg6[%get3A_1868, %get3A_1869, %get3A_1870] : memref<18x128x128xf32, #tpu.memory_space<vmem>>, vector<1x128x128xf32>
      %get3A_1872 = vector.shape_cast %get3A_1871 : vector<1x128x128xf32> to vector<128x128xf32>
      %mul3A_1873 = vector.broadcast %get3A_1867 : f32 to vector<128x128xf32>
      %mul3A_1874 = arith.mulf %mul3A_1873, %get3A_1872 : vector<128x128xf32>
      %add3A_1875 = arith.addf %add3A_1864, %mul3A_1874 : vector<128x128xf32>
      %swap3A_1876 = arith.constant 7 : index
      %swap3A_1877 = arith.constant 0 : index
      %swap3A_1878 = arith.constant 0 : index
      %swap3A_1879 = vector.load %arg9[%swap3A_1876, %swap3A_1877, %swap3A_1878] : memref<8x128x128xf32, #tpu.memory_space<vmem>>, vector<1x128x128xf32>
      %swap3A_1880 = vector.shape_cast %swap3A_1879 : vector<1x128x128xf32> to vector<128x128xf32>
      %swap3A_1881 = vector.shape_cast %add3A_1875 : vector<128x128xf32> to vector<1x128x128xf32>
      tpu.vector_store %arg9[%swap3A_1876, %swap3A_1877, %swap3A_1878], %swap3A_1881 {strides = array<i32>} : memref<8x128x128xf32, #tpu.memory_space<vmem>>, vector<1x128x128xf32>,
    } else {
    }
    %get3A = arith.constant 0 : index
    %get3A_2 = arith.constant 0 : index
    %get3A_3 = vector.load %arg5[%get3A, %get3A_2] : memref<1024x128xf32, #tpu.memory_space<vmem>>, vector<1024x128xf32>
    %get3A_4 = arith.constant 0 : index
    %get3A_5 = arith.constant 0 : index
    %get3A_6 = vector.load %arg7[%get3A_4, %get3A_5] : memref<128x128xf32, #tpu.memory_space<vmem>>, vector<128x128xf32>
    %dot_general3A = arith.constant dense<0.000000e+00> : vector<1024x128xf32>
    %dot_general3A_7 = tpu.matmul %get3A_3, %get3A_6, %dot_general3A {dimension_numbers = #tpu.dot_dimension_numbers<[1], [0], [0], [1], [0, 0, 1, 1], [], []>, transpose_lhs_hint = false} : vector<1024x128xf32>, vector<128x128xf32>, vector<1024x128xf32> -> vector<1024x128xf32>
    %get3A_8 = arith.constant 0 : index
    %get3A_9 = arith.constant 0 : index
    %get3A_10 = vector.load %arg2[%get3A_8, %get3A_9] : memref<8x128xf32, #tpu.memory_space<vmem>>, vector<1x128xf32>
    %add3A = vector.broadcast %get3A_10 : vector<1x128xf32> to vector<1024x128xf32>
    %add3A_11 = arith.addf %dot_general3A_7, %add3A : vector<1024x128xf32>
    %get3A_12 = arith.constant 0 : index
    %get3A_13 = arith.constant 0 : index
    %get3A_14 = arith.constant 0 : index
    %get3A_15 = arith.constant 0 : index
    %get3A_16 = vector.load %arg4[%get3A_12, %get3A_13, %get3A_14, %get3A_15] : memref<8x1x1024x16xf32, #tpu.memory_space<vmem>>, vector<1x1x1024x1xf32>
    %get3A_17 = vector.shape_cast %get3A_16 : vector<1x1x1024x1xf32> to vector<1024x1xf32>
    %max3A = arith.constant 1.000000e+00 : f32
    %max3A_18 = vector.broadcast %max3A : f32 to vector<1024x1xf32>
    %max3A_19 = arith.maximumf %get3A_17, %max3A_18 : vector<1024x1xf32>
    %div3A = arith.constant 1.000000e+00 : f32
    %div3A_20 = vector.broadcast %div3A : f32 to vector<1024x1xf32>
    %div3A_21 = arith.divf %div3A_20, %max3A_19 : vector<1024x1xf32>
    %get3A_22 = arith.constant 0 : index
    %get3A_23 = arith.constant 0 : index
    %get3A_24 = arith.constant 0 : index
    %get3A_25 = arith.constant 0 : index
    %get3A_26 = vector.load %arg3[%get3A_22, %get3A_23, %get3A_24, %get3A_25] : memref<8x1x1024x128xf32, #tpu.memory_space<vmem>>, vector<1x1x1024x128xf32>
    %get3A_27 = vector.shape_cast %get3A_26 : vector<1x1x1024x128xf32> to vector<1024x128xf32>
    %mul3A = vector.broadcast %div3A_21 : vector<1024x1xf32> to vector<1024x128xf32>
    %mul3A_28 = arith.mulf %get3A_27, %mul3A : vector<1024x128xf32>
    %get3A_29 = arith.constant 0 : index
    %get3A_30 = arith.constant 0 : index
    %get3A_31 = arith.constant 0 : index
    %get3A_32 = vector.load %arg9[%get3A_29, %get3A_30, %get3A_31] : memref<8x128x128xf32, #tpu.memory_space<vmem>>, vector<1x128x128xf32>
    %get3A_33 = vector.shape_cast %get3A_32 : vector<1x128x128xf32> to vector<128x128xf32>
    %dot_general3A_34 = arith.constant dense<0.000000e+00> : vector<1024x128xf32>
    %dot_general3A_35 = tpu.matmul %mul3A_28, %get3A_33, %dot_general3A_34 {dimension_numbers = #tpu.dot_dimension_numbers<[1], [0], [0], [1], [0, 0, 1, 1], [], []>, transpose_lhs_hint = false} : vector<1024x128xf32>, vector<128x128xf32>, vector<1024x128xf32> -> vector<1024x128xf32>
    %add3A_36 = arith.addf %add3A_11, %dot_general3A_35 : vector<1024x128xf32>
    %get3A_37 = arith.constant 1 : index
    %get3A_38 = arith.constant 0 : index
    %get3A_39 = arith.constant 0 : index
    %get3A_40 = arith.constant 0 : index
    %get3A_41 = vector.load %arg4[%get3A_37, %get3A_38, %get3A_39, %get3A_40] : memref<8x1x1024x16xf32, #tpu.memory_space<vmem>>, vector<1x1x1024x1xf32>
    %get3A_42 = vector.shape_cast %get3A_41 : vector<1x1x1024x1xf32> to vector<1024x1xf32>
    %max3A_43 = arith.constant 1.000000e+00 : f32
    %max3A_44 = vector.broadcast %max3A_43 : f32 to vector<1024x1xf32>
    %max3A_45 = arith.maximumf %get3A_42, %max3A_44 : vector<1024x1xf32>
    %div3A_46 = arith.constant 1.000000e+00 : f32
    %div3A_47 = vector.broadcast %div3A_46 : f32 to vector<1024x1xf32>
    %div3A_48 = arith.divf %div3A_47, %max3A_45 : vector<1024x1xf32>
    %get3A_49 = arith.constant 1 : index
    %get3A_50 = arith.constant 0 : index
    %get3A_51 = arith.constant 0 : index
    %get3A_52 = arith.constant 0 : index
    %get3A_53 = vector.load %arg3[%get3A_49, %get3A_50, %get3A_51, %get3A_52] : memref<8x1x1024x128xf32, #tpu.memory_space<vmem>>, vector<1x1x1024x128xf32>
    %get3A_54 = vector.shape_cast %get3A_53 : vector<1x1x1024x128xf32> to vector<1024x128xf32>
    %mul3A_55 = vector.broadcast %div3A_48 : vector<1024x1xf32> to vector<1024x128xf32>
    %mul3A_56 = arith.mulf %get3A_54, %mul3A_55 : vector<1024x128xf32>
    %get3A_57 = arith.constant 1 : index
    %get3A_58 = arith.constant 0 : index
    %get3A_59 = arith.constant 0 : index
    %get3A_60 = vector.load %arg9[%get3A_57, %get3A_58, %get3A_59] : memref<8x128x128xf32, #tpu.memory_space<vmem>>, vector<1x128x128xf32>
    %get3A_61 = vector.shape_cast %get3A_60 : vector<1x128x128xf32> to vector<128x128xf32>
    %dot_general3A_62 = arith.constant dense<0.000000e+00> : vector<1024x128xf32>
    %dot_general3A_63 = tpu.matmul %mul3A_56, %get3A_61, %dot_general3A_62 {dimension_numbers = #tpu.dot_dimension_numbers<[1], [0], [0], [1], [0, 0, 1, 1], [], []>, transpose_lhs_hint = false} : vector<1024x128xf32>, vector<128x128xf32>, vector<1024x128xf32> -> vector<1024x128xf32>
    %add3A_64 = arith.addf %add3A_36, %dot_general3A_63 : vector<1024x128xf32>
    %get3A_65 = arith.constant 2 : index
    %get3A_66 = arith.constant 0 : index
    %get3A_67 = arith.constant 0 : index
    %get3A_68 = arith.constant 0 : index
    %get3A_69 = vector.load %arg4[%get3A_65, %get3A_66, %get3A_67, %get3A_68] : memref<8x1x1024x16xf32, #tpu.memory_space<vmem>>, vector<1x1x1024x1xf32>
    %get3A_70 = vector.shape_cast %get3A_69 : vector<1x1x1024x1xf32> to vector<1024x1xf32>
    %max3A_71 = arith.constant 1.000000e+00 : f32
    %max3A_72 = vector.broadcast %max3A_71 : f32 to vector<1024x1xf32>
    %max3A_73 = arith.maximumf %get3A_70, %max3A_72 : vector<1024x1xf32>
    %div3A_74 = arith.constant 1.000000e+00 : f32
    %div3A_75 = vector.broadcast %div3A_74 : f32 to vector<1024x1xf32>
    %div3A_76 = arith.divf %div3A_75, %max3A_73 : vector<1024x1xf32>
    %get3A_77 = arith.constant 2 : index
    %get3A_78 = arith.constant 0 : index
    %get3A_79 = arith.constant 0 : index
    %get3A_80 = arith.constant 0 : index
    %get3A_81 = vector.load %arg3[%get3A_77, %get3A_78, %get3A_79, %get3A_80] : memref<8x1x1024x128xf32, #tpu.memory_space<vmem>>, vector<1x1x1024x128xf32>
    %get3A_82 = vector.shape_cast %get3A_81 : vector<1x1x1024x128xf32> to vector<1024x128xf32>
    %mul3A_83 = vector.broadcast %div3A_76 : vector<1024x1xf32> to vector<1024x128xf32>
    %mul3A_84 = arith.mulf %get3A_82, %mul3A_83 : vector<1024x128xf32>
    %get3A_85 = arith.constant 2 : index
    %get3A_86 = arith.constant 0 : index
    %get3A_87 = arith.constant 0 : index
    %get3A_88 = vector.load %arg9[%get3A_85, %get3A_86, %get3A_87] : memref<8x128x128xf32, #tpu.memory_space<vmem>>, vector<1x128x128xf32>
    %get3A_89 = vector.shape_cast %get3A_88 : vector<1x128x128xf32> to vector<128x128xf32>
    %dot_general3A_90 = arith.constant dense<0.000000e+00> : vector<1024x128xf32>
    %dot_general3A_91 = tpu.matmul %mul3A_84, %get3A_89, %dot_general3A_90 {dimension_numbers = #tpu.dot_dimension_numbers<[1], [0], [0], [1], [0, 0, 1, 1], [], []>, transpose_lhs_hint = false} : vector<1024x128xf32>, vector<128x128xf32>, vector<1024x128xf32> -> vector<1024x128xf32>
    %add3A_92 = arith.addf %add3A_64, %dot_general3A_91 : vector<1024x128xf32>
    %get3A_93 = arith.constant 3 : index
    %get3A_94 = arith.constant 0 : index
    %get3A_95 = arith.constant 0 : index
    %get3A_96 = arith.constant 0 : index
    %get3A_97 = vector.load %arg4[%get3A_93, %get3A_94, %get3A_95, %get3A_96] : memref<8x1x1024x16xf32, #tpu.memory_space<vmem>>, vector<1x1x1024x1xf32>
    %get3A_98 = vector.shape_cast %get3A_97 : vector<1x1x1024x1xf32> to vector<1024x1xf32>
    %max3A_99 = arith.constant 1.000000e+00 : f32
    %max3A_100 = vector.broadcast %max3A_99 : f32 to vector<1024x1xf32>
    %max3A_101 = arith.maximumf %get3A_98, %max3A_100 : vector<1024x1xf32>
    %div3A_102 = arith.constant 1.000000e+00 : f32
    %div3A_103 = vector.broadcast %div3A_102 : f32 to vector<1024x1xf32>
    %div3A_104 = arith.divf %div3A_103, %max3A_101 : vector<1024x1xf32>
    %get3A_105 = arith.constant 3 : index
    %get3A_106 = arith.constant 0 : index
    %get3A_107 = arith.constant 0 : index
    %get3A_108 = arith.constant 0 : index
    %get3A_109 = vector.load %arg3[%get3A_105, %get3A_106, %get3A_107, %get3A_108] : memref<8x1x1024x128xf32, #tpu.memory_space<vmem>>, vector<1x1x1024x128xf32>
    %get3A_110 = vector.shape_cast %get3A_109 : vector<1x1x1024x128xf32> to vector<1024x128xf32>
    %mul3A_111 = vector.broadcast %div3A_104 : vector<1024x1xf32> to vector<1024x128xf32>
    %mul3A_112 = arith.mulf %get3A_110, %mul3A_111 : vector<1024x128xf32>
    %get3A_113 = arith.constant 3 : index
    %get3A_114 = arith.constant 0 : index
    %get3A_115 = arith.constant 0 : index
    %get3A_116 = vector.load %arg9[%get3A_113, %get3A_114, %get3A_115] : memref<8x128x128xf32, #tpu.memory_space<vmem>>, vector<1x128x128xf32>
    %get3A_117 = vector.shape_cast %get3A_116 : vector<1x128x128xf32> to vector<128x128xf32>
    %dot_general3A_118 = arith.constant dense<0.000000e+00> : vector<1024x128xf32>
    %dot_general3A_119 = tpu.matmul %mul3A_112, %get3A_117, %dot_general3A_118 {dimension_numbers = #tpu.dot_dimension_numbers<[1], [0], [0], [1], [0, 0, 1, 1], [], []>, transpose_lhs_hint = false} : vector<1024x128xf32>, vector<128x128xf32>, vector<1024x128xf32> -> vector<1024x128xf32>
    %add3A_120 = arith.addf %add3A_92, %dot_general3A_119 : vector<1024x128xf32>
    %get3A_121 = arith.constant 4 : index
    %get3A_122 = arith.constant 0 : index
    %get3A_123 = arith.constant 0 : index
    %get3A_124 = arith.constant 0 : index
    %get3A_125 = vector.load %arg4[%get3A_121, %get3A_122, %get3A_123, %get3A_124] : memref<8x1x1024x16xf32, #tpu.memory_space<vmem>>, vector<1x1x1024x1xf32>
    %get3A_126 = vector.shape_cast %get3A_125 : vector<1x1x1024x1xf32> to vector<1024x1xf32>
    %max3A_127 = arith.constant 1.000000e+00 : f32
    %max3A_128 = vector.broadcast %max3A_127 : f32 to vector<1024x1xf32>
    %max3A_129 = arith.maximumf %get3A_126, %max3A_128 : vector<1024x1xf32>
    %div3A_130 = arith.constant 1.000000e+00 : f32
    %div3A_131 = vector.broadcast %div3A_130 : f32 to vector<1024x1xf32>
    %div3A_132 = arith.divf %div3A_131, %max3A_129 : vector<1024x1xf32>
    %get3A_133 = arith.constant 4 : index
    %get3A_134 = arith.constant 0 : index
    %get3A_135 = arith.constant 0 : index
    %get3A_136 = arith.constant 0 : index
    %get3A_137 = vector.load %arg3[%get3A_133, %get3A_134, %get3A_135, %get3A_136] : memref<8x1x1024x128xf32, #tpu.memory_space<vmem>>, vector<1x1x1024x128xf32>
    %get3A_138 = vector.shape_cast %get3A_137 : vector<1x1x1024x128xf32> to vector<1024x128xf32>
    %mul3A_139 = vector.broadcast %div3A_132 : vector<1024x1xf32> to vector<1024x128xf32>
    %mul3A_140 = arith.mulf %get3A_138, %mul3A_139 : vector<1024x128xf32>
    %get3A_141 = arith.constant 4 : index
    %get3A_142 = arith.constant 0 : index
    %get3A_143 = arith.constant 0 : index
    %get3A_144 = vector.load %arg9[%get3A_141, %get3A_142, %get3A_143] : memref<8x128x128xf32, #tpu.memory_space<vmem>>, vector<1x128x128xf32>
    %get3A_145 = vector.shape_cast %get3A_144 : vector<1x128x128xf32> to vector<128x128xf32>
    %dot_general3A_146 = arith.constant dense<0.000000e+00> : vector<1024x128xf32>
    %dot_general3A_147 = tpu.matmul %mul3A_140, %get3A_145, %dot_general3A_146 {dimension_numbers = #tpu.dot_dimension_numbers<[1], [0], [0], [1], [0, 0, 1, 1], [], []>, transpose_lhs_hint = false} : vector<1024x128xf32>, vector<128x128xf32>, vector<1024x128xf32> -> vector<1024x128xf32>
    %add3A_148 = arith.addf %add3A_120, %dot_general3A_147 : vector<1024x128xf32>
    %get3A_149 = arith.constant 5 : index
    %get3A_150 = arith.constant 0 : index
    %get3A_151 = arith.constant 0 : index
    %get3A_152 = arith.constant 0 : index
    %get3A_153 = vector.load %arg4[%get3A_149, %get3A_150, %get3A_151, %get3A_152] : memref<8x1x1024x16xf32, #tpu.memory_space<vmem>>, vector<1x1x1024x1xf32>
    %get3A_154 = vector.shape_cast %get3A_153 : vector<1x1x1024x1xf32> to vector<1024x1xf32>
    %max3A_155 = arith.constant 1.000000e+00 : f32
    %max3A_156 = vector.broadcast %max3A_155 : f32 to vector<1024x1xf32>
    %max3A_157 = arith.maximumf %get3A_154, %max3A_156 : vector<1024x1xf32>
    %div3A_158 = arith.constant 1.000000e+00 : f32
    %div3A_159 = vector.broadcast %div3A_158 : f32 to vector<1024x1xf32>
    %div3A_160 = arith.divf %div3A_159, %max3A_157 : vector<1024x1xf32>
    %get3A_161 = arith.constant 5 : index
    %get3A_162 = arith.constant 0 : index
    %get3A_163 = arith.constant 0 : index
    %get3A_164 = arith.constant 0 : index
    %get3A_165 = vector.load %arg3[%get3A_161, %get3A_162, %get3A_163, %get3A_164] : memref<8x1x1024x128xf32, #tpu.memory_space<vmem>>, vector<1x1x1024x128xf32>
    %get3A_166 = vector.shape_cast %get3A_165 : vector<1x1x1024x128xf32> to vector<1024x128xf32>
    %mul3A_167 = vector.broadcast %div3A_160 : vector<1024x1xf32> to vector<1024x128xf32>
    %mul3A_168 = arith.mulf %get3A_166, %mul3A_167 : vector<1024x128xf32>
    %get3A_169 = arith.constant 5 : index
    %get3A_170 = arith.constant 0 : index
    %get3A_171 = arith.constant 0 : index
    %get3A_172 = vector.load %arg9[%get3A_169, %get3A_170, %get3A_171] : memref<8x128x128xf32, #tpu.memory_space<vmem>>, vector<1x128x128xf32>
    %get3A_173 = vector.shape_cast %get3A_172 : vector<1x128x128xf32> to vector<128x128xf32>
    %dot_general3A_174 = arith.constant dense<0.000000e+00> : vector<1024x128xf32>
    %dot_general3A_175 = tpu.matmul %mul3A_168, %get3A_173, %dot_general3A_174 {dimension_numbers = #tpu.dot_dimension_numbers<[1], [0], [0], [1], [0, 0, 1, 1], [], []>, transpose_lhs_hint = false} : vector<1024x128xf32>, vector<128x128xf32>, vector<1024x128xf32> -> vector<1024x128xf32>
    %add3A_176 = arith.addf %add3A_148, %dot_general3A_175 : vector<1024x128xf32>
    %get3A_177 = arith.constant 6 : index
    %get3A_178 = arith.constant 0 : index
    %get3A_179 = arith.constant 0 : index
    %get3A_180 = arith.constant 0 : index
    %get3A_181 = vector.load %arg4[%get3A_177, %get3A_178, %get3A_179, %get3A_180] : memref<8x1x1024x16xf32, #tpu.memory_space<vmem>>, vector<1x1x1024x1xf32>
    %get3A_182 = vector.shape_cast %get3A_181 : vector<1x1x1024x1xf32> to vector<1024x1xf32>
    %max3A_183 = arith.constant 1.000000e+00 : f32
    %max3A_184 = vector.broadcast %max3A_183 : f32 to vector<1024x1xf32>
    %max3A_185 = arith.maximumf %get3A_182, %max3A_184 : vector<1024x1xf32>
    %div3A_186 = arith.constant 1.000000e+00 : f32
    %div3A_187 = vector.broadcast %div3A_186 : f32 to vector<1024x1xf32>
    %div3A_188 = arith.divf %div3A_187, %max3A_185 : vector<1024x1xf32>
    %get3A_189 = arith.constant 6 : index
    %get3A_190 = arith.constant 0 : index
    %get3A_191 = arith.constant 0 : index
    %get3A_192 = arith.constant 0 : index
    %get3A_193 = vector.load %arg3[%get3A_189, %get3A_190, %get3A_191, %get3A_192] : memref<8x1x1024x128xf32, #tpu.memory_space<vmem>>, vector<1x1x1024x128xf32>
    %get3A_194 = vector.shape_cast %get3A_193 : vector<1x1x1024x128xf32> to vector<1024x128xf32>
    %mul3A_195 = vector.broadcast %div3A_188 : vector<1024x1xf32> to vector<1024x128xf32>
    %mul3A_196 = arith.mulf %get3A_194, %mul3A_195 : vector<1024x128xf32>
    %get3A_197 = arith.constant 6 : index
    %get3A_198 = arith.constant 0 : index
    %get3A_199 = arith.constant 0 : index
    %get3A_200 = vector.load %arg9[%get3A_197, %get3A_198, %get3A_199] : memref<8x128x128xf32, #tpu.memory_space<vmem>>, vector<1x128x128xf32>
    %get3A_201 = vector.shape_cast %get3A_200 : vector<1x128x128xf32> to vector<128x128xf32>
    %dot_general3A_202 = arith.constant dense<0.000000e+00> : vector<1024x128xf32>
    %dot_general3A_203 = tpu.matmul %mul3A_196, %get3A_201, %dot_general3A_202 {dimension_numbers = #tpu.dot_dimension_numbers<[1], [0], [0], [1], [0, 0, 1, 1], [], []>, transpose_lhs_hint = false} : vector<1024x128xf32>, vector<128x128xf32>, vector<1024x128xf32> -> vector<1024x128xf32>
    %add3A_204 = arith.addf %add3A_176, %dot_general3A_203 : vector<1024x128xf32>
    %get3A_205 = arith.constant 7 : index
    %get3A_206 = arith.constant 0 : index
    %get3A_207 = arith.constant 0 : index
    %get3A_208 = arith.constant 0 : index
    %get3A_209 = vector.load %arg4[%get3A_205, %get3A_206, %get3A_207, %get3A_208] : memref<8x1x1024x16xf32, #tpu.memory_space<vmem>>, vector<1x1x1024x1xf32>
    %get3A_210 = vector.shape_cast %get3A_209 : vector<1x1x1024x1xf32> to vector<1024x1xf32>
    %max3A_211 = arith.constant 1.000000e+00 : f32
    %max3A_212 = vector.broadcast %max3A_211 : f32 to vector<1024x1xf32>
    %max3A_213 = arith.maximumf %get3A_210, %max3A_212 : vector<1024x1xf32>
    %div3A_214 = arith.constant 1.000000e+00 : f32
    %div3A_215 = vector.broadcast %div3A_214 : f32 to vector<1024x1xf32>
    %div3A_216 = arith.divf %div3A_215, %max3A_213 : vector<1024x1xf32>
    %get3A_217 = arith.constant 7 : index
    %get3A_218 = arith.constant 0 : index
    %get3A_219 = arith.constant 0 : index
    %get3A_220 = arith.constant 0 : index
    %get3A_221 = vector.load %arg3[%get3A_217, %get3A_218, %get3A_219, %get3A_220] : memref<8x1x1024x128xf32, #tpu.memory_space<vmem>>, vector<1x1x1024x128xf32>
    %get3A_222 = vector.shape_cast %get3A_221 : vector<1x1x1024x128xf32> to vector<1024x128xf32>
    %mul3A_223 = vector.broadcast %div3A_216 : vector<1024x1xf32> to vector<1024x128xf32>
    %mul3A_224 = arith.mulf %get3A_222, %mul3A_223 : vector<1024x128xf32>
    %get3A_225 = arith.constant 7 : index
    %get3A_226 = arith.constant 0 : index
    %get3A_227 = arith.constant 0 : index
    %get3A_228 = vector.load %arg9[%get3A_225, %get3A_226, %get3A_227] : memref<8x128x128xf32, #tpu.memory_space<vmem>>, vector<1x128x128xf32>
    %get3A_229 = vector.shape_cast %get3A_228 : vector<1x128x128xf32> to vector<128x128xf32>
    %dot_general3A_230 = arith.constant dense<0.000000e+00> : vector<1024x128xf32>
    %dot_general3A_231 = tpu.matmul %mul3A_224, %get3A_229, %dot_general3A_230 {dimension_numbers = #tpu.dot_dimension_numbers<[1], [0], [0], [1], [0, 0, 1, 1], [], []>, transpose_lhs_hint = false} : vector<1024x128xf32>, vector<128x128xf32>, vector<1024x128xf32> -> vector<1024x128xf32>
    %add3A_232 = arith.addf %add3A_204, %dot_general3A_231 : vector<1024x128xf32>
    %swap3A = arith.constant 0 : index
    %swap3A_233 = arith.constant 0 : index
    %swap3A_234 = vector.load %arg8[%swap3A, %swap3A_233] : memref<1024x128xf32, #tpu.memory_space<vmem>>, vector<1024x128xf32>
    tpu.vector_store %arg8[%swap3A, %swap3A_233], %add3A_232 {strides = array<i32>} : memref<1024x128xf32, #tpu.memory_space<vmem>>, vector<1024x128xf32>,
    return
  }
  func.func @transform_0(%arg0: i32) -> (i32, i32) {
    %c0_i32 = arith.constant 0 : i32
    %c0_i32_0 = arith.constant 0 : i32
    %c0_i32_1 = arith.constant 0 : i32
    return %c0_i32, %c0_i32_0 : i32, i32
  }
  func.func @transform_1(%arg0: i32) -> (i32, i32) {
    %c0_i32 = arith.constant 0 : i32
    %c0_i32_0 = arith.constant 0 : i32
    %c0_i32_1 = arith.constant 0 : i32
    return %c0_i32, %c0_i32_0 : i32, i32
  }
  func.func @transform_2(%arg0: i32) -> (i32, i32, i32, i32) {
    %jit3A = arith.constant 5 : i32
    %div3A = arith.divsi %arg0, %jit3A : i32
    %sign3A = arith.constant 0 : i32
    %sign3A_0 = arith.cmpi sgt, %arg0, %sign3A : i32
    %sign3A_1 = arith.extui %sign3A_0 : i1 to i32
    %sign3A_2 = arith.constant 0 : i32
    %sign3A_3 = arith.cmpi slt, %arg0, %sign3A_2 : i32
    %sign3A_4 = arith.extui %sign3A_3 : i1 to i32
    %sign3A_5 = arith.subi %sign3A_1, %sign3A_4 : i32
    %sign3A_6 = arith.constant 0 : i32
    %sign3A_7 = arith.cmpi sgt, %jit3A, %sign3A_6 : i32
    %sign3A_8 = arith.extui %sign3A_7 : i1 to i32
    %sign3A_9 = arith.constant 0 : i32
    %sign3A_10 = arith.cmpi slt, %jit3A, %sign3A_9 : i32
    %sign3A_11 = arith.extui %sign3A_10 : i1 to i32
    %sign3A_12 = arith.subi %sign3A_8, %sign3A_11 : i32
    %ne3A = arith.cmpi ne, %sign3A_5, %sign3A_12 : i32
    %rem3A = arith.remsi %arg0, %jit3A : i32
    %ne3A_13 = arith.constant 0 : i32
    %ne3A_14 = arith.cmpi ne, %rem3A, %ne3A_13 : i32
    %and3A = arith.andi %ne3A, %ne3A_14 : i1
    %sub3A = arith.constant 1 : i32
    %sub3A_15 = arith.subi %div3A, %sub3A : i32
    %select_n3A = arith.select %and3A, %sub3A_15, %div3A : i32
    %jit3A_16 = arith.constant 5 : i32
    %eq3A = arith.constant 0 : i32
    %eq3A_17 = arith.cmpi eq, %jit3A_16, %eq3A : i32
    %jit3A_18 = arith.constant 1 : i32
    %select_n3A_19 = arith.select %eq3A_17, %jit3A_18, %jit3A_16 : i32
    %rem3A_20 = arith.remsi %arg0, %select_n3A_19 : i32
    %ne3A_21 = arith.constant 0 : i32
    %ne3A_22 = arith.cmpi ne, %rem3A_20, %ne3A_21 : i32
    %lt3A = arith.constant 0 : i32
    %lt3A_23 = arith.cmpi slt, %rem3A_20, %lt3A : i32
    %lt3A_24 = arith.constant 0 : i32
    %lt3A_25 = arith.cmpi slt, %select_n3A_19, %lt3A_24 : i32
    %ne3A_26 = arith.xori %lt3A_23, %lt3A_25 : i1
    %and3A_27 = arith.andi %ne3A_26, %ne3A_22 : i1
    %add3A = arith.addi %rem3A_20, %select_n3A_19 : i32
    %select_n3A_28 = arith.select %and3A_27, %add3A, %rem3A_20 : i32
    %c0_i32 = arith.constant 0 : i32
    %c0_i32_29 = arith.constant 0 : i32
    %c0_i32_30 = arith.constant 0 : i32
    return %c0_i32, %select_n3A, %select_n3A_28, %c0_i32_29 : i32, i32, i32, i32
  }
  func.func @transform_3(%arg0: i32) -> (i32, i32, i32, i32) {
    %jit3A = arith.constant 5 : i32
    %div3A = arith.divsi %arg0, %jit3A : i32
    %sign3A = arith.constant 0 : i32
    %sign3A_0 = arith.cmpi sgt, %arg0, %sign3A : i32
    %sign3A_1 = arith.extui %sign3A_0 : i1 to i32
    %sign3A_2 = arith.constant 0 : i32
    %sign3A_3 = arith.cmpi slt, %arg0, %sign3A_2 : i32
    %sign3A_4 = arith.extui %sign3A_3 : i1 to i32
    %sign3A_5 = arith.subi %sign3A_1, %sign3A_4 : i32
    %sign3A_6 = arith.constant 0 : i32
    %sign3A_7 = arith.cmpi sgt, %jit3A, %sign3A_6 : i32
    %sign3A_8 = arith.extui %sign3A_7 : i1 to i32
    %sign3A_9 = arith.constant 0 : i32
    %sign3A_10 = arith.cmpi slt, %jit3A, %sign3A_9 : i32
    %sign3A_11 = arith.extui %sign3A_10 : i1 to i32
    %sign3A_12 = arith.subi %sign3A_8, %sign3A_11 : i32
    %ne3A = arith.cmpi ne, %sign3A_5, %sign3A_12 : i32
    %rem3A = arith.remsi %arg0, %jit3A : i32
    %ne3A_13 = arith.constant 0 : i32
    %ne3A_14 = arith.cmpi ne, %rem3A, %ne3A_13 : i32
    %and3A = arith.andi %ne3A, %ne3A_14 : i1
    %sub3A = arith.constant 1 : i32
    %sub3A_15 = arith.subi %div3A, %sub3A : i32
    %select_n3A = arith.select %and3A, %sub3A_15, %div3A : i32
    %jit3A_16 = arith.constant 5 : i32
    %eq3A = arith.constant 0 : i32
    %eq3A_17 = arith.cmpi eq, %jit3A_16, %eq3A : i32
    %jit3A_18 = arith.constant 1 : i32
    %select_n3A_19 = arith.select %eq3A_17, %jit3A_18, %jit3A_16 : i32
    %rem3A_20 = arith.remsi %arg0, %select_n3A_19 : i32
    %ne3A_21 = arith.constant 0 : i32
    %ne3A_22 = arith.cmpi ne, %rem3A_20, %ne3A_21 : i32
    %lt3A = arith.constant 0 : i32
    %lt3A_23 = arith.cmpi slt, %rem3A_20, %lt3A : i32
    %lt3A_24 = arith.constant 0 : i32
    %lt3A_25 = arith.cmpi slt, %select_n3A_19, %lt3A_24 : i32
    %ne3A_26 = arith.xori %lt3A_23, %lt3A_25 : i1
    %and3A_27 = arith.andi %ne3A_26, %ne3A_22 : i1
    %add3A = arith.addi %rem3A_20, %select_n3A_19 : i32
    %select_n3A_28 = arith.select %and3A_27, %add3A, %rem3A_20 : i32
    %c0_i32 = arith.constant 0 : i32
    %c0_i32_29 = arith.constant 0 : i32
    %c0_i32_30 = arith.constant 0 : i32
    return %c0_i32, %select_n3A, %select_n3A_28, %c0_i32_29 : i32, i32, i32, i32
  }
  func.func @transform_4(%arg0: i32) -> (i32, i32) {
    %c0_i32 = arith.constant 0 : i32
    %c0_i32_0 = arith.constant 0 : i32
    return %arg0, %c0_i32 : i32, i32
  }
  func.func @transform_5(%arg0: i32) -> (i32, i32, i32) {
    %c0_i32 = arith.constant 0 : i32
    %c0_i32_0 = arith.constant 0 : i32
    %c0_i32_1 = arith.constant 0 : i32
    %c0_i32_2 = arith.constant 0 : i32
    return %c0_i32, %c0_i32_0, %c0_i32_1 : i32, i32, i32
  }
  func.func @transform_6(%arg0: i32) -> (i32, i32) {
    %c0_i32 = arith.constant 0 : i32
    %c0_i32_0 = arith.constant 0 : i32
    %c0_i32_1 = arith.constant 0 : i32
    return %c0_i32, %c0_i32_0 : i32, i32
  }
  func.func @transform_7(%arg0: i32) -> (i32, i32) {
    %c0_i32 = arith.constant 0 : i32
    %c0_i32_0 = arith.constant 0 : i32
    return %arg0, %c0_i32 : i32, i32
  }
}

</mosaic_0001>

<sc_bundles>
// kernel: kernel.4.cloned.1.call-start
scs
__scs_entry_jumppad:
0x0: {  	(pc) =	sbr.rel $0x88, $3  }
0x1: {  	(tag) =	ssettag $0x0;
	lr =	simm.s32 $0x1  }
0x2: {  	[smem:$0x3F99] =	sst lr;
	_ =	strace $0xD0000000  }
0x3: {  	_ = 	snop  }
0x4: {  	_ = 	snop  }
0x5: {  	_ = 	snop  }
0x6: {  	_ = 	snop  }
0x7: {  	_ = 	snop  }
__scs_overlays_trampoline_lowered:
0x8: {  	[smem:$0x3FA8] =	sst s0  }
0x9: {  	[smem:$0x3FA9] =	sst s1  }
0xa: {  	[smem:$0x3FAA] =	sst s2  }
0xb: {  	[smem:$0x3FAB] =	sst s3  }
0xc: {  	[smem:$0x3FAC] =	sst s4  }
0xd: {  	[smem:$0x3FAD] =	sst s5  }
0xe: {  	[smem:$0x3FAE] =	sst s6  }
0xf: {  	[smem:$0x3FAF] =	sst s7  }
0x10: {  	[smem:$0x3FB0] =	sst s8  }
0x11: {  	[smem:$0x3FB1] =	sst s9;
	s0 =	simm.s32 @!p0 $0x0  }
0x12: {  	s1 =	sld [smem:$0x3F97];
	s0 =	simm.s32 @p0 $0x1  }
0x13: {  	[smem:$0x3FB2] =	sst s0;
	s0 =	simm.s32 @!p1 $0x0  }
0x14: {  	s2 =	sld [smem:$0x3F96];
	s0 =	simm.s32 @p1 $0x1  }
0x15: {  	[smem:$0x3FB3] =	sst s0;
	s0 =	simm.s32 @!p2 $0x0  }
0x16: {  	s3 =	sld [smem:$0x3FDB];
	s0 =	simm.s32 @p2 $0x1  }
0x17: {  	s4 =	simm.s32 $0x1BF5;
	[smem:$0x3FB5] =	sst s0  }
0x18: {  	s0 =	sld [smem:$0x3F98];
	_ =	swait.ge [sflag:s4], $0x0  }
0x19: {  	s7 =	sld [smem:$0x3F99]  }
0x1a: {  	s8 =	sadd.s32 $0xFFFFE003, lr  }
0x1b: {  	s9 =	sadd.s32 $0xFFFFFEF7, lr;
	s5 =	simm.s32 $0xFFFFFFFF;
	p2 =	slt.u32 s8, $0xFFFFF086  }
0x1c: {  	p1 =	slt.u32 s9, $0xF7A;
	s5 =	simm.s32 @!p2 $0x0  }
0x1d: {  	s5 =	simm.s32 @p1 $0x1;
	p0 =	seq.s32 s7, s2  }
0x1e: {  	s7 =	smul.u32 @!p0 $0xF7A, s2;
	p2 =	seq.s32 @!p0 s5, $0x0  }
0x1f: {  	s9 =	smul.u32 $0xF7A, s1;
	s8 =	simm.s32 @!p0 $0x1BF5;
	p2 =	por !p2, p0  }
0x20: {  	[sflag:s8] =	ssyncset.s32 @!p0 $0xFFFFF086;
	s6 =	sadd.s32 @!p0 s3, s7;
	s7 =	simm.s32 @!p0 $0x108  }
0x21: {  	s3 =	sadd.s32 s3, s9;
	s6 =	sadd.s32 @!p0 $0x88, s6;
	s7 =	simm.s32 @p2 $0x1082  }
0x22: {  	[simem:s7], [sflag:s8] =	dma.local @!p0 [hbm:s6], $0xF7A  }
0x23: {  	s9 =	sor.u32 $0xD0000000, s2;
	s6 =	simm.s32 $0x108;
	_ =	swait.ge @!p0 [sflag:s8], $0x0  }
0x24: {  	s3 =	sadd.s32 $0x88, s3;
	s6 =	simm.s32 @!p1 $0x1082;
	[sflag:s4] =	ssyncset.s32 $0xFFFFF086  }
0x25: {  	[simem:s6], [sflag:s4] =	dma.local [hbm:s3], $0xF7A  }
0x26: {  	[smem:$0x3F99] =	sst s1;
	(tag) =	ssettag s2;
	_ =	strace s9  }
0x27: {  	s1 =	sld [smem:$0x3FA9]  }
0x28: {  	s2 =	sld [smem:$0x3FAA]  }
0x29: {  	s4 =	sld [smem:$0x3FAC]  }
0x2a: {  	p0 =	seq.s32 s5, $0x0;
	s5 =	sld [smem:$0x3FAD]  }
0x2b: {  	s6 =	sld [smem:$0x3FAE]  }
0x2c: {  	s7 =	sld [smem:$0x3FAF]  }
0x2d: {  	s3 =	simm.s32 $0x108;
	s8 =	sld [smem:$0x3FB0]  }
0x2e: {  	s3 =	simm.s32 @!p0 $0x1082;
	s9 =	sld [smem:$0x3FB1]  }
0x2f: {  	lr =	sadd.s32 s0, s3;
	s0 =	sld [smem:$0x3FA8]  }
0x30: {  	s3 =	sld [smem:$0x3FAB]  }
0x31: {  	[smem:$0x3FB4] =	sst s10  }
0x32: {  	s10 =	sld [smem:$0x3FB2];
	_ =	sdelay $0x3  }
0x33: {  	p0 =	seq.s32 s10, $0x1;
	s10 =	sld [smem:$0x3FB4];
	_ =	sdelay $0x3  }
0x34: {  	[smem:$0x3FB4] =	sst s10  }
0x35: {  	s10 =	sld [smem:$0x3FB3];
	_ =	sdelay $0x3  }
0x36: {  	p1 =	seq.s32 s10, $0x1;
	s10 =	sld [smem:$0x3FB4];
	_ =	sdelay $0x3  }
0x37: {  	[smem:$0x3FB4] =	sst s10  }
0x38: {  	s10 =	sld [smem:$0x3FB5]  }
0x39: {  	_ = 	snop;
	(pc) =	sbr.ind lr, $3  }
0x3a: {  	_ = 	snop  }
0x3b: {  	_ = 	snop  }
0x3c: {  	p2 =	seq.s32 s10, $0x1;
	s10 =	sld [smem:$0x3FB4]  }
0x3d: {  	_ =	shalt  }
0x3e: {  	_ =	shalt  }
0x3f: {  	_ =	shalt  }
0x40: {  	_ =	shalt  }
0x41: {  	_ =	shalt  }
0x42: {  	_ =	shalt  }
0x43: {  	_ =	shalt  }
0x44: {  	_ =	shalt  }
0x45: {  	_ =	shalt  }
0x46: {  	_ =	shalt  }
0x47: {  	_ =	shalt  }
0x48: {  	_ =	shalt  }
0x49: {  	_ =	shalt  }
0x4a: {  	_ =	shalt  }
0x4b: {  	_ =	shalt  }
0x4c: {  	_ =	shalt  }
0x4d: {  	_ =	shalt  }
0x4e: {  	_ =	shalt  }
0x4f: {  	_ =	shalt  }
0x50: {  	_ =	shalt  }
0x51: {  	_ =	shalt  }
0x52: {  	_ =	shalt  }
0x53: {  	_ =	shalt  }
0x54: {  	_ =	shalt  }
0x55: {  	_ =	shalt  }
0x56: {  	_ =	shalt  }
0x57: {  	_ =	shalt  }
0x58: {  	_ =	shalt  }
0x59: {  	_ =	shalt  }
0x5a: {  	_ =	shalt  }
0x5b: {  	_ =	shalt  }
0x5c: {  	_ =	shalt  }
0x5d: {  	_ =	shalt  }
0x5e: {  	_ =	shalt  }
0x5f: {  	_ =	shalt  }
0x60: {  	_ =	shalt  }
0x61: {  	_ =	shalt  }
0x62: {  	_ =	shalt  }
0x63: {  	_ =	shalt  }
0x64: {  	_ =	shalt  }
0x65: {  	_ =	shalt  }
0x66: {  	_ =	shalt  }
0x67: {  	_ =	shalt  }
0x68: {  	_ =	shalt  }
0x69: {  	_ =	shalt  }
0x6a: {  	_ =	shalt  }
0x6b: {  	_ =	shalt  }
0x6c: {  	_ =	shalt  }
0x6d: {  	_ =	shalt  }
0x6e: {  	_ =	shalt  }
0x6f: {  	_ =	shalt  }
0x70: {  	_ =	shalt  }
0x71: {  	_ =	shalt  }
0x72: {  	_ =	shalt  }
0x73: {  	_ =	shalt  }
0x74: {  	_ =	shalt  }
0x75: {  	_ =	shalt  }
0x76: {  	_ =	shalt  }
0x77: {  	_ =	shalt  }
0x78: {  	_ =	shalt  }
0x79: {  	_ =	shalt  }
0x7a: {  	_ =	shalt  }
0x7b: {  	_ =	shalt  }
0x7c: {  	_ =	shalt  }
0x7d: {  	_ =	shalt  }
0x7e: {  	_ =	shalt  }
0x7f: {  	_ =	shalt  }
0x80: {  	_ =	shalt  }
0x81: {  	_ =	shalt  }
0x82: {  	_ =	shalt  }
0x83: {  	_ =	shalt  }
0x84: {  	_ =	shalt  }
0x85: {  	_ =	shalt  }
0x86: {  	_ =	shalt  }
0x87: {  	_ =	shalt  }
.Lfunc_end0:
.L_simem_size_0:
called_computation_lowered:
.L_overlay_start_0:
0x88: {  	s2 =	sld [smem:$0x3FD9]  }
0x89: {  	s3 =	sld [smem:$0x3FFE];
	_ =	sdelay $0x1  }
0x8a: {  	s1 =	srdreg.scid  }
0x8b: {  	s0 =	sand.u32 $0x1, s1  }
0x8c: {  	s17 =	sshll.u32 s0, $0xA;
	s2 =	sadd.s32 s3, s2  }
0x8d: {  	s2 =	sadd.s32 s2, s17  }
0x8e: {  	[smem:$0x3FC0] =	sst s2  }
0x8f: {  	_ = 	snop  }
0x90: {  	s2 =	sld [smem:$0x3FC9]  }
0x91: {  	s18 =	sld [smem:$0x3FC7]  }
0x92: {  	s4 =	sld [smem:$0x3FD0];
	(tm) =	ssettm $0x1  }
0x93: {  	s5 =	sld [smem:$0x3FFB];
	_ =	sdelay $0x3  }
0x94: {  	_ =	strace s5  }
0x95: {  	s5 =	sld [smem:$0x3FFC];
	_ =	sdelay $0x3  }
0x96: {  	_ =	strace s5  }
0x97: {  	s5 =	sld [smem:$0x3FFD];
	_ =	sdelay $0x3  }
0x98: {  	_ =	strace s5  }
0x99: {  	_ =	strace $0x8FFFFFFF  }
0x9a: {  	s19 =	sld [smem:$0x3FDB];
	_ =	sdelay $0x1  }
0x9b: {  	s6 =	simm.s32 $_scs_section_size  }
0x9c: {  	s7 =	simm.s32 $_size__tile_overlayer_lowered;
	s8 =	simm.s32 $_tile_overlayer_lowered  }
0x9d: {  	s22 =	simm.s32 $0x1BFF;
	s21 =	sshll.u32 s8, $0x1;
	s5 =	sadd.s32 s6, s19  }
0x9e: {  	s9 =	simm.s32 $0x0;
	s20 =	sshll.u32 s7, $0x1;
	s7 =	sadd.s32 s21, s5  }
0x9f: {  	[timem:s9], [sflag:s22] =	dma.local [hbm:s7], s20  }
0xa0: {  	_ =	swait.ge [sflag:s22], s20  }
0xa1: {  	s6 =	ssub.s32 $0x0, s20;
	[sflag:s22] =	ssyncset.done $0x0  }
0xa2: {  	[sflag:s22] =	ssyncadd.s32 s6;
	_ =	sdelay $0x1  }
0xa3: {  	s23 =	simm.s32 $0x1B8B  }
0xa4: {  	_ =	swait.ge [sflag:s23], $0x1  }
0xa5: {  	[sflag:s23] =	ssyncset.done $0x0  }
0xa6: {  	s25 =	simm.s32 $0x1B8E;
	s24 =	sld [smem:$0x3FFE];
	[sflag:s23] =	ssyncadd.s32 $0xFFFFFFFF  }
0xa7: {  	s26 =	simm.s32 $execute0_lowered;
	[smem:$0x3FD2] =	sst s25  }
0xa8: {  	s7 =	sshll.u32 s26, $0x1;
	_ =	strace $0x80000046;
	[dreg:$0x1] =	wrdreg $0xFFFFFFFF  }
0xa9: {  	s28 =	simm.s32 $_size_execute0_lowered;
	s5 =	sadd.s32 s5, s7;
	[dreg:$0x0] =	wrdreg $0x0  }
0xaa: {  	s7 =	sshll.u32 s28, $0x1;
	[dreg:$0x2] =	wrdreg s5  }
0xab: {  	[dreg:$0x3] =	wrdreg s7  }
0xac: {  	[dreg:$0x4] =	wrdreg $0xC0  }
0xad: {  	_ =	task [dreg:s9], $0x5FFFF  }
0xae: {  	[dreg:$0x1] =	wrdreg $0xFFFFFFFF  }
0xaf: {  	[dreg:$0x0] =	wrdreg $0x60  }
0xb0: {  	[dreg:$0x2] =	wrdreg s2  }
0xb1: {  	[dreg:$0x3] =	wrdreg s24  }
0xb2: {  	[dreg:$0x4] =	wrdreg s4  }
0xb3: {  	[dreg:$0x5] =	wrdreg s18  }
0xb4: {  	[dreg:$0x6] =	wrdreg $0xF8D00  }
0xb5: {  	[dreg:$0x7] =	wrdreg $0x19CD00  }
0xb6: {  	[dreg:$0x8] =	wrdreg $0x9  }
0xb7: {  	_ =	task.clear_ibuf [dreg:s9], $0x9FFFF;
	_ =	strace $0x90000046  }
0xb8: {  	s29 =	simm.s32 $0x9;
	_ =	strace $0x80000048  }
0xb9: {  	_ =	swait.ge [sflag:s29], $0x1  }
0xba: {  	[sflag:s29] =	ssyncadd.s32 $0xFFFFFFFF  }
0xbb: {  	_ =	strace $0x90000048  }
0xbc: {  	_ =	sfence  }
0xbd: {  	s30 =	sld [smem:$0x0];
	_ =	sdelay $0x2  }
0xbe: {  	s31 =	sshll.u32 s1, $0xD;
	s1 =	sshrl.u32 s1, $0x2  }
0xbf: {  	s3 =	sand.u32 $0x4000, s31;
	s1 =	sadd.s32 s1, s30  }
0xc0: {  	s0 =	sor.u32 s3, s0;
	s1 =	sshll.u32 s1, $0x11  }
0xc1: {  	s0 =	sor.u32 s1, s0  }
0xc2: {  	s0 =	sadd.s32 $0x8F2B, s0  }
0xc3: {  	[sflag:s0] =	ssyncadd.remote.s32 $0x1  }
0xc4: {  	_ =	sfence.sel $0xFFFF  }
0xc5: {  	[dreg:$0x0] =	wrdreg $0xFFFFFFFF;
	(pc) =	sbr.abs _section_cstart, $3  }
0xc6: {  	[dreg:$0x1] =	wrdreg $0xFFFFFFFF  }
0xc7: {  	_ =	task.clear_ibuf [dreg:s9], $0x2FFFF;
	_ =	strace $0x9FFFFFFF  }
0xc8: {  	(tm) =	ssettm $0x7FFFFFFF  }
0xc9: {  	_ =	shalt  }
tec
execute0_lowered:
.L_overlay_start_1:
0x0: {  	(tag) =	ssettag $0x1  }
0x1: {  	s1 =	rddreg [dreg:$0x0]  }
0x2: {  	s0 =	rddreg [dreg:$0x1]  }
0x3: {  	s3 =	rddreg [dreg:$0x2]  }
0x4: {  	s6 =	rddreg [dreg:$0x3]  }
0x5: {  	s2 =	rddreg [dreg:$0x4]  }
0x6: {  	s4 =	rddreg [dreg:$0x5];
	s5 =	simm.s32 $0x0;
	s13 =	stileid.u32  }
0x7: {  	s8 =	srdreg.scid;
	s28 =	simm.s32 $0x50;
	s29 =	simm.s32 $0x7D0  }
0x8: {  	s30 =	simm.s32 $0x500;
	s31 =	simm.s32 $0x2FD0;
	s7 =	smul.u32 $0x9C4, s13  }
0x9: {  	[smem:$0x7FF] =	sst s5;
	s8 =	sand.u32 $0x1, s8;
	s11 =	smul.u32 $0x148, s13  }
0xa: {  	s12 =	sadd.s32 $0x34000, s0;
	s14 =	smul.u32 $0xA400, s13;
	_ =	strace $0x80000047  }
0xb: {  	s10 =	ssub.s32 $0x2, s8;
	[dreg:$0xd] =	wrdreg s12;
	s8 =	sshll.u32 s8, $0x2  }
0xc: {  	s22 =	smul.u32 $0x1480, s13;
	s9 =	sadd.s32 s7, s0;
	[dreg:$0x11] =	wrdreg s8  }
0xd: {  	s21 =	sshrl.u32 s10, $0x1;
	s0 =	sadd.s32 $0xB000, s0;
	[dreg:$0xe] =	wrdreg s14  }
0xe: {  	s24 =	sadd.s32 s14, s2;
	s23 =	sadd.s32 $0x40, s11;
	[dreg:$0x10] =	wrdreg s22  }
0xf: {  	s26 =	sadd.s32 s22, s4;
	s13 =	sadd.s32 $0xC0, s11;
	s15 =	sadd.s32 $0x100, s11  }
0x10: {  	s6 =	sadd.s32 s7, s6;
	s19 =	sadd.s32 $0x140, s11;
	s3 =	sadd.s32 s7, s3  }
0x11: {  	s22 =	simm.s32 $0x190;
	[dreg:$0xf] =	wrdreg s0;
	s0 =	ssub.s32 s10, s21  }
0x12: {  	s25 =	sshll.u32 s23, $0x7;
	s8 =	sshll.u32 s23, $0x4;
	[dreg:$0x7] =	wrdreg s6  }
0x13: {  	s14 =	sshll.u32 s13, $0x7;
	s16 =	sshll.u32 s13, $0x4;
	[dreg:$0x8] =	wrdreg s3  }
0x14: {  	s17 =	sshll.u32 s15, $0x7;
	s18 =	sshll.u32 s15, $0x4;
	[dreg:$0xa] =	wrdreg s22  }
0x15: {  	s20 =	sshll.u32 s19, $0x7;
	s21 =	sadd.s32 $0x1200, s9;
	[dreg:$0x12] =	wrdreg s24  }
0x16: {  	s23 =	simm.s32 $0x320;
	s3 =	simm.s32 $0x5A0;
	[dreg:$0x13] =	wrdreg s26  }
0x17: {  	s9 =	simm.s32 $0x1;
	s13 =	simm.s32 $0xCFD0;
	[dreg:$0x9] =	wrdreg s21  }
0x18: {  	s15 =	simm.s32 $0x690;
	s10 =	sadd.s32 s25, s2;
	[dreg:$0xb] =	wrdreg s23  }
0x19: {  	s8 =	sadd.s32 s8, s4;
	s6 =	sadd.s32 s17, s2;
	[dreg:$0x14] =	wrdreg s10  }
0x1a: {  	s7 =	sadd.s32 s20, s2;
	s25 =	simm.s32 $0x4B0;
	[dreg:$0x15] =	wrdreg s8  }
0x1b: {  	s0 =	smax.u32 s0, $0x1;
	s23 =	simm.s32 $0x57D0;
	[dreg:$0x1a] =	wrdreg s6  }
0x1c: {  	s17 =	simm.s32 $0x6E0;
	s20 =	simm.s32 $0x5;
	[dreg:$0x1c] =	wrdreg s7  }
0x1d: {  	s21 =	simm.s32 $0x780;
	s10 =	sadd.s32 $0x80, s11;
	[dreg:$0x1e] =	wrdreg s0  }
0x1e: {  	s6 =	sadd.s32 s18, s4;
	[dreg:$0xc] =	wrdreg s25;
	s25 =	simm.s32 $0x6  }
0x1f: {  	s0 =	simm.s32 $0x550;
	s7 =	simm.s32 $0x5F0;
	s18 =	simm.s32 $0x4  }
0x20: {  	s12 =	sshll.u32 s10, $0x7;
	s8 =	sshll.u32 s10, $0x4;
	[dreg:$0x1b] =	wrdreg s6  }
0x21: {  	s6 =	sshll.u32 s19, $0x4;
	s19 =	simm.s32 $0x730;
	s10 =	sadd.s32 s12, s2  }
0x22: {  	s8 =	sadd.s32 s8, s4;
	s6 =	sadd.s32 s6, s4;
	[dreg:$0x16] =	wrdreg s10  }
0x23: {  	s12 =	simm.s32 $0x0;
	[dreg:$0x17] =	wrdreg s8;
	s8 =	sadd.s32 s14, s2  }
0x24: {  	s10 =	sadd.s32 s16, s4;
	[dreg:$0x1d] =	wrdreg s6;
	s6 =	simm.s32 $0x7FD0  }
0x25: {  	s14 =	simm.s32 $0x2;
	s16 =	simm.s32 $0x3;
	[dreg:$0x18] =	wrdreg s8  }
0x26: {  	v0 =	vimm.f32 $0.0e+00;
	v1 =	vimm.f32 $1.000000000e+00;
	[dreg:$0x19] =	wrdreg s10;
	s8 =	simm.s32 $0xA7D0;
	s10 =	simm.s32 $0x640  }
.LBB2_1:
0x27: {  	s11 =	simm.s32 $0xD510  }
0x28: {  	[tilespmem:s11+$0xFFFFFFD0] =	vst v0  }
0x29: {  	[tilespmem:s11+$0xFFFFFFE0] =	vst v0  }
0x2a: {  	[tilespmem:s11+$0xFFFFFFF0] =	vst v0  }
0x2b: {  	[tilespmem:s11+$0x0] =	vst v0  }
0x2c: {  	[tilespmem:s11+$0x10] =	vst v0  }
0x2d: {  	[tilespmem:s11+$0x20] =	vst v0  }
0x2e: {  	[tilespmem:s11+$0x30] =	vst v0  }
0x2f: {  	[dreg:$0x1f] =	wrdreg s12;
	s22 =	simm.s32 $0x0;
	s12 =	simm.s32 $0x40;
	[tilespmem:s11+$0xFFFFFFC0] =	vst v0  }
.LBB2_2:
0x30: {  	p0 =	sne.s32 s12, $0xFC0;
	[tilespmem:s22+$0xF4D0] =	vst v0;
	s11 =	sadd.s32 $0x80, s11  }
0x31: {  	[tilespmem:s11+$0xFFFFFFD0] =	vst v0  }
0x32: {  	[tilespmem:s11+$0xFFFFFFE0] =	vst v0  }
0x33: {  	[tilespmem:s11+$0xFFFFFFF0] =	vst v0  }
.Ltmp0:
0x34: {  	[tilespmem:s11+$0x0] =	vst v0;
	(pc) =	sbr.rel @p0 .LBB2_2-.Ltmp0, $4  }
0x35: {  	[tilespmem:s11+$0x10] =	vst v0  }
0x36: {  	[tilespmem:s11+$0x20] =	vst v0  }
0x37: {  	[tilespmem:s11+$0x30] =	vst v0  }
0x38: {  	s22 =	sshra.s32 s12, $0x2;
	s12 =	sadd.s32 $0x40, s12;
	[tilespmem:s11+$0xFFFFFFC0] =	vst v0  }
0x39: {  	[tilespmem:s22+$0xF4D0] =	vst v0;
	s22 =	simm.s32 $0x0;
	s11 =	simm.s32 $0x40;
	s12 =	simm.s32 $0x0  }
.LBB2_4:
0x3a: {  	p0 =	sne.s32 s11, $0x13C0;
	[tilespmem:s12+$0xCFD0] =	vst v1;
	s12 =	smov.u32 s11;
	s11 =	sadd.s32 $0x40, s11  }
.Ltmp1:
0x3b: {  	(pc) =	sbr.rel @p0 .LBB2_4-.Ltmp1, $2  }
0x3c: {  	_ =	sdelay $0x2  }
0x3d: {  	s12 =	sshra.s32 s12, $0x2  }
0x3e: {  	[tilespmem:s12+$0xCFD0] =	vst v1  }
.LBB2_6:
0x3f: {  	s12 =	simm.s32 $0xD4D0  }
0x40: {  	[spmem:s24] =	stream.linear.scatter [tilespmem:s12], [sflag:$0x6], $0x2000, $0x38;
	[tilespmem:$0x1B150] =	vst v63  }
0x41: {  	_ =	swait.ge [sflag:s25], $0x2000  }
0x42: {  	[sflag:s25] =	ssyncset.done $0x0  }
0x43: {  	s24 =	smov.u32 s22;
	s22 =	simm.s32 $0xF4D0;
	[sflag:s25] =	ssyncadd.s32 $0xFFFFE000  }
0x44: {  	[spmem:s26] =	stream.linear.scatter [tilespmem:s22], [sflag:$0x6], $0x400, $0x38;
	[tilespmem:$0x1B150] =	vst v63  }
0x45: {  	_ =	swait.ge [sflag:s25], $0x400  }
0x46: {  	[sflag:s25] =	ssyncset.done $0x0  }
0x47: {  	s11 =	rddreg [dreg:$0x14];
	[sflag:s25] =	ssyncadd.s32 $0xFFFFFC00  }
0x48: {  	[spmem:s11] =	stream.linear.scatter [tilespmem:s12], [sflag:$0x6], $0x2000, $0x38;
	[tilespmem:$0x1B150] =	vst v63  }
0x49: {  	_ =	swait.ge [sflag:s25], $0x2000  }
0x4a: {  	[sflag:s25] =	ssyncset.done $0x0  }
0x4b: {  	s26 =	rddreg [dreg:$0x15];
	[sflag:s25] =	ssyncadd.s32 $0xFFFFE000  }
0x4c: {  	[spmem:s26] =	stream.linear.scatter [tilespmem:s22], [sflag:$0x6], $0x400, $0x38;
	[tilespmem:$0x1B150] =	vst v63  }
0x4d: {  	_ =	swait.ge [sflag:s25], $0x400  }
0x4e: {  	[sflag:s25] =	ssyncset.done $0x0  }
0x4f: {  	s26 =	rddreg [dreg:$0x16];
	[sflag:s25] =	ssyncadd.s32 $0xFFFFFC00  }
0x50: {  	[spmem:s26] =	stream.linear.scatter [tilespmem:s12], [sflag:$0x6], $0x2000, $0x38;
	[tilespmem:$0x1B150] =	vst v63  }
0x51: {  	_ =	swait.ge [sflag:s25], $0x2000  }
0x52: {  	[sflag:s25] =	ssyncset.done $0x0  }
0x53: {  	s26 =	rddreg [dreg:$0x17];
	[sflag:s25] =	ssyncadd.s32 $0xFFFFE000  }
0x54: {  	[spmem:s26] =	stream.linear.scatter [tilespmem:s22], [sflag:$0x6], $0x400, $0x38;
	[tilespmem:$0x1B150] =	vst v63  }
0x55: {  	_ =	swait.ge [sflag:s25], $0x400  }
0x56: {  	[sflag:s25] =	ssyncset.done $0x0  }
0x57: {  	s26 =	rddreg [dreg:$0x18];
	[sflag:s25] =	ssyncadd.s32 $0xFFFFFC00  }
0x58: {  	[spmem:s26] =	stream.linear.scatter [tilespmem:s12], [sflag:$0x6], $0x2000, $0x38;
	[tilespmem:$0x1B150] =	vst v63  }
0x59: {  	_ =	swait.ge [sflag:s25], $0x2000  }
0x5a: {  	[sflag:s25] =	ssyncset.done $0x0  }
0x5b: {  	s26 =	rddreg [dreg:$0x19];
	[sflag:s25] =	ssyncadd.s32 $0xFFFFE000  }
0x5c: {  	[spmem:s26] =	stream.linear.scatter [tilespmem:s22], [sflag:$0x6], $0x400, $0x38;
	[tilespmem:$0x1B150] =	vst v63  }
0x5d: {  	_ =	swait.ge [sflag:s25], $0x400  }
0x5e: {  	[sflag:s25] =	ssyncset.done $0x0  }
0x5f: {  	s26 =	rddreg [dreg:$0x1a];
	[sflag:s25] =	ssyncadd.s32 $0xFFFFFC00  }
0x60: {  	[spmem:s26] =	stream.linear.scatter [tilespmem:s12], [sflag:$0x6], $0x2000, $0x38;
	[tilespmem:$0x1B150] =	vst v63  }
0x61: {  	_ =	swait.ge [sflag:s25], $0x2000  }
0x62: {  	[sflag:s25] =	ssyncset.done $0x0  }
0x63: {  	s26 =	rddreg [dreg:$0x1b];
	[sflag:s25] =	ssyncadd.s32 $0xFFFFE000  }
0x64: {  	[spmem:s26] =	stream.linear.scatter [tilespmem:s22], [sflag:$0x6], $0x400, $0x38;
	[tilespmem:$0x1B150] =	vst v63  }
0x65: {  	_ =	swait.ge [sflag:s25], $0x400  }
0x66: {  	[sflag:s25] =	ssyncset.done $0x0  }
0x67: {  	s26 =	rddreg [dreg:$0x1c];
	[sflag:s25] =	ssyncadd.s32 $0xFFFFFC00  }
0x68: {  	[spmem:s26] =	stream.linear.scatter [tilespmem:s12], [sflag:$0x6], $0x400, $0x38;
	[tilespmem:$0x1B150] =	vst v63  }
0x69: {  	_ =	swait.ge [sflag:s25], $0x400  }
0x6a: {  	[sflag:s25] =	ssyncset.done $0x0  }
0x6b: {  	s26 =	rddreg [dreg:$0x1d];
	[sflag:s25] =	ssyncadd.s32 $0xFFFFFC00  }
0x6c: {  	[spmem:s26] =	stream.linear.scatter [tilespmem:s22], [sflag:$0x6], $0x80, $0x38;
	[tilespmem:$0x1B150] =	vst v63  }
0x6d: {  	_ =	swait.ge [sflag:s25], $0x80  }
0x6e: {  	s11 =	sshrl.u32 s24, $0x1;
	s22 =	sand.u32 $0x1, s24;
	[smem:$0x7FD] =	sst s24  }
0x6f: {  	s24 =	smul.u32 $0x1400, s22;
	[sflag:s25] =	ssyncset.done $0x0;
	s26 =	rddreg [dreg:$0x11]  }
0x70: {  	s12 =	sadd.s32 s26, s11;
	[sflag:s25] =	ssyncadd.s32 $0xFFFFFF80  }
0x71: {  	[bflag:$0x0] =	sbarrier.arrive $0xFFFF;
	v2 =	vmov s24;
	v3 =	vmov s12;
	s24 =	simm.s32 $0x0  }
.LBB2_7:
0x72: {  	s26 =	rddreg [dreg:$0x9]  }
0x73: {  	s26 =	sadd.s32 s24, s26  }
0x74: {  	[tilespmem:s5], [sflag:$0x6] =	stream.linear.gather [hbm4b:s26+s5], $0x190, $0x38;
	[tilespmem:$0x1B150] =	vst v63  }
0x75: {  	_ =	swait.ge [sflag:s25], $0x190  }
0x76: {  	s26 =	rddreg [dreg:$0x8];
	[sflag:s25] =	ssyncset.done $0x0  }
0x77: {  	s11 =	rddreg [dreg:$0xa];
	[sflag:s25] =	ssyncadd.s32 $0xFFFFFE70;
	s26 =	sadd.s32 s24, s26  }
0x78: {  	[tilespmem:s11], [sflag:$0x6] =	stream.linear.gather [hbm4b:s26+s5], $0x190, $0x38;
	[tilespmem:$0x1B150] =	vst v63  }
0x79: {  	_ =	swait.ge [sflag:s25], $0x190  }
0x7a: {  	s11 =	rddreg [dreg:$0x7];
	[sflag:s25] =	ssyncset.done $0x0  }
0x7b: {  	s26 =	rddreg [dreg:$0xb];
	[sflag:s25] =	ssyncadd.s32 $0xFFFFFE70;
	s11 =	sadd.s32 s24, s11  }
0x7c: {  	[tilespmem:s26], [sflag:$0x6] =	stream.linear.gather [hbm4b:s11+s5], $0x190, $0x38;
	[tilespmem:$0x1B150] =	vst v63  }
0x7d: {  	_ =	swait.ge [sflag:s25], $0x190  }
0x7e: {  	[sflag:s25] =	ssyncset.done $0x0  }
0x7f: {  	[sflag:s25] =	ssyncadd.s32 $0xFFFFFE70  }
0x80: {  	v4 =	vld [tilespmem:$0x0]  }
0x81: {  	v5 =	vld [tilespmem:$0x190]  }
0x82: {  	v6 =	vld [tilespmem:$0x320]  }
0x83: {  	v7 =	vld [tilespmem:$0x10]  }
0x84: {  	v8 =	vld [tilespmem:$0x1A0]  }
0x85: {  	v9 =	vld [tilespmem:$0x330]  }
0x86: {  	v10 =	vld [tilespmem:$0x20]  }
0x87: {  	v11 =	vld [tilespmem:$0x1B0]  }
0x88: {  	v12 =	vld [tilespmem:$0x340]  }
0x89: {  	v13 =	vld [tilespmem:$0x30];
	v5 =	vsub.s32 v5, v2  }
0x8a: {  	v55 =	vld [tilespmem:$0x1C0];
	vm0 =	veq.s32 v6, v3;
	v5 =	vmin.u32 v5, $0x1400  }
0x8b: {  	v56 =	vld [tilespmem:$0x350];
	[tilespmem:$0x4B0] =	vst v4;
	v4 =	vnsel vm0, $0x1400, v5;
	v5 =	vsub.s32 v8, v2  }
0x8c: {  	vm4 =	veq.s32 v9, v3;
	[tilespmem:$0x640] =	vst v4;
	v4 =	vmin.u32 v5, $0x1400;
	v5 =	vld [tilespmem:$0x1D0]  }
0x8d: {  	v58 =	vld [tilespmem:$0x360];
	[tilespmem:$0x4C0] =	vst v7;
	v57 =	vsub.s32 v11, v2;
	v4 =	vnsel vm4, $0x1400, v4  }
0x8e: {  	v59 =	vld [tilespmem:$0x40];
	vm5 =	veq.s32 v12, v3;
	[tilespmem:$0x650] =	vst v4;
	v4 =	vmin.u32 v57, $0x1400  }
0x8f: {  	[tilespmem:$0x4D0] =	vst v10;
	v6 =	vsub.s32 v55, v2;
	v4 =	vnsel vm5, $0x1400, v4  }
0x90: {  	vm6 =	veq.s32 v56, v3;
	[tilespmem:$0x660] =	vst v4;
	v4 =	vmin.u32 v6, $0x1400  }
0x91: {  	[tilespmem:$0x4E0] =	vst v13;
	v4 =	vnsel vm6, $0x1400, v4;
	v5 =	vsub.s32 v5, v2  }
0x92: {  	vm7 =	veq.s32 v58, v3;
	[tilespmem:$0x670] =	vst v4;
	v4 =	vmin.u32 v5, $0x1400  }
0x93: {  	[tilespmem:$0x4F0] =	vst v59;
	v4 =	vnsel vm7, $0x1400, v4  }
0x94: {  	s26 =	rddreg [dreg:$0xc];
	[tilespmem:$0x680] =	vst v4  }
0x95: {  	[tilespmem:s29], [sflag:$0x1] =	stream.indirect.gather [hbm4b:s1+s28], $0x80, s26, s28, $0xb8;
	[tilespmem:$0x1B150] =	vst v63  }
0x96: {  	v4 =	vld [tilespmem:$0x50]  }
0x97: {  	v5 =	vld [tilespmem:$0x1E0]  }
0x98: {  	v60 =	vld [tilespmem:$0x370]  }
0x99: {  	v61 =	vld [tilespmem:$0x60]  }
0x9a: {  	v62 =	vld [tilespmem:$0x1F0]  }
0x9b: {  	v63 =	vld [tilespmem:$0x380]  }
0x9c: {  	v16 =	vld [tilespmem:$0x70]  }
0x9d: {  	v17 =	vld [tilespmem:$0x200]  }
0x9e: {  	v18 =	vld [tilespmem:$0x390]  }
0x9f: {  	v19 =	vld [tilespmem:$0x80];
	v5 =	vsub.s32 v5, v2  }
0xa0: {  	v20 =	vld [tilespmem:$0x210];
	vm8 =	veq.s32 v60, v3;
	v5 =	vmin.u32 v5, $0x1400  }
0xa1: {  	v21 =	vld [tilespmem:$0x3A0];
	[tilespmem:$0x500] =	vst v4;
	v4 =	vnsel vm8, $0x1400, v5;
	v5 =	vsub.s32 v62, v2  }
0xa2: {  	vm9 =	veq.s32 v63, v3;
	[tilespmem:$0x690] =	vst v4;
	v4 =	vmin.u32 v5, $0x1400;
	v5 =	vld [tilespmem:$0x220]  }
0xa3: {  	v23 =	vld [tilespmem:$0x3B0];
	[tilespmem:$0x510] =	vst v61;
	v22 =	vsub.s32 v17, v2;
	v4 =	vnsel vm9, $0x1400, v4  }
0xa4: {  	v24 =	vld [tilespmem:$0x90];
	vm10 =	veq.s32 v18, v3;
	[tilespmem:$0x6A0] =	vst v4;
	v4 =	vmin.u32 v22, $0x1400  }
0xa5: {  	[tilespmem:$0x520] =	vst v16;
	v6 =	vsub.s32 v20, v2;
	v4 =	vnsel vm10, $0x1400, v4  }
0xa6: {  	vm11 =	veq.s32 v21, v3;
	[tilespmem:$0x6B0] =	vst v4;
	v4 =	vmin.u32 v6, $0x1400  }
0xa7: {  	[tilespmem:$0x530] =	vst v19;
	v4 =	vnsel vm11, $0x1400, v4;
	v5 =	vsub.s32 v5, v2  }
0xa8: {  	vm12 =	veq.s32 v23, v3;
	[tilespmem:$0x6C0] =	vst v4;
	v4 =	vmin.u32 v5, $0x1400  }
0xa9: {  	[tilespmem:$0x540] =	vst v24;
	v4 =	vnsel vm12, $0x1400, v4  }
0xaa: {  	[tilespmem:$0x6D0] =	vst v4  }
0xab: {  	[tilespmem:s31], [sflag:$0x2] =	stream.indirect.gather [hbm4b:s1+s28], $0x80, s30, s28, $0xb8;
	[tilespmem:$0x1B150] =	vst v63  }
0xac: {  	v4 =	vld [tilespmem:$0xA0]  }
0xad: {  	v5 =	vld [tilespmem:$0x230]  }
0xae: {  	v25 =	vld [tilespmem:$0x3C0]  }
0xaf: {  	v26 =	vld [tilespmem:$0xB0]  }
0xb0: {  	v27 =	vld [tilespmem:$0x240]  }
0xb1: {  	v28 =	vld [tilespmem:$0x3D0]  }
0xb2: {  	v29 =	vld [tilespmem:$0xC0]  }
0xb3: {  	v30 =	vld [tilespmem:$0x250]  }
0xb4: {  	v31 =	vld [tilespmem:$0x3E0]  }
0xb5: {  	v32 =	vld [tilespmem:$0xD0];
	v5 =	vsub.s32 v5, v2  }
0xb6: {  	v33 =	vld [tilespmem:$0x260];
	vm13 =	veq.s32 v25, v3;
	v5 =	vmin.u32 v5, $0x1400  }
0xb7: {  	v34 =	vld [tilespmem:$0x3F0];
	[tilespmem:$0x550] =	vst v4;
	v4 =	vnsel vm13, $0x1400, v5;
	v5 =	vsub.s32 v27, v2  }
0xb8: {  	vm14 =	veq.s32 v28, v3;
	[tilespmem:$0x6E0] =	vst v4;
	v4 =	vmin.u32 v5, $0x1400;
	v5 =	vld [tilespmem:$0x270]  }
0xb9: {  	v36 =	vld [tilespmem:$0x400];
	[tilespmem:$0x560] =	vst v26;
	v35 =	vsub.s32 v30, v2;
	v4 =	vnsel vm14, $0x1400, v4  }
0xba: {  	v37 =	vld [tilespmem:$0xE0];
	vm15 =	veq.s32 v31, v3;
	[tilespmem:$0x6F0] =	vst v4;
	v4 =	vmin.u32 v35, $0x1400  }
0xbb: {  	[tilespmem:$0x570] =	vst v29;
	v6 =	vsub.s32 v33, v2;
	v4 =	vnsel vm15, $0x1400, v4  }
0xbc: {  	vm4 =	veq.s32 v34, v3;
	[tilespmem:$0x700] =	vst v4;
	v4 =	vmin.u32 v6, $0x1400  }
0xbd: {  	[tilespmem:$0x580] =	vst v32;
	v4 =	vnsel vm4, $0x1400, v4;
	v5 =	vsub.s32 v5, v2  }
0xbe: {  	vm5 =	veq.s32 v36, v3;
	[tilespmem:$0x710] =	vst v4;
	v4 =	vmin.u32 v5, $0x1400  }
0xbf: {  	[tilespmem:$0x590] =	vst v37;
	v4 =	vnsel vm5, $0x1400, v4  }
0xc0: {  	[tilespmem:$0x720] =	vst v4  }
0xc1: {  	[tilespmem:s23], [sflag:$0x3] =	stream.indirect.gather [hbm4b:s1+s28], $0x80, s0, s28, $0xb8;
	[tilespmem:$0x1B150] =	vst v63  }
0xc2: {  	v4 =	vld [tilespmem:$0xF0]  }
0xc3: {  	v5 =	vld [tilespmem:$0x280]  }
0xc4: {  	v38 =	vld [tilespmem:$0x410]  }
0xc5: {  	v39 =	vld [tilespmem:$0x100]  }
0xc6: {  	v40 =	vld [tilespmem:$0x290]  }
0xc7: {  	v41 =	vld [tilespmem:$0x420]  }
0xc8: {  	v42 =	vld [tilespmem:$0x110]  }
0xc9: {  	v43 =	vld [tilespmem:$0x2A0]  }
0xca: {  	v44 =	vld [tilespmem:$0x430]  }
0xcb: {  	v45 =	vld [tilespmem:$0x120];
	v5 =	vsub.s32 v5, v2  }
0xcc: {  	v46 =	vld [tilespmem:$0x2B0];
	vm6 =	veq.s32 v38, v3;
	v5 =	vmin.u32 v5, $0x1400  }
0xcd: {  	v47 =	vld [tilespmem:$0x440];
	[tilespmem:$0x5A0] =	vst v4;
	v4 =	vnsel vm6, $0x1400, v5;
	v5 =	vsub.s32 v40, v2  }
0xce: {  	vm7 =	veq.s32 v41, v3;
	[tilespmem:$0x730] =	vst v4;
	v4 =	vmin.u32 v5, $0x1400;
	v5 =	vld [tilespmem:$0x2C0]  }
0xcf: {  	v49 =	vld [tilespmem:$0x450];
	[tilespmem:$0x5B0] =	vst v39;
	v48 =	vsub.s32 v43, v2;
	v4 =	vnsel vm7, $0x1400, v4  }
0xd0: {  	v50 =	vld [tilespmem:$0x130];
	vm8 =	veq.s32 v44, v3;
	[tilespmem:$0x740] =	vst v4;
	v4 =	vmin.u32 v48, $0x1400  }
0xd1: {  	[tilespmem:$0x5C0] =	vst v42;
	v6 =	vsub.s32 v46, v2;
	v4 =	vnsel vm8, $0x1400, v4  }
0xd2: {  	vm9 =	veq.s32 v47, v3;
	[tilespmem:$0x750] =	vst v4;
	v4 =	vmin.u32 v6, $0x1400  }
0xd3: {  	[tilespmem:$0x5D0] =	vst v45;
	v4 =	vnsel vm9, $0x1400, v4;
	v5 =	vsub.s32 v5, v2  }
0xd4: {  	vm10 =	veq.s32 v49, v3;
	[tilespmem:$0x760] =	vst v4;
	v4 =	vmin.u32 v5, $0x1400  }
0xd5: {  	[tilespmem:$0x5E0] =	vst v50;
	v4 =	vnsel vm10, $0x1400, v4  }
0xd6: {  	[tilespmem:$0x770] =	vst v4  }
0xd7: {  	[tilespmem:s6], [sflag:$0x4] =	stream.indirect.gather [hbm4b:s1+s28], $0x80, s3, s28, $0xb8;
	[tilespmem:$0x1B150] =	vst v63  }
0xd8: {  	v4 =	vld [tilespmem:$0x140]  }
0xd9: {  	v5 =	vld [tilespmem:$0x2D0]  }
0xda: {  	v51 =	vld [tilespmem:$0x460]  }
0xdb: {  	v52 =	vld [tilespmem:$0x150]  }
0xdc: {  	v53 =	vld [tilespmem:$0x2E0]  }
0xdd: {  	v54 =	vld [tilespmem:$0x470]  }
0xde: {  	v55 =	vld [tilespmem:$0x160]  }
0xdf: {  	v56 =	vld [tilespmem:$0x2F0]  }
0xe0: {  	v57 =	vld [tilespmem:$0x480]  }
0xe1: {  	v58 =	vld [tilespmem:$0x170];
	v5 =	vsub.s32 v5, v2  }
0xe2: {  	v59 =	vld [tilespmem:$0x300];
	vm11 =	veq.s32 v51, v3;
	v5 =	vmin.u32 v5, $0x1400  }
0xe3: {  	v60 =	vld [tilespmem:$0x490];
	[tilespmem:$0x5F0] =	vst v4;
	v4 =	vnsel vm11, $0x1400, v5;
	v5 =	vsub.s32 v53, v2  }
0xe4: {  	vm12 =	veq.s32 v54, v3;
	[tilespmem:$0x780] =	vst v4;
	v4 =	vmin.u32 v5, $0x1400;
	v5 =	vld [tilespmem:$0x310]  }
0xe5: {  	v62 =	vld [tilespmem:$0x4A0];
	[tilespmem:$0x600] =	vst v52;
	v61 =	vsub.s32 v56, v2;
	v4 =	vnsel vm12, $0x1400, v4  }
0xe6: {  	v63 =	vld [tilespmem:$0x180];
	vm13 =	veq.s32 v57, v3;
	[tilespmem:$0x790] =	vst v4;
	v4 =	vmin.u32 v61, $0x1400  }
0xe7: {  	[tilespmem:$0x610] =	vst v55;
	v6 =	vsub.s32 v59, v2;
	v4 =	vnsel vm13, $0x1400, v4  }
0xe8: {  	vm14 =	veq.s32 v60, v3;
	[tilespmem:$0x7A0] =	vst v4;
	v4 =	vmin.u32 v6, $0x1400  }
0xe9: {  	[tilespmem:$0x620] =	vst v58;
	v4 =	vnsel vm14, $0x1400, v4;
	v5 =	vsub.s32 v5, v2  }
0xea: {  	vm15 =	veq.s32 v62, v3;
	[tilespmem:$0x7B0] =	vst v4;
	v4 =	vmin.u32 v5, $0x1400  }
0xeb: {  	[tilespmem:$0x630] =	vst v63;
	v4 =	vnsel vm15, $0x1400, v4  }
0xec: {  	[tilespmem:$0x7C0] =	vst v4  }
0xed: {  	[tilespmem:s8], [sflag:$0x5] =	stream.indirect.gather [hbm4b:s1+s28], $0x80, s7, s28, $0xb8;
	[tilespmem:$0x1B150] =	vst v63  }
0xee: {  	_ =	swait.ge [sflag:s9], $0x2800  }
0xef: {  	[sflag:s9] =	ssyncset.done $0x0  }
0xf0: {  	[sflag:s9] =	ssyncadd.s32 $0xFFFFD800  }
0xf1: {  	[spmem:s2] =	stream.indirect.scatter.add.f32 [tilespmem:s29], [sflag:$0x6], $0x80, s10, s28, $0xb8;
	[tilespmem:$0x1B150] =	vst v63  }
0xf2: {  	_ =	swait.ge [sflag:s25], $0x2800  }
0xf3: {  	[sflag:s25] =	ssyncset.done $0x0  }
0xf4: {  	[sflag:s25] =	ssyncadd.s32 $0xFFFFD800  }
0xf5: {  	[spmem:s4] =	stream.indirect.scatter.add.f32 [tilespmem:s13], [sflag:$0x6], $0x10, s10, s28, $0xb8;
	[tilespmem:$0x1B150] =	vst v63  }
0xf6: {  	_ =	swait.ge [sflag:s25], $0x500  }
0xf7: {  	[sflag:s25] =	ssyncset.done $0x0  }
0xf8: {  	[sflag:s25] =	ssyncadd.s32 $0xFFFFFB00  }
0xf9: {  	_ =	swait.ge [sflag:s14], $0x2800  }
0xfa: {  	[sflag:s14] =	ssyncset.done $0x0  }
0xfb: {  	[sflag:s14] =	ssyncadd.s32 $0xFFFFD800  }
0xfc: {  	[spmem:s2] =	stream.indirect.scatter.add.f32 [tilespmem:s31], [sflag:$0x6], $0x80, s15, s28, $0xb8;
	[tilespmem:$0x1B150] =	vst v63  }
0xfd: {  	_ =	swait.ge [sflag:s25], $0x2800  }
0xfe: {  	[sflag:s25] =	ssyncset.done $0x0  }
0xff: {  	[sflag:s25] =	ssyncadd.s32 $0xFFFFD800  }
0x100: {  	[spmem:s4] =	stream.indirect.scatter.add.f32 [tilespmem:s13], [sflag:$0x6], $0x10, s15, s28, $0xb8;
	[tilespmem:$0x1B150] =	vst v63  }
0x101: {  	_ =	swait.ge [sflag:s25], $0x500  }
0x102: {  	[sflag:s25] =	ssyncset.done $0x0  }
0x103: {  	[sflag:s25] =	ssyncadd.s32 $0xFFFFFB00  }
0x104: {  	_ =	swait.ge [sflag:s16], $0x2800  }
0x105: {  	[sflag:s16] =	ssyncset.done $0x0  }
0x106: {  	[sflag:s16] =	ssyncadd.s32 $0xFFFFD800  }
0x107: {  	[spmem:s2] =	stream.indirect.scatter.add.f32 [tilespmem:s23], [sflag:$0x6], $0x80, s17, s28, $0xb8;
	[tilespmem:$0x1B150] =	vst v63  }
0x108: {  	_ =	swait.ge [sflag:s25], $0x2800  }
0x109: {  	[sflag:s25] =	ssyncset.done $0x0  }
0x10a: {  	[sflag:s25] =	ssyncadd.s32 $0xFFFFD800  }
0x10b: {  	[spmem:s4] =	stream.indirect.scatter.add.f32 [tilespmem:s13], [sflag:$0x6], $0x10, s17, s28, $0xb8;
	[tilespmem:$0x1B150] =	vst v63  }
0x10c: {  	_ =	swait.ge [sflag:s25], $0x500  }
0x10d: {  	[sflag:s25] =	ssyncset.done $0x0  }
0x10e: {  	[sflag:s25] =	ssyncadd.s32 $0xFFFFFB00  }
0x10f: {  	_ =	swait.ge [sflag:s18], $0x2800  }
0x110: {  	[sflag:s18] =	ssyncset.done $0x0  }
0x111: {  	[sflag:s18] =	ssyncadd.s32 $0xFFFFD800  }
0x112: {  	[spmem:s2] =	stream.indirect.scatter.add.f32 [tilespmem:s6], [sflag:$0x6], $0x80, s19, s28, $0xb8;
	[tilespmem:$0x1B150] =	vst v63  }
0x113: {  	_ =	swait.ge [sflag:s25], $0x2800  }
0x114: {  	[sflag:s25] =	ssyncset.done $0x0  }
0x115: {  	[sflag:s25] =	ssyncadd.s32 $0xFFFFD800  }
0x116: {  	[spmem:s4] =	stream.indirect.scatter.add.f32 [tilespmem:s13], [sflag:$0x6], $0x10, s19, s28, $0xb8;
	[tilespmem:$0x1B150] =	vst v63  }
0x117: {  	_ =	swait.ge [sflag:s25], $0x500  }
0x118: {  	[sflag:s25] =	ssyncset.done $0x0  }
0x119: {  	[sflag:s25] =	ssyncadd.s32 $0xFFFFFB00  }
0x11a: {  	_ =	swait.ge [sflag:s20], $0x2800  }
0x11b: {  	[sflag:s20] =	ssyncset.done $0x0  }
0x11c: {  	[sflag:s20] =	ssyncadd.s32 $0xFFFFD800  }
0x11d: {  	[spmem:s2] =	stream.indirect.scatter.add.f32 [tilespmem:s8], [sflag:$0x6], $0x80, s21, s28, $0xb8;
	[tilespmem:$0x1B150] =	vst v63  }
0x11e: {  	_ =	swait.ge [sflag:s25], $0x2800  }
0x11f: {  	p0 =	sne.s32 s24, $0x992;
	[sflag:s25] =	ssyncset.done $0x0  }
.Ltmp2:
0x120: {  	[sflag:s25] =	ssyncadd.s32 $0xFFFFD800;
	(pc) =	sbr.rel @p0 .LBB2_7-.Ltmp2, $4  }
0x121: {  	[spmem:s4] =	stream.indirect.scatter.add.f32 [tilespmem:s13], [sflag:$0x6], $0x10, s21, s28, $0xb8;
	[tilespmem:$0x1B150] =	vst v63  }
0x122: {  	_ =	swait.ge [sflag:s25], $0x500  }
0x123: {  	[sflag:s25] =	ssyncset.done $0x0  }
0x124: {  	s24 =	sadd.s32 $0x32, s24;
	[sflag:s25] =	ssyncadd.s32 $0xFFFFFB00  }
0x125: {  	s11 =	smul.u32 $0xA4000, s22  }
0x126: {  	s24 =	smul.u32 $0x148000, s12  }
0x127: {  	s26 =	rddreg [dreg:$0xe];
	[bflag:$0x0] =	sbarrier.arrive $0xFFFF;
	s30 =	smov.u32 s12  }
0x128: {  	s12 =	smov.u32 s22;
	s11 =	sadd.s32 s26, s11;
	s26 =	stileid.u32  }
0x129: {  	s11 =	sadd.s32 s24, s11;
	s24 =	sshll.u32 s26, $0x6;
	s26 =	rddreg [dreg:$0xd]  }
0x12a: {  	s11 =	sshrl.u32 s11, $0x3;
	s22 =	sor.u32 $0x1C06, s24;
	s24 =	rddreg [dreg:$0x12]  }
0x12b: {  	s11 =	sadd.s32 s26, s11;
	s26 =	sshrl.u32 s24, $0x3  }
0x12c: {  	[hbm:s11], [sflag:s22] =	dma.local [spmem:s26], $0x1480  }
0x12d: {  	s11 =	smul.u32 $0x14800, s12  }
0x12e: {  	s12 =	smul.u32 $0x29000, s30;
	s26 =	rddreg [dreg:$0x10]  }
0x12f: {  	s11 =	sadd.s32 s26, s11  }
0x130: {  	_ =	swait.ge [sflag:s25], $0x1480;
	s11 =	sadd.s32 s12, s11  }
0x131: {  	s26 =	rddreg [dreg:$0xf];
	s11 =	sshrl.u32 s11, $0x3  }
0x132: {  	[sflag:s25] =	ssyncset.done $0x0;
	s11 =	sadd.s32 s26, s11;
	s26 =	rddreg [dreg:$0x13]  }
0x133: {  	[sflag:s25] =	ssyncadd.s32 $0xFFFFEB80;
	s12 =	sshrl.u32 s26, $0x3  }
0x134: {  	[hbm:s11], [sflag:s22] =	dma.local [spmem:s12], $0x290  }
0x135: {  	_ =	swait.ge [sflag:s25], $0x290  }
0x136: {  	s12 =	sld [smem:$0x7FD];
	_ =	sdelay $0x2  }
0x137: {  	s22 =	sadd.s32 $0x1, s12  }
0x138: {  	p0 =	sne.s32 s22, $0x8  }
.Ltmp3:
0x139: {  	_ = 	snop;
	(pc) =	sbr.rel @p0 .LBB2_6-.Ltmp3, $4  }
0x13a: {  	[sflag:s25] =	ssyncset.done $0x0  }
0x13b: {  	[sflag:s25] =	ssyncadd.s32 $0xFFFFFD70  }
0x13c: {  	[bflag:$0x0] =	sbarrier.arrive $0xFFFF  }
0x13d: {  	s30 =	simm.s32 $0x500  }
0x13e: {  	s12 =	rddreg [dreg:$0x1f]  }
0x13f: {  	s11 =	rddreg [dreg:$0x1e];
	s12 =	sadd.s32 $0x1, s12  }
0x140: {  	p0 =	sne.s32 s12, s11  }
.Ltmp4:
0x141: {  	_ = 	snop;
	(pc) =	sbr.rel @p0 .LBB2_1-.Ltmp4, $1  }
0x142: {  	_ =	sdelay $0x3  }
0x143: {  	_ =	sfence.sel $0x180000  }
0x144: {  	[bflag:$0x0] =	sbarrier.arrive $0xFFFF  }
0x145: {  	_ =	strace $0x90000047  }
0x146: {  	s0 =	stileid.u32;
	[bflag:$0x2] =	sbarrier.arrive $0xFFFF  }
0x147: {  	p0 =	sne.s32 s0, $0x0;
	s0 =	rddreg [dreg:$0x6]  }
0x148: {  	s0 =	sadd.s32 @!p0 $0x100000, s0  }
0x149: {  	[sflag:s0] =	ssyncadd.tile.s32 @!p0 $0x1;
	_ =	shalt  }
.Lfunc_end2:
_tile_overlayer_lowered:
.L_overlay_start_2:
0x14a: {  	(tag) =	ssettag $0x2  }
0x14b: {  	s0 =	rddreg [dreg:$0x0];
	s2 =	stileid.u32  }
0x14c: {  	s1 =	rddreg [dreg:$0x1];
	p0 =	sne.s32 s2, $0x0  }
0x14d: {  	s3 =	rddreg [dreg:$0x2];
	[bflag:$0x3] =	sbarrier.arrive $0xFFFF;
	s2 =	simm.s32 @!p0 $0x1C06  }
0x14e: {  	[timem:s3], [sflag:s2] =	dma.local @!p0 [hbm:s0], s1  }
0x14f: {  	s0 =	simm.s32 @!p0 $0x6  }
0x150: {  	_ =	swait.ge @!p0 [sflag:s0], s1  }
0x151: {  	s1 =	ssub.s32 @!p0 $0x0, s1;
	[sflag:s0] =	ssyncset.done @!p0 $0x0  }
0x152: {  	[sflag:s0] =	ssyncadd.s32 @!p0 s1  }
0x153: {  	[bflag:$0x3] =	sbarrier.arrive $0xFFFF  }
0x154: {  	_ =	shalt  }

</sc_bundles>
